<compile_context>
chip_gen: v7x
topology: tpu7x:2x2x1
jax: 0.10.2.dev20260603
libtpu: 0.0.44.dev20260713+nightly
codegen_flags: <defaults>
</compile_context>

<pallas_src>
import functools

import jax
import jax.numpy as jnp
from jax import lax
from jax.experimental import pallas as pl
from jax.experimental.pallas import tpu as pltpu
from jax.experimental.pallas import tpu_sc as plsc

VEC = 16
NSUB = 16
NCORE = 2
PBLK = 128
EBLK = 64
ZB = 40
F32 = jnp.float32
I32 = jnp.int32


def _ceil_to(x, m):
    return (x + m - 1) // m * m


def _make_prep(EP, N, R, CNT_P):
    EPW = EP // (NCORE * NSUB)
    NBLK = EPW // PBLK
    CPT = CNT_P // NSUB
    NZB = CPT // ZB
    mesh = plsc.VectorSubcoreMesh(core_axis_name="c", subcore_axis_name="s")

    @functools.partial(
        pl.kernel,
        out_type=(
            jax.ShapeDtypeStruct((NCORE, CNT_P), F32),
            jax.ShapeDtypeStruct((EP,), I32),
            jax.ShapeDtypeStruct((NCORE, EP), I32),
        ),
        mesh=mesh,
        scratch_types=[
            pltpu.VMEM((PBLK,), I32),
            pltpu.VMEM((PBLK,), I32),
            pltpu.VMEM((PBLK,), I32),
            pltpu.VMEM((PBLK,), I32),
            pltpu.VMEM((PBLK,), I32),
            pltpu.VMEM((PBLK,), F32),
            pltpu.VMEM_SHARED((CNT_P,), F32),
        ],
        compiler_params=pltpu.CompilerParams(use_tc_tiling_on_sc=False),
    )
    def prep(src_h, dst_h, et_h, cnt_h, key_h, gid_h,
             src_v, dst_v, et_v, key_v, gid_v, one_v, cnt_sp):
        c = lax.axis_index("c")
        s = lax.axis_index("s")
        wid = c * NSUB + s

        @pl.loop(0, PBLK // VEC)
        def _(j):
            one_v[pl.ds(j * VEC, VEC)] = jnp.zeros((VEC,), F32)

        @pl.loop(0, NZB)
        def _(k):
            pltpu.sync_copy(one_v.at[pl.ds(0, ZB)],
                            cnt_sp.at[pl.ds(s * CPT + k * ZB, ZB)])

        @pl.loop(0, PBLK // VEC)
        def _(j):
            one_v[pl.ds(j * VEC, VEC)] = jnp.ones((VEC,), F32)

        plsc.subcore_barrier()

        @pl.loop(0, NBLK)
        def _(b):
            e0 = wid * EPW + b * PBLK
            pltpu.sync_copy(src_h.at[pl.ds(e0, PBLK)], src_v)
            pltpu.sync_copy(dst_h.at[pl.ds(e0, PBLK)], dst_v)
            pltpu.sync_copy(et_h.at[pl.ds(e0, PBLK)], et_v)

            @pl.loop(0, PBLK // VEC)
            def _(j):
                sl = pl.ds(j * VEC, VEC)
                key_v[sl] = et_v[sl] * N + dst_v[sl]
                gid_v[sl] = src_v[sl] * 2

            pltpu.sync_copy(key_v, key_h.at[pl.ds(e0, PBLK)])
            pltpu.sync_copy(gid_v, gid_h.at[0, pl.ds(e0, PBLK)])

            @pl.loop(0, PBLK // VEC)
            def _(j):
                sl = pl.ds(j * VEC, VEC)
                gid_v[sl] = gid_v[sl] + 1

            pltpu.sync_copy(gid_v, gid_h.at[1, pl.ds(e0, PBLK)])
            pltpu.sync_copy(one_v, cnt_sp.at[key_v], add=True)

        plsc.subcore_barrier()

        @pl.loop(0, NZB)
        def _(k):
            r0 = s * CPT + k * ZB
            pltpu.sync_copy(cnt_sp.at[pl.ds(r0, ZB)], cnt_h.at[c, pl.ds(r0, ZB)])

    return prep


def _make_layer_scatter(EP, CNT_P, HD):
    EPT = EP // NSUB
    NBLK = EPT // EBLK
    CPT = CNT_P // NSUB
    NZB = CPT // ZB
    mesh = plsc.VectorSubcoreMesh(core_axis_name="c", subcore_axis_name="s")

    @functools.partial(
        pl.kernel,
        out_type=jax.ShapeDtypeStruct((NCORE, CNT_P, HD), F32),
        mesh=mesh,
        scratch_types=[
            pltpu.VMEM((EBLK,), I32),
            pltpu.VMEM((EBLK,), I32),
            pltpu.VMEM((EBLK, HD), F32),
            pltpu.VMEM((EBLK, HD), F32),
            pltpu.VMEM_SHARED((CNT_P, HD), F32),
        ],
        compiler_params=pltpu.CompilerParams(use_tc_tiling_on_sc=False),
    )
    def layer_scatter(xr_h, ew_h, gid_h, key_h, out_h,
                      gid_v, key_v, x_v, ew_v, acc):
        c = lax.axis_index("c")
        s = lax.axis_index("s")

        @pl.loop(0, EBLK)
        def _(i):
            for j in range(HD // VEC):
                ew_v[i, pl.ds(j * VEC, VEC)] = jnp.zeros((VEC,), F32)

        @pl.loop(0, NZB)
        def _(k):
            pltpu.sync_copy(ew_v.at[pl.ds(0, ZB)],
                            acc.at[pl.ds(s * CPT + k * ZB, ZB)])

        plsc.subcore_barrier()

        @pl.loop(0, NBLK)
        def _(b):
            e0 = s * EPT + b * EBLK
            pltpu.sync_copy(gid_h.at[c, pl.ds(e0, EBLK)], gid_v)
            pltpu.sync_copy(key_h.at[pl.ds(e0, EBLK)], key_v)
            pltpu.sync_copy(ew_h.at[c, pl.ds(e0, EBLK)], ew_v)
            pltpu.sync_copy(xr_h.at[gid_v], x_v)

            @pl.loop(0, EBLK)
            def _(i):
                for j in range(HD // VEC):
                    sl = pl.ds(j * VEC, VEC)
                    x_v[i, sl] = jnp.maximum(x_v[i, sl] * ew_v[i, sl], 0.0)

            pltpu.sync_copy(x_v, acc.at[key_v], add=True)

        plsc.subcore_barrier()

        @pl.loop(0, NZB)
        def _(k):
            r0 = s * CPT + k * ZB
            pltpu.sync_copy(acc.at[pl.ds(r0, ZB)], out_h.at[c, pl.ds(r0, ZB)])

    return layer_scatter


def _mlp_body(ea_ref, w_ref, b_ref, out_ref):
    ew = lax.dot_general(ea_ref[...], w_ref[...], (((1,), (1,)), ((), ())),
                         preferred_element_type=F32,
                         precision=lax.Precision.HIGHEST)
    ew = ew + b_ref[...]
    hd = out_ref.shape[2]
    out_ref[0] = ew[:, :hd]
    out_ref[1] = ew[:, hd:]


def _update_body(x_ref, root_ref, bias_ref, wcat_ref,
                 a00, a01, a02, a10, a11, a12,
                 c00, c01, c02, c10, c11, c12, out_ref):
    xb = x_ref[...]
    out = lax.dot_general(xb, root_ref[...], (((1,), (0,)), ((), ())),
                          preferred_element_type=F32,
                          precision=lax.Precision.HIGHEST)
    out = out + bias_ref[...]
    accs = ((a00, a01, a02), (a10, a11, a12))
    cnts = ((c00, c01, c02), (c10, c11, c12))
    for r in range(3):
        cnt = jnp.maximum(cnts[0][r][0] + cnts[1][r][0], 1.0)
        for c in range(2):
            h = accs[c][r][0] / cnt
            out = out + lax.dot_general(
                h, wcat_ref[c, r], (((1,), (0,)), ((), ())),
                preferred_element_type=F32,
                precision=lax.Precision.HIGHEST)
    out_ref[...] = xb + jnp.maximum(out, 0.0)


def kernel(x, edge_index, edge_attrs, edge_nn_W, edge_nn_b, weights, roots,
           biases):
    N, D = x.shape
    E = edge_index.shape[1]
    L, R = weights.shape[0], weights.shape[1]
    HD = D // 2

    EP = _ceil_to(E, NCORE * NSUB * PBLK)
    CNT_P = _ceil_to(R * N + 1, NSUB * ZB)

    src = edge_index[0].astype(I32)
    dst = edge_index[1].astype(I32)
    et = edge_attrs[:, 0].astype(I32)
    ea = edge_attrs[:, 1:]

    pad = EP - E
    src_p = jnp.pad(src, (0, pad))
    dst_p = jnp.pad(dst, (0, pad))
    et_p = jnp.pad(et, (0, pad), constant_values=R)
    ea_p = jnp.pad(ea, ((0, pad), (0, 0)))

    cnt_part, keys, gids = _make_prep(EP, N, R, CNT_P)(src_p, dst_p, et_p)
    cnt3 = cnt_part.reshape(NCORE, CNT_P, 1)

    BE = 512
    ew2 = pl.pallas_call(
        _mlp_body,
        grid=(EP // BE,),
        in_specs=[
            pl.BlockSpec((BE, ea_p.shape[1]), lambda i: (i, 0)),
            pl.BlockSpec(edge_nn_W.shape, lambda i: (0, 0)),
            pl.BlockSpec((1, D), lambda i: (0, 0)),
        ],
        out_specs=pl.BlockSpec((NCORE, BE, HD), lambda i: (0, i, 0)),
        out_shape=jax.ShapeDtypeStruct((NCORE, EP, HD), F32),
    )(ea_p, edge_nn_W, edge_nn_b.reshape(1, D))

    wcat = jnp.transpose(weights.reshape(L, R, NCORE, HD, D), (0, 2, 1, 3, 4))

    layer_scatter = _make_layer_scatter(EP, CNT_P, HD)

    BM = 400
    NB = N // BM
    acc_specs = [
        pl.BlockSpec((1, BM, HD), lambda i, c=c, r=r: (c, r * NB + i, 0))
        for c in range(NCORE) for r in range(R)
    ]
    cnt_specs = [
        pl.BlockSpec((1, BM, 1), lambda i, c=c, r=r: (c, r * NB + i, 0))
        for c in range(NCORE) for r in range(R)
    ]
    update_call = pl.pallas_call(
        _update_body,
        grid=(NB,),
        in_specs=[
            pl.BlockSpec((BM, D), lambda i: (i, 0)),
            pl.BlockSpec((D, D), lambda i: (0, 0)),
            pl.BlockSpec((1, D), lambda i: (0, 0)),
            pl.BlockSpec((NCORE, R, HD, D), lambda i: (0, 0, 0, 0)),
        ] + acc_specs + cnt_specs,
        out_specs=pl.BlockSpec((BM, D), lambda i: (i, 0)),
        out_shape=jax.ShapeDtypeStruct((N, D), F32),
    )

    xcur = x
    for l in range(L):
        xr = xcur.reshape(2 * N, HD)
        acc = layer_scatter(xr, ew2, gids, keys)
        xcur = update_call(xcur, roots[l], biases[l].reshape(1, D), wcat[l],
                           acc, acc, acc, acc, acc, acc,
                           cnt3, cnt3, cnt3, cnt3, cnt3, cnt3)
    return xcur

# --- scband reference (transcript-rebuilt; emitter-appended) ---
"""Pipeline reference for scband-gcn-62105227100702 (READ-ONLY COPY).

The authoritative reference and input builder live on the scoring server;
editing this copy changes nothing except your own understanding.
"""

import jax, jax.numpy as jnp
import numpy as np

N = 10000
E = 160000
D = 128
ND = 32
R = 3
L = 3


def setup_inputs(seed: int = 0):
    key = jax.random.key(seed)
    ks = jax.random.split(key, 10)
    x = jax.random.normal(ks[0], (N, D), dtype=jnp.float32)
    edge_index = jax.random.randint(ks[1], (2, E), 0, N)
    # edge_attrs: column 0 is the integer edge_type in [0, R), columns 1: are the
    # num_dists=32 continuous edge features fed to the shared edge MLP (nn.Linear).
    et = jax.random.randint(ks[2], (E,), 0, R).astype(jnp.float32)
    ea = jax.random.uniform(ks[3], (E, ND), dtype=jnp.float32)
    edge_attrs = jnp.concatenate([et[:, None], ea], axis=1)
    # shared edge_nn = nn.Linear(num_dists, input_dim); shared across all 3 GCL layers
    edge_nn_W = jax.random.normal(ks[4], (D, ND), dtype=jnp.float32) * (1.0 / np.sqrt(ND))
    edge_nn_b = jnp.zeros((D,), dtype=jnp.float32)
    # per-layer RGCN params: weight [R, D, D], root [D, D], bias [D]
    weights = jax.random.normal(ks[5], (L, R, D, D), dtype=jnp.float32) * (1.0 / np.sqrt(D))
    roots = jax.random.normal(ks[6], (L, D, D), dtype=jnp.float32) * (1.0 / np.sqrt(D))
    biases = jnp.zeros((L, D), dtype=jnp.float32)
    return {"x": x, "edge_index": edge_index, "edge_attrs": edge_attrs,
            "edge_nn_W": edge_nn_W, "edge_nn_b": edge_nn_b,
            "weights": weights, "roots": roots, "biases": biases}


def reference(x, edge_index, edge_attrs, edge_nn_W, edge_nn_b, weights, roots, biases):
    # eval mode: all dropouts are no-ops
    n = x.shape[0]
    edge_type = edge_attrs[:, 0]
    edge_attr = edge_attrs[:, 1:]
    src = edge_index[0]
    dst = edge_index[1]
    # shared edge_nn applied to edge features; GCL.message takes [..., :in_channels_l]
    ew = (edge_attr @ edge_nn_W.T + edge_nn_b)[:, :D]
    for l in range(L):
        residual = x
        x_j = x[src]  # gather source node features (flow: source_to_target)
        out = jnp.zeros((n, D), dtype=x.dtype)
        for r in range(R):
            mask = (edge_type == r).astype(x.dtype)
            # message: relu(x_j * nn(edge_attr)); masked to edges of relation r
            msg = jax.nn.relu(x_j * ew) * mask[:, None]
            # RGCNConv default aggr='mean' over edges of this relation per dst node
            s = jnp.zeros((n, D), dtype=x.dtype).at[dst].add(msg)
            cnt = jnp.zeros((n,), dtype=x.dtype).at[dst].add(mask)
            h = s / jnp.maximum(cnt, 1.0)[:, None]
            out = out + h @ weights[l, r]
        out = out + x @ roots[l] + biases[l]
        x = residual + jax.nn.relu(out)
    return x

if __name__ == "__main__":
    import jax
    _d = setup_inputs()
    print(jax.jit(kernel)(*tuple(_d.values())))

</pallas_src>

<mosaic_0001>
#map = affine_map<(d0, d1) -> (0, 0)>
#map1 = affine_map<(d0, d1) -> (0, 0, 0)>
#map2 = affine_map<(d0, d1) -> (0)>
module attributes {stable_mosaic.version = 14 : i64} {
  func.func @layer_scatter(%arg0: i32, %arg1: i32, %arg2: memref<20000x64xf32, #tpu.memory_space<hbm>>, %arg3: memref<2x163840x64xf32, #tpu.memory_space<hbm>>, %arg4: memref<2x163840xi32, #tpu.memory_space<hbm>>, %arg5: memref<163840xi32, #tpu.memory_space<hbm>>, %arg6: memref<2x30080x64xf32, #tpu.memory_space<hbm>>, %arg7: memref<64xi32, #tpu.memory_space<vmem>>, %arg8: memref<64xi32, #tpu.memory_space<vmem>>, %arg9: memref<64x64xf32, #tpu.memory_space<vmem>>, %arg10: memref<64x64xf32, #tpu.memory_space<vmem>>, %arg11: memref<30080x64xf32, #tpu.memory_space<vmem_shared>>) attributes {dimension_semantics = [#tpu.dimension_semantics<core_parallel>, #tpu.dimension_semantics<subcore_parallel>], iteration_bounds = array<i64: 2, 16>, scalar_prefetch = 0 : i64, scratch_operands = 5 : i64, tpu.core_type = #tpu.core_type<sc_vector_subcore>, window_params = [{transform_indices = #map}, {transform_indices = #map1}, {transform_indices = #map}, {transform_indices = #map2}, {transform_indices = #map1}]} {
    %scan3A = arith.constant 0 : i32
    %scan3A_0 = arith.constant 64 : i32
    %scan3A_1 = arith.addi %scan3A, %scan3A_0 : i32
    %scan3A_2 = arith.constant 1 : i32
    scf.for %scan3A_20 = %scan3A to %scan3A_1 step %scan3A_2  : i32 {
      %mul3A = arith.constant 1 : i32
      %mul3A_21 = arith.muli %scan3A_20, %mul3A : i32
      %add3A = arith.constant 0 : i32
      %add3A_22 = arith.addi %add3A, %mul3A_21 : i32
      %broadcast_in_dim3A = arith.constant 0.000000e+00 : f32
      %broadcast_in_dim3A_23 = vector.broadcast %broadcast_in_dim3A : f32 to vector<16xf32>
      %swap3A = arith.index_cast %add3A_22 : i32 to index
      %swap3A_24 = arith.constant 0 : index
      %swap3A_25 = tpu.vector_load %arg10[%swap3A, %swap3A_24] {strides = array<i32>} : memref<64x64xf32, #tpu.memory_space<vmem>>, vector<1x16xf32>,
      %swap3A_26 = vector.shape_cast %swap3A_25 : vector<1x16xf32> to vector<16xf32>
      %swap3A_27 = vector.shape_cast %broadcast_in_dim3A_23 : vector<16xf32> to vector<1x16xf32>
      tpu.vector_store %arg10[%swap3A, %swap3A_24], %swap3A_27 {strides = array<i32>} : memref<64x64xf32, #tpu.memory_space<vmem>>, vector<1x16xf32>,
      %broadcast_in_dim3A_28 = arith.constant 0.000000e+00 : f32
      %broadcast_in_dim3A_29 = vector.broadcast %broadcast_in_dim3A_28 : f32 to vector<16xf32>
      %swap3A_30 = arith.index_cast %add3A_22 : i32 to index
      %swap3A_31 = arith.constant 16 : index
      %swap3A_32 = tpu.vector_load %arg10[%swap3A_30, %swap3A_31] {strides = array<i32>} : memref<64x64xf32, #tpu.memory_space<vmem>>, vector<1x16xf32>,
      %swap3A_33 = vector.shape_cast %swap3A_32 : vector<1x16xf32> to vector<16xf32>
      %swap3A_34 = vector.shape_cast %broadcast_in_dim3A_29 : vector<16xf32> to vector<1x16xf32>
      tpu.vector_store %arg10[%swap3A_30, %swap3A_31], %swap3A_34 {strides = array<i32>} : memref<64x64xf32, #tpu.memory_space<vmem>>, vector<1x16xf32>,
      %broadcast_in_dim3A_35 = arith.constant 0.000000e+00 : f32
      %broadcast_in_dim3A_36 = vector.broadcast %broadcast_in_dim3A_35 : f32 to vector<16xf32>
      %swap3A_37 = arith.index_cast %add3A_22 : i32 to index
      %swap3A_38 = arith.constant 32 : index
      %swap3A_39 = tpu.vector_load %arg10[%swap3A_37, %swap3A_38] {strides = array<i32>} : memref<64x64xf32, #tpu.memory_space<vmem>>, vector<1x16xf32>,
      %swap3A_40 = vector.shape_cast %swap3A_39 : vector<1x16xf32> to vector<16xf32>
      %swap3A_41 = vector.shape_cast %broadcast_in_dim3A_36 : vector<16xf32> to vector<1x16xf32>
      tpu.vector_store %arg10[%swap3A_37, %swap3A_38], %swap3A_41 {strides = array<i32>} : memref<64x64xf32, #tpu.memory_space<vmem>>, vector<1x16xf32>,
      %broadcast_in_dim3A_42 = arith.constant 0.000000e+00 : f32
      %broadcast_in_dim3A_43 = vector.broadcast %broadcast_in_dim3A_42 : f32 to vector<16xf32>
      %swap3A_44 = arith.index_cast %add3A_22 : i32 to index
      %swap3A_45 = arith.constant 48 : index
      %swap3A_46 = tpu.vector_load %arg10[%swap3A_44, %swap3A_45] {strides = array<i32>} : memref<64x64xf32, #tpu.memory_space<vmem>>, vector<1x16xf32>,
      %swap3A_47 = vector.shape_cast %swap3A_46 : vector<1x16xf32> to vector<16xf32>
      %swap3A_48 = vector.shape_cast %broadcast_in_dim3A_43 : vector<16xf32> to vector<1x16xf32>
      tpu.vector_store %arg10[%swap3A_44, %swap3A_45], %swap3A_48 {strides = array<i32>} : memref<64x64xf32, #tpu.memory_space<vmem>>, vector<1x16xf32>,
    }
    %scan3A_3 = arith.constant 64 : i32
    %scan3A_4 = arith.constant 0 : i32
    %scan3A_5 = arith.constant 47 : i32
    %scan3A_6 = arith.addi %scan3A_4, %scan3A_5 : i32
    %scan3A_7 = arith.constant 1 : i32
    scf.for %scan3A_20 = %scan3A_4 to %scan3A_6 step %scan3A_7  : i32 {
      %mul3A = arith.constant 1 : i32
      %mul3A_21 = arith.muli %scan3A_20, %mul3A : i32
      %add3A = arith.constant 0 : i32
      %add3A_22 = arith.addi %add3A, %mul3A_21 : i32
      %mul3A_23 = arith.constant 1880 : i32
      %mul3A_24 = arith.muli %arg1, %mul3A_23 : i32
      %mul3A_25 = arith.constant 40 : i32
      %mul3A_26 = arith.muli %add3A_22, %mul3A_25 : i32
      %add3A_27 = arith.addi %mul3A_24, %mul3A_26 : i32
      "tpu.region"() ({
        %run_scoped3A = tpu.sem_alloc : memref<!tpu.dma_semaphore, #tpu.memory_space<semaphore_mem>>
        %dma_start3A = arith.constant 0 : i32
        %dma_start3A_28 = arith.constant 0 : i32
        %dma_start3A_29 = tpu.memref_slice %arg10[%dma_start3A, %dma_start3A_28] : memref<64x64xf32, #tpu.memory_space<vmem>> -> memref<40x64xf32, #tpu.memory_space<vmem>>
        %dma_start3A_30 = arith.constant 0 : i32
        %dma_start3A_31 = tpu.memref_slice %arg11[%add3A_27, %dma_start3A_30] : memref<30080x64xf32, #tpu.memory_space<vmem_shared>> -> memref<40x64xf32, #tpu.memory_space<vmem_shared>>
        %dma_start3A_32 = arith.constant 0 : i32
        %dma_start3A_33 = tpu.memref_slice %arg11[%add3A_27, %dma_start3A_32] : memref<30080x64xf32, #tpu.memory_space<vmem_shared>> -> memref<40x64xf32, #tpu.memory_space<vmem_shared>>
        %dma_start3A_34 = arith.constant 0 : i32
        %dma_start3A_35 = arith.constant 0 : i32
        %dma_start3A_36 = tpu.memref_slice %arg10[%dma_start3A_34, %dma_start3A_35] : memref<64x64xf32, #tpu.memory_space<vmem>> -> memref<40x64xf32, #tpu.memory_space<vmem>>
        tpu.enqueue_dma source(%dma_start3A_36 : memref<40x64xf32, #tpu.memory_space<vmem>>) target(%dma_start3A_33 : memref<40x64xf32, #tpu.memory_space<vmem_shared>>) target_semaphore(%run_scoped3A : memref<!tpu.dma_semaphore, #tpu.memory_space<semaphore_mem>>)
        %dma_wait3A = arith.constant 0 : i32
        %dma_wait3A_37 = arith.constant 0 : i32
        %dma_wait3A_38 = tpu.memref_slice %arg10[%dma_wait3A, %dma_wait3A_37] : memref<64x64xf32, #tpu.memory_space<vmem>> -> memref<40x64xf32, #tpu.memory_space<vmem>>
        %dma_wait3A_39 = arith.constant 0 : i32
        %dma_wait3A_40 = tpu.memref_slice %arg11[%add3A_27, %dma_wait3A_39] : memref<30080x64xf32, #tpu.memory_space<vmem_shared>> -> memref<40x64xf32, #tpu.memory_space<vmem_shared>>
        %dma_wait3A_41 = arith.constant 0 : i32
        %dma_wait3A_42 = tpu.memref_slice %arg11[%add3A_27, %dma_wait3A_41] : memref<30080x64xf32, #tpu.memory_space<vmem_shared>> -> memref<40x64xf32, #tpu.memory_space<vmem_shared>>
        %dma_wait3A_43 = arith.constant 0 : i32
        %dma_wait3A_44 = arith.constant 0 : i32
        %dma_wait3A_45 = tpu.memref_slice %arg10[%dma_wait3A_43, %dma_wait3A_44] : memref<64x64xf32, #tpu.memory_space<vmem>> -> memref<40x64xf32, #tpu.memory_space<vmem>>
        tpu.wait_dma2 semaphore(%run_scoped3A : memref<!tpu.dma_semaphore, #tpu.memory_space<semaphore_mem>>) src(%dma_wait3A_45 : memref<40x64xf32, #tpu.memory_space<vmem>>) dst(%dma_wait3A_42 : memref<40x64xf32, #tpu.memory_space<vmem_shared>>)
        tpu.yield
      }) : () -> ()
    }
    %scan3A_8 = arith.constant 47 : i32
    %barrier3A = arith.constant 0 : index
    tpu.barrier barrier_id(%barrier3A)
    %scan3A_9 = arith.constant 0 : i32
    %scan3A_10 = arith.constant 160 : i32
    %scan3A_11 = arith.addi %scan3A_9, %scan3A_10 : i32
    %scan3A_12 = arith.constant 1 : i32
    scf.for %scan3A_20 = %scan3A_9 to %scan3A_11 step %scan3A_12  : i32 {
      %mul3A = arith.constant 1 : i32
      %mul3A_21 = arith.muli %scan3A_20, %mul3A : i32
      %add3A = arith.constant 0 : i32
      %add3A_22 = arith.addi %add3A, %mul3A_21 : i32
      %mul3A_23 = arith.constant 10240 : i32
      %mul3A_24 = arith.muli %arg1, %mul3A_23 : i32
      %mul3A_25 = arith.constant 64 : i32
      %mul3A_26 = arith.muli %add3A_22, %mul3A_25 : i32
      %add3A_27 = arith.addi %mul3A_24, %mul3A_26 : i32
      "tpu.region"() ({
        %run_scoped3A = tpu.sem_alloc : memref<!tpu.dma_semaphore, #tpu.memory_space<semaphore_mem>>
        %dma_start3A = tpu.memref_slice %arg4[%arg0, %add3A_27] : memref<2x163840xi32, #tpu.memory_space<hbm>> -> memref<1x64xi32, #tpu.memory_space<hbm>>
        %dma_start3A_33 = tpu.memref_squeeze %dma_start3A : memref<1x64xi32, #tpu.memory_space<hbm>> -> memref<64xi32, #tpu.memory_space<hbm>>
        %dma_start3A_34 = tpu.memref_slice %arg4[%arg0, %add3A_27] : memref<2x163840xi32, #tpu.memory_space<hbm>> -> memref<1x64xi32, #tpu.memory_space<hbm>>
        %dma_start3A_35 = tpu.memref_squeeze %dma_start3A_34 : memref<1x64xi32, #tpu.memory_space<hbm>> -> memref<64xi32, #tpu.memory_space<hbm>>
        tpu.enqueue_dma source(%dma_start3A_35 : memref<64xi32, #tpu.memory_space<hbm>>) target(%arg7 : memref<64xi32, #tpu.memory_space<vmem>>) target_semaphore(%run_scoped3A : memref<!tpu.dma_semaphore, #tpu.memory_space<semaphore_mem>>)
        %dma_wait3A = tpu.memref_slice %arg4[%arg0, %add3A_27] : memref<2x163840xi32, #tpu.memory_space<hbm>> -> memref<1x64xi32, #tpu.memory_space<hbm>>
        %dma_wait3A_36 = tpu.memref_squeeze %dma_wait3A : memref<1x64xi32, #tpu.memory_space<hbm>> -> memref<64xi32, #tpu.memory_space<hbm>>
        %dma_wait3A_37 = tpu.memref_slice %arg4[%arg0, %add3A_27] : memref<2x163840xi32, #tpu.memory_space<hbm>> -> memref<1x64xi32, #tpu.memory_space<hbm>>
        %dma_wait3A_38 = tpu.memref_squeeze %dma_wait3A_37 : memref<1x64xi32, #tpu.memory_space<hbm>> -> memref<64xi32, #tpu.memory_space<hbm>>
        tpu.wait_dma2 semaphore(%run_scoped3A : memref<!tpu.dma_semaphore, #tpu.memory_space<semaphore_mem>>) src(%dma_wait3A_38 : memref<64xi32, #tpu.memory_space<hbm>>) dst(%arg7 : memref<64xi32, #tpu.memory_space<vmem>>)
        tpu.yield
      }) : () -> ()
      "tpu.region"() ({
        %run_scoped3A = tpu.sem_alloc : memref<!tpu.dma_semaphore, #tpu.memory_space<semaphore_mem>>
        %dma_start3A = tpu.memref_slice %arg5[%add3A_27] : memref<163840xi32, #tpu.memory_space<hbm>> -> memref<64xi32, #tpu.memory_space<hbm>>
        %dma_start3A_33 = tpu.memref_slice %arg5[%add3A_27] : memref<163840xi32, #tpu.memory_space<hbm>> -> memref<64xi32, #tpu.memory_space<hbm>>
        tpu.enqueue_dma source(%dma_start3A_33 : memref<64xi32, #tpu.memory_space<hbm>>) target(%arg8 : memref<64xi32, #tpu.memory_space<vmem>>) target_semaphore(%run_scoped3A : memref<!tpu.dma_semaphore, #tpu.memory_space<semaphore_mem>>)
        %dma_wait3A = tpu.memref_slice %arg5[%add3A_27] : memref<163840xi32, #tpu.memory_space<hbm>> -> memref<64xi32, #tpu.memory_space<hbm>>
        %dma_wait3A_34 = tpu.memref_slice %arg5[%add3A_27] : memref<163840xi32, #tpu.memory_space<hbm>> -> memref<64xi32, #tpu.memory_space<hbm>>
        tpu.wait_dma2 semaphore(%run_scoped3A : memref<!tpu.dma_semaphore, #tpu.memory_space<semaphore_mem>>) src(%dma_wait3A_34 : memref<64xi32, #tpu.memory_space<hbm>>) dst(%arg8 : memref<64xi32, #tpu.memory_space<vmem>>)
        tpu.yield
      }) : () -> ()
      "tpu.region"() ({
        %run_scoped3A = tpu.sem_alloc : memref<!tpu.dma_semaphore, #tpu.memory_space<semaphore_mem>>
        %dma_start3A = arith.constant 0 : i32
        %dma_start3A_33 = tpu.memref_slice %arg3[%arg0, %add3A_27, %dma_start3A] : memref<2x163840x64xf32, #tpu.memory_space<hbm>> -> memref<1x64x64xf32, #tpu.memory_space<hbm>>
        %dma_start3A_34 = tpu.memref_squeeze %dma_start3A_33 : memref<1x64x64xf32, #tpu.memory_space<hbm>> -> memref<64x64xf32, #tpu.memory_space<hbm>>
        %dma_start3A_35 = arith.constant 0 : i32
        %dma_start3A_36 = tpu.memref_slice %arg3[%arg0, %add3A_27, %dma_start3A_35] : memref<2x163840x64xf32, #tpu.memory_space<hbm>> -> memref<1x64x64xf32, #tpu.memory_space<hbm>>
        %dma_start3A_37 = tpu.memref_squeeze %dma_start3A_36 : memref<1x64x64xf32, #tpu.memory_space<hbm>> -> memref<64x64xf32, #tpu.memory_space<hbm>>
        tpu.enqueue_dma source(%dma_start3A_37 : memref<64x64xf32, #tpu.memory_space<hbm>>) target(%arg10 : memref<64x64xf32, #tpu.memory_space<vmem>>) target_semaphore(%run_scoped3A : memref<!tpu.dma_semaphore, #tpu.memory_space<semaphore_mem>>)
        %dma_wait3A = arith.constant 0 : i32
        %dma_wait3A_38 = tpu.memref_slice %arg3[%arg0, %add3A_27, %dma_wait3A] : memref<2x163840x64xf32, #tpu.memory_space<hbm>> -> memref<1x64x64xf32, #tpu.memory_space<hbm>>
        %dma_wait3A_39 = tpu.memref_squeeze %dma_wait3A_38 : memref<1x64x64xf32, #tpu.memory_space<hbm>> -> memref<64x64xf32, #tpu.memory_space<hbm>>
        %dma_wait3A_40 = arith.constant 0 : i32
        %dma_wait3A_41 = tpu.memref_slice %arg3[%arg0, %add3A_27, %dma_wait3A_40] : memref<2x163840x64xf32, #tpu.memory_space<hbm>> -> memref<1x64x64xf32, #tpu.memory_space<hbm>>
        %dma_wait3A_42 = tpu.memref_squeeze %dma_wait3A_41 : memref<1x64x64xf32, #tpu.memory_space<hbm>> -> memref<64x64xf32, #tpu.memory_space<hbm>>
        tpu.wait_dma2 semaphore(%run_scoped3A : memref<!tpu.dma_semaphore, #tpu.memory_space<semaphore_mem>>) src(%dma_wait3A_42 : memref<64x64xf32, #tpu.memory_space<hbm>>) dst(%arg10 : memref<64x64xf32, #tpu.memory_space<vmem>>)
        tpu.yield
      }) : () -> ()
      "tpu.region"() ({
        %run_scoped3A = tpu.sem_alloc : memref<!tpu.dma_semaphore, #tpu.memory_space<semaphore_mem>>
        %dma_start3A = arith.constant 0 : i32
        %dma_start3A_33 = arith.constant 0 : i32
        %dma_start3A_34 = tpu.memref_slice %arg2[%dma_start3A, %dma_start3A_33] : memref<20000x64xf32, #tpu.memory_space<hbm>> -> memref<20000x64xf32, #tpu.memory_space<hbm>>
        tpu.enqueue_indirect_dma source(%dma_start3A_34 : memref<20000x64xf32, #tpu.memory_space<hbm>>) target(%arg9 : memref<64x64xf32, #tpu.memory_space<vmem>>) offsets(%arg7 : memref<64xi32, #tpu.memory_space<vmem>>) semaphore(%run_scoped3A : memref<!tpu.dma_semaphore, #tpu.memory_space<semaphore_mem>>)
        %dma_wait3A = arith.constant 0 : i32
        %dma_wait3A_35 = arith.constant 0 : i32
        %dma_wait3A_36 = tpu.memref_slice %arg2[%dma_wait3A, %dma_wait3A_35] : memref<20000x64xf32, #tpu.memory_space<hbm>> -> memref<20000x64xf32, #tpu.memory_space<hbm>>
        tpu.wait_indirect_dma semaphore(%run_scoped3A : memref<!tpu.dma_semaphore, #tpu.memory_space<semaphore_mem>>) src(%dma_wait3A_36 : memref<20000x64xf32, #tpu.memory_space<hbm>>) dst(%arg9 : memref<64x64xf32, #tpu.memory_space<vmem>>)
        tpu.yield
      }) : () -> ()
      %scan3A_28 = arith.constant 0 : i32
      %scan3A_29 = arith.constant 64 : i32
      %scan3A_30 = arith.addi %scan3A_28, %scan3A_29 : i32
      %scan3A_31 = arith.constant 1 : i32
      scf.for %scan3A_33 = %scan3A_28 to %scan3A_30 step %scan3A_31  : i32 {
        %mul3A_34 = arith.constant 1 : i32
        %mul3A_35 = arith.muli %scan3A_33, %mul3A_34 : i32
        %add3A_36 = arith.constant 0 : i32
        %add3A_37 = arith.addi %add3A_36, %mul3A_35 : i32
        %get3A = arith.index_cast %add3A_37 : i32 to index
        %get3A_38 = arith.constant 0 : index
        %get3A_39 = tpu.vector_load %arg9[%get3A, %get3A_38] {strides = array<i32>} : memref<64x64xf32, #tpu.memory_space<vmem>>, vector<1x16xf32>,
        %get3A_40 = vector.shape_cast %get3A_39 : vector<1x16xf32> to vector<16xf32>
        %get3A_41 = arith.index_cast %add3A_37 : i32 to index
        %get3A_42 = arith.constant 0 : index
        %get3A_43 = tpu.vector_load %arg10[%get3A_41, %get3A_42] {strides = array<i32>} : memref<64x64xf32, #tpu.memory_space<vmem>>, vector<1x16xf32>,
        %get3A_44 = vector.shape_cast %get3A_43 : vector<1x16xf32> to vector<16xf32>
        %mul3A_45 = arith.mulf %get3A_40, %get3A_44 : vector<16xf32>
        %max3A = arith.constant 0.000000e+00 : f32
        %max3A_46 = vector.broadcast %max3A : f32 to vector<16xf32>
        %max3A_47 = arith.maximumf %mul3A_45, %max3A_46 : vector<16xf32>
        %swap3A = arith.index_cast %add3A_37 : i32 to index
        %swap3A_48 = arith.constant 0 : index
        %swap3A_49 = tpu.vector_load %arg9[%swap3A, %swap3A_48] {strides = array<i32>} : memref<64x64xf32, #tpu.memory_space<vmem>>, vector<1x16xf32>,
        %swap3A_50 = vector.shape_cast %swap3A_49 : vector<1x16xf32> to vector<16xf32>
        %swap3A_51 = vector.shape_cast %max3A_47 : vector<16xf32> to vector<1x16xf32>
        tpu.vector_store %arg9[%swap3A, %swap3A_48], %swap3A_51 {strides = array<i32>} : memref<64x64xf32, #tpu.memory_space<vmem>>, vector<1x16xf32>,
        %get3A_52 = arith.index_cast %add3A_37 : i32 to index
        %get3A_53 = arith.constant 16 : index
        %get3A_54 = tpu.vector_load %arg9[%get3A_52, %get3A_53] {strides = array<i32>} : memref<64x64xf32, #tpu.memory_space<vmem>>, vector<1x16xf32>,
        %get3A_55 = vector.shape_cast %get3A_54 : vector<1x16xf32> to vector<16xf32>
        %get3A_56 = arith.index_cast %add3A_37 : i32 to index
        %get3A_57 = arith.constant 16 : index
        %get3A_58 = tpu.vector_load %arg10[%get3A_56, %get3A_57] {strides = array<i32>} : memref<64x64xf32, #tpu.memory_space<vmem>>, vector<1x16xf32>,
        %get3A_59 = vector.shape_cast %get3A_58 : vector<1x16xf32> to vector<16xf32>
        %mul3A_60 = arith.mulf %get3A_55, %get3A_59 : vector<16xf32>
        %max3A_61 = arith.constant 0.000000e+00 : f32
        %max3A_62 = vector.broadcast %max3A_61 : f32 to vector<16xf32>
        %max3A_63 = arith.maximumf %mul3A_60, %max3A_62 : vector<16xf32>
        %swap3A_64 = arith.index_cast %add3A_37 : i32 to index
        %swap3A_65 = arith.constant 16 : index
        %swap3A_66 = tpu.vector_load %arg9[%swap3A_64, %swap3A_65] {strides = array<i32>} : memref<64x64xf32, #tpu.memory_space<vmem>>, vector<1x16xf32>,
        %swap3A_67 = vector.shape_cast %swap3A_66 : vector<1x16xf32> to vector<16xf32>
        %swap3A_68 = vector.shape_cast %max3A_63 : vector<16xf32> to vector<1x16xf32>
        tpu.vector_store %arg9[%swap3A_64, %swap3A_65], %swap3A_68 {strides = array<i32>} : memref<64x64xf32, #tpu.memory_space<vmem>>, vector<1x16xf32>,
        %get3A_69 = arith.index_cast %add3A_37 : i32 to index
        %get3A_70 = arith.constant 32 : index
        %get3A_71 = tpu.vector_load %arg9[%get3A_69, %get3A_70] {strides = array<i32>} : memref<64x64xf32, #tpu.memory_space<vmem>>, vector<1x16xf32>,
        %get3A_72 = vector.shape_cast %get3A_71 : vector<1x16xf32> to vector<16xf32>
        %get3A_73 = arith.index_cast %add3A_37 : i32 to index
        %get3A_74 = arith.constant 32 : index
        %get3A_75 = tpu.vector_load %arg10[%get3A_73, %get3A_74] {strides = array<i32>} : memref<64x64xf32, #tpu.memory_space<vmem>>, vector<1x16xf32>,
        %get3A_76 = vector.shape_cast %get3A_75 : vector<1x16xf32> to vector<16xf32>
        %mul3A_77 = arith.mulf %get3A_72, %get3A_76 : vector<16xf32>
        %max3A_78 = arith.constant 0.000000e+00 : f32
        %max3A_79 = vector.broadcast %max3A_78 : f32 to vector<16xf32>
        %max3A_80 = arith.maximumf %mul3A_77, %max3A_79 : vector<16xf32>
        %swap3A_81 = arith.index_cast %add3A_37 : i32 to index
        %swap3A_82 = arith.constant 32 : index
        %swap3A_83 = tpu.vector_load %arg9[%swap3A_81, %swap3A_82] {strides = array<i32>} : memref<64x64xf32, #tpu.memory_space<vmem>>, vector<1x16xf32>,
        %swap3A_84 = vector.shape_cast %swap3A_83 : vector<1x16xf32> to vector<16xf32>
        %swap3A_85 = vector.shape_cast %max3A_80 : vector<16xf32> to vector<1x16xf32>
        tpu.vector_store %arg9[%swap3A_81, %swap3A_82], %swap3A_85 {strides = array<i32>} : memref<64x64xf32, #tpu.memory_space<vmem>>, vector<1x16xf32>,
        %get3A_86 = arith.index_cast %add3A_37 : i32 to index
        %get3A_87 = arith.constant 48 : index
        %get3A_88 = tpu.vector_load %arg9[%get3A_86, %get3A_87] {strides = array<i32>} : memref<64x64xf32, #tpu.memory_space<vmem>>, vector<1x16xf32>,
        %get3A_89 = vector.shape_cast %get3A_88 : vector<1x16xf32> to vector<16xf32>
        %get3A_90 = arith.index_cast %add3A_37 : i32 to index
        %get3A_91 = arith.constant 48 : index
        %get3A_92 = tpu.vector_load %arg10[%get3A_90, %get3A_91] {strides = array<i32>} : memref<64x64xf32, #tpu.memory_space<vmem>>, vector<1x16xf32>,
        %get3A_93 = vector.shape_cast %get3A_92 : vector<1x16xf32> to vector<16xf32>
        %mul3A_94 = arith.mulf %get3A_89, %get3A_93 : vector<16xf32>
        %max3A_95 = arith.constant 0.000000e+00 : f32
        %max3A_96 = vector.broadcast %max3A_95 : f32 to vector<16xf32>
        %max3A_97 = arith.maximumf %mul3A_94, %max3A_96 : vector<16xf32>
        %swap3A_98 = arith.index_cast %add3A_37 : i32 to index
        %swap3A_99 = arith.constant 48 : index
        %swap3A_100 = tpu.vector_load %arg9[%swap3A_98, %swap3A_99] {strides = array<i32>} : memref<64x64xf32, #tpu.memory_space<vmem>>, vector<1x16xf32>,
        %swap3A_101 = vector.shape_cast %swap3A_100 : vector<1x16xf32> to vector<16xf32>
        %swap3A_102 = vector.shape_cast %max3A_97 : vector<16xf32> to vector<1x16xf32>
        tpu.vector_store %arg9[%swap3A_98, %swap3A_99], %swap3A_102 {strides = array<i32>} : memref<64x64xf32, #tpu.memory_space<vmem>>, vector<1x16xf32>,
      }
      %scan3A_32 = arith.constant 64 : i32
      "tpu.region"() ({
        %run_scoped3A = tpu.sem_alloc : memref<!tpu.dma_semaphore, #tpu.memory_space<semaphore_mem>>
        %dma_start3A = arith.constant 0 : i32
        %dma_start3A_33 = arith.constant 0 : i32
        %dma_start3A_34 = tpu.memref_slice %arg11[%dma_start3A, %dma_start3A_33] : memref<30080x64xf32, #tpu.memory_space<vmem_shared>> -> memref<30080x64xf32, #tpu.memory_space<vmem_shared>>
        tpu.enqueue_indirect_dma source(%arg9 : memref<64x64xf32, #tpu.memory_space<vmem>>) target(%dma_start3A_34 : memref<30080x64xf32, #tpu.memory_space<vmem_shared>>) offsets(%arg8 : memref<64xi32, #tpu.memory_space<vmem>>) semaphore(%run_scoped3A : memref<!tpu.dma_semaphore, #tpu.memory_space<semaphore_mem>>) {add = true}
        %dma_wait3A = arith.constant 0 : i32
        %dma_wait3A_35 = arith.constant 0 : i32
        %dma_wait3A_36 = tpu.memref_slice %arg11[%dma_wait3A, %dma_wait3A_35] : memref<30080x64xf32, #tpu.memory_space<vmem_shared>> -> memref<30080x64xf32, #tpu.memory_space<vmem_shared>>
        tpu.wait_indirect_dma semaphore(%run_scoped3A : memref<!tpu.dma_semaphore, #tpu.memory_space<semaphore_mem>>) src(%arg9 : memref<64x64xf32, #tpu.memory_space<vmem>>) dst(%dma_wait3A_36 : memref<30080x64xf32, #tpu.memory_space<vmem_shared>>)
        tpu.yield
      }) : () -> ()
    }
    %scan3A_13 = arith.constant 160 : i32
    %barrier3A_14 = arith.constant 0 : index
    tpu.barrier barrier_id(%barrier3A_14)
    %scan3A_15 = arith.constant 0 : i32
    %scan3A_16 = arith.constant 47 : i32
    %scan3A_17 = arith.addi %scan3A_15, %scan3A_16 : i32
    %scan3A_18 = arith.constant 1 : i32
    scf.for %scan3A_20 = %scan3A_15 to %scan3A_17 step %scan3A_18  : i32 {
      %mul3A = arith.constant 1 : i32
      %mul3A_21 = arith.muli %scan3A_20, %mul3A : i32
      %add3A = arith.constant 0 : i32
      %add3A_22 = arith.addi %add3A, %mul3A_21 : i32
      %mul3A_23 = arith.constant 1880 : i32
      %mul3A_24 = arith.muli %arg1, %mul3A_23 : i32
      %mul3A_25 = arith.constant 40 : i32
      %mul3A_26 = arith.muli %add3A_22, %mul3A_25 : i32
      %add3A_27 = arith.addi %mul3A_24, %mul3A_26 : i32
      "tpu.region"() ({
        %run_scoped3A = tpu.sem_alloc : memref<!tpu.dma_semaphore, #tpu.memory_space<semaphore_mem>>
        %dma_start3A = arith.constant 0 : i32
        %dma_start3A_28 = tpu.memref_slice %arg6[%arg0, %add3A_27, %dma_start3A] : memref<2x30080x64xf32, #tpu.memory_space<hbm>> -> memref<1x40x64xf32, #tpu.memory_space<hbm>>
        %dma_start3A_29 = tpu.memref_squeeze %dma_start3A_28 : memref<1x40x64xf32, #tpu.memory_space<hbm>> -> memref<40x64xf32, #tpu.memory_space<hbm>>
        %dma_start3A_30 = arith.constant 0 : i32
        %dma_start3A_31 = tpu.memref_slice %arg11[%add3A_27, %dma_start3A_30] : memref<30080x64xf32, #tpu.memory_space<vmem_shared>> -> memref<40x64xf32, #tpu.memory_space<vmem_shared>>
        tpu.enqueue_dma source(%dma_start3A_31 : memref<40x64xf32, #tpu.memory_space<vmem_shared>>) target(%dma_start3A_29 : memref<40x64xf32, #tpu.memory_space<hbm>>) target_semaphore(%run_scoped3A : memref<!tpu.dma_semaphore, #tpu.memory_space<semaphore_mem>>)
        %dma_wait3A = arith.constant 0 : i32
        %dma_wait3A_32 = tpu.memref_slice %arg6[%arg0, %add3A_27, %dma_wait3A] : memref<2x30080x64xf32, #tpu.memory_space<hbm>> -> memref<1x40x64xf32, #tpu.memory_space<hbm>>
        %dma_wait3A_33 = tpu.memref_squeeze %dma_wait3A_32 : memref<1x40x64xf32, #tpu.memory_space<hbm>> -> memref<40x64xf32, #tpu.memory_space<hbm>>
        %dma_wait3A_34 = arith.constant 0 : i32
        %dma_wait3A_35 = tpu.memref_slice %arg11[%add3A_27, %dma_wait3A_34] : memref<30080x64xf32, #tpu.memory_space<vmem_shared>> -> memref<40x64xf32, #tpu.memory_space<vmem_shared>>
        tpu.wait_dma2 semaphore(%run_scoped3A : memref<!tpu.dma_semaphore, #tpu.memory_space<semaphore_mem>>) src(%dma_wait3A_35 : memref<40x64xf32, #tpu.memory_space<vmem_shared>>) dst(%dma_wait3A_33 : memref<40x64xf32, #tpu.memory_space<hbm>>)
        tpu.yield
      }) : () -> ()
    }
    %scan3A_19 = arith.constant 47 : i32
    return
  }
}

#map = affine_map<(d0, d1) -> (0, 0)>
#map1 = affine_map<(d0, d1) -> (0, 0, 0)>
#map2 = affine_map<(d0, d1) -> (0)>
module attributes {stable_mosaic.version = 14 : i64} {
  func.func @layer_scatter(%arg0: i32, %arg1: i32, %arg2: memref<20000x64xf32, #tpu.memory_space<hbm>>, %arg3: memref<2x163840x64xf32, #tpu.memory_space<hbm>>, %arg4: memref<2x163840xi32, #tpu.memory_space<hbm>>, %arg5: memref<163840xi32, #tpu.memory_space<hbm>>, %arg6: memref<2x30080x64xf32, #tpu.memory_space<hbm>>, %arg7: memref<64xi32, #tpu.memory_space<vmem>>, %arg8: memref<64xi32, #tpu.memory_space<vmem>>, %arg9: memref<64x64xf32, #tpu.memory_space<vmem>>, %arg10: memref<64x64xf32, #tpu.memory_space<vmem>>, %arg11: memref<30080x64xf32, #tpu.memory_space<vmem_shared>>) attributes {dimension_semantics = [#tpu.dimension_semantics<core_parallel>, #tpu.dimension_semantics<subcore_parallel>], iteration_bounds = array<i64: 2, 16>, scalar_prefetch = 0 : i64, scratch_operands = 5 : i64, tpu.core_type = #tpu.core_type<sc_vector_subcore>, window_params = [{transform_indices = #map}, {transform_indices = #map1}, {transform_indices = #map}, {transform_indices = #map2}, {transform_indices = #map1}]} {
    %scan3A = arith.constant 0 : i32
    %scan3A_0 = arith.constant 64 : i32
    %scan3A_1 = arith.addi %scan3A, %scan3A_0 : i32
    %scan3A_2 = arith.constant 1 : i32
    scf.for %scan3A_20 = %scan3A to %scan3A_1 step %scan3A_2  : i32 {
      %mul3A = arith.constant 1 : i32
      %mul3A_21 = arith.muli %scan3A_20, %mul3A : i32
      %add3A = arith.constant 0 : i32
      %add3A_22 = arith.addi %add3A, %mul3A_21 : i32
      %broadcast_in_dim3A = arith.constant 0.000000e+00 : f32
      %broadcast_in_dim3A_23 = vector.broadcast %broadcast_in_dim3A : f32 to vector<16xf32>
      %swap3A = arith.index_cast %add3A_22 : i32 to index
      %swap3A_24 = arith.constant 0 : index
      %swap3A_25 = tpu.vector_load %arg10[%swap3A, %swap3A_24] {strides = array<i32>} : memref<64x64xf32, #tpu.memory_space<vmem>>, vector<1x16xf32>,
      %swap3A_26 = vector.shape_cast %swap3A_25 : vector<1x16xf32> to vector<16xf32>
      %swap3A_27 = vector.shape_cast %broadcast_in_dim3A_23 : vector<16xf32> to vector<1x16xf32>
      tpu.vector_store %arg10[%swap3A, %swap3A_24], %swap3A_27 {strides = array<i32>} : memref<64x64xf32, #tpu.memory_space<vmem>>, vector<1x16xf32>,
      %broadcast_in_dim3A_28 = arith.constant 0.000000e+00 : f32
      %broadcast_in_dim3A_29 = vector.broadcast %broadcast_in_dim3A_28 : f32 to vector<16xf32>
      %swap3A_30 = arith.index_cast %add3A_22 : i32 to index
      %swap3A_31 = arith.constant 16 : index
      %swap3A_32 = tpu.vector_load %arg10[%swap3A_30, %swap3A_31] {strides = array<i32>} : memref<64x64xf32, #tpu.memory_space<vmem>>, vector<1x16xf32>,
      %swap3A_33 = vector.shape_cast %swap3A_32 : vector<1x16xf32> to vector<16xf32>
      %swap3A_34 = vector.shape_cast %broadcast_in_dim3A_29 : vector<16xf32> to vector<1x16xf32>
      tpu.vector_store %arg10[%swap3A_30, %swap3A_31], %swap3A_34 {strides = array<i32>} : memref<64x64xf32, #tpu.memory_space<vmem>>, vector<1x16xf32>,
      %broadcast_in_dim3A_35 = arith.constant 0.000000e+00 : f32
      %broadcast_in_dim3A_36 = vector.broadcast %broadcast_in_dim3A_35 : f32 to vector<16xf32>
      %swap3A_37 = arith.index_cast %add3A_22 : i32 to index
      %swap3A_38 = arith.constant 32 : index
      %swap3A_39 = tpu.vector_load %arg10[%swap3A_37, %swap3A_38] {strides = array<i32>} : memref<64x64xf32, #tpu.memory_space<vmem>>, vector<1x16xf32>,
      %swap3A_40 = vector.shape_cast %swap3A_39 : vector<1x16xf32> to vector<16xf32>
      %swap3A_41 = vector.shape_cast %broadcast_in_dim3A_36 : vector<16xf32> to vector<1x16xf32>
      tpu.vector_store %arg10[%swap3A_37, %swap3A_38], %swap3A_41 {strides = array<i32>} : memref<64x64xf32, #tpu.memory_space<vmem>>, vector<1x16xf32>,
      %broadcast_in_dim3A_42 = arith.constant 0.000000e+00 : f32
      %broadcast_in_dim3A_43 = vector.broadcast %broadcast_in_dim3A_42 : f32 to vector<16xf32>
      %swap3A_44 = arith.index_cast %add3A_22 : i32 to index
      %swap3A_45 = arith.constant 48 : index
      %swap3A_46 = tpu.vector_load %arg10[%swap3A_44, %swap3A_45] {strides = array<i32>} : memref<64x64xf32, #tpu.memory_space<vmem>>, vector<1x16xf32>,
      %swap3A_47 = vector.shape_cast %swap3A_46 : vector<1x16xf32> to vector<16xf32>
      %swap3A_48 = vector.shape_cast %broadcast_in_dim3A_43 : vector<16xf32> to vector<1x16xf32>
      tpu.vector_store %arg10[%swap3A_44, %swap3A_45], %swap3A_48 {strides = array<i32>} : memref<64x64xf32, #tpu.memory_space<vmem>>, vector<1x16xf32>,
    }
    %scan3A_3 = arith.constant 64 : i32
    %scan3A_4 = arith.constant 0 : i32
    %scan3A_5 = arith.constant 47 : i32
    %scan3A_6 = arith.addi %scan3A_4, %scan3A_5 : i32
    %scan3A_7 = arith.constant 1 : i32
    scf.for %scan3A_20 = %scan3A_4 to %scan3A_6 step %scan3A_7  : i32 {
      %mul3A = arith.constant 1 : i32
      %mul3A_21 = arith.muli %scan3A_20, %mul3A : i32
      %add3A = arith.constant 0 : i32
      %add3A_22 = arith.addi %add3A, %mul3A_21 : i32
      %mul3A_23 = arith.constant 1880 : i32
      %mul3A_24 = arith.muli %arg1, %mul3A_23 : i32
      %mul3A_25 = arith.constant 40 : i32
      %mul3A_26 = arith.muli %add3A_22, %mul3A_25 : i32
      %add3A_27 = arith.addi %mul3A_24, %mul3A_26 : i32
      "tpu.region"() ({
        %run_scoped3A = tpu.sem_alloc : memref<!tpu.dma_semaphore, #tpu.memory_space<semaphore_mem>>
        %dma_start3A = arith.constant 0 : i32
        %dma_start3A_28 = arith.constant 0 : i32
        %dma_start3A_29 = tpu.memref_slice %arg10[%dma_start3A, %dma_start3A_28] : memref<64x64xf32, #tpu.memory_space<vmem>> -> memref<40x64xf32, #tpu.memory_space<vmem>>
        %dma_start3A_30 = arith.constant 0 : i32
        %dma_start3A_31 = tpu.memref_slice %arg11[%add3A_27, %dma_start3A_30] : memref<30080x64xf32, #tpu.memory_space<vmem_shared>> -> memref<40x64xf32, #tpu.memory_space<vmem_shared>>
        %dma_start3A_32 = arith.constant 0 : i32
        %dma_start3A_33 = tpu.memref_slice %arg11[%add3A_27, %dma_start3A_32] : memref<30080x64xf32, #tpu.memory_space<vmem_shared>> -> memref<40x64xf32, #tpu.memory_space<vmem_shared>>
        %dma_start3A_34 = arith.constant 0 : i32
        %dma_start3A_35 = arith.constant 0 : i32
        %dma_start3A_36 = tpu.memref_slice %arg10[%dma_start3A_34, %dma_start3A_35] : memref<64x64xf32, #tpu.memory_space<vmem>> -> memref<40x64xf32, #tpu.memory_space<vmem>>
        tpu.enqueue_dma source(%dma_start3A_36 : memref<40x64xf32, #tpu.memory_space<vmem>>) target(%dma_start3A_33 : memref<40x64xf32, #tpu.memory_space<vmem_shared>>) target_semaphore(%run_scoped3A : memref<!tpu.dma_semaphore, #tpu.memory_space<semaphore_mem>>)
        %dma_wait3A = arith.constant 0 : i32
        %dma_wait3A_37 = arith.constant 0 : i32
        %dma_wait3A_38 = tpu.memref_slice %arg10[%dma_wait3A, %dma_wait3A_37] : memref<64x64xf32, #tpu.memory_space<vmem>> -> memref<40x64xf32, #tpu.memory_space<vmem>>
        %dma_wait3A_39 = arith.constant 0 : i32
        %dma_wait3A_40 = tpu.memref_slice %arg11[%add3A_27, %dma_wait3A_39] : memref<30080x64xf32, #tpu.memory_space<vmem_shared>> -> memref<40x64xf32, #tpu.memory_space<vmem_shared>>
        %dma_wait3A_41 = arith.constant 0 : i32
        %dma_wait3A_42 = tpu.memref_slice %arg11[%add3A_27, %dma_wait3A_41] : memref<30080x64xf32, #tpu.memory_space<vmem_shared>> -> memref<40x64xf32, #tpu.memory_space<vmem_shared>>
        %dma_wait3A_43 = arith.constant 0 : i32
        %dma_wait3A_44 = arith.constant 0 : i32
        %dma_wait3A_45 = tpu.memref_slice %arg10[%dma_wait3A_43, %dma_wait3A_44] : memref<64x64xf32, #tpu.memory_space<vmem>> -> memref<40x64xf32, #tpu.memory_space<vmem>>
        tpu.wait_dma2 semaphore(%run_scoped3A : memref<!tpu.dma_semaphore, #tpu.memory_space<semaphore_mem>>) src(%dma_wait3A_45 : memref<40x64xf32, #tpu.memory_space<vmem>>) dst(%dma_wait3A_42 : memref<40x64xf32, #tpu.memory_space<vmem_shared>>)
        tpu.yield
      }) : () -> ()
    }
    %scan3A_8 = arith.constant 47 : i32
    %barrier3A = arith.constant 0 : index
    tpu.barrier barrier_id(%barrier3A)
    %scan3A_9 = arith.constant 0 : i32
    %scan3A_10 = arith.constant 160 : i32
    %scan3A_11 = arith.addi %scan3A_9, %scan3A_10 : i32
    %scan3A_12 = arith.constant 1 : i32
    scf.for %scan3A_20 = %scan3A_9 to %scan3A_11 step %scan3A_12  : i32 {
      %mul3A = arith.constant 1 : i32
      %mul3A_21 = arith.muli %scan3A_20, %mul3A : i32
      %add3A = arith.constant 0 : i32
      %add3A_22 = arith.addi %add3A, %mul3A_21 : i32
      %mul3A_23 = arith.constant 10240 : i32
      %mul3A_24 = arith.muli %arg1, %mul3A_23 : i32
      %mul3A_25 = arith.constant 64 : i32
      %mul3A_26 = arith.muli %add3A_22, %mul3A_25 : i32
      %add3A_27 = arith.addi %mul3A_24, %mul3A_26 : i32
      "tpu.region"() ({
        %run_scoped3A = tpu.sem_alloc : memref<!tpu.dma_semaphore, #tpu.memory_space<semaphore_mem>>
        %dma_start3A = tpu.memref_slice %arg4[%arg0, %add3A_27] : memref<2x163840xi32, #tpu.memory_space<hbm>> -> memref<1x64xi32, #tpu.memory_space<hbm>>
        %dma_start3A_33 = tpu.memref_squeeze %dma_start3A : memref<1x64xi32, #tpu.memory_space<hbm>> -> memref<64xi32, #tpu.memory_space<hbm>>
        %dma_start3A_34 = tpu.memref_slice %arg4[%arg0, %add3A_27] : memref<2x163840xi32, #tpu.memory_space<hbm>> -> memref<1x64xi32, #tpu.memory_space<hbm>>
        %dma_start3A_35 = tpu.memref_squeeze %dma_start3A_34 : memref<1x64xi32, #tpu.memory_space<hbm>> -> memref<64xi32, #tpu.memory_space<hbm>>
        tpu.enqueue_dma source(%dma_start3A_35 : memref<64xi32, #tpu.memory_space<hbm>>) target(%arg7 : memref<64xi32, #tpu.memory_space<vmem>>) target_semaphore(%run_scoped3A : memref<!tpu.dma_semaphore, #tpu.memory_space<semaphore_mem>>)
        %dma_wait3A = tpu.memref_slice %arg4[%arg0, %add3A_27] : memref<2x163840xi32, #tpu.memory_space<hbm>> -> memref<1x64xi32, #tpu.memory_space<hbm>>
        %dma_wait3A_36 = tpu.memref_squeeze %dma_wait3A : memref<1x64xi32, #tpu.memory_space<hbm>> -> memref<64xi32, #tpu.memory_space<hbm>>
        %dma_wait3A_37 = tpu.memref_slice %arg4[%arg0, %add3A_27] : memref<2x163840xi32, #tpu.memory_space<hbm>> -> memref<1x64xi32, #tpu.memory_space<hbm>>
        %dma_wait3A_38 = tpu.memref_squeeze %dma_wait3A_37 : memref<1x64xi32, #tpu.memory_space<hbm>> -> memref<64xi32, #tpu.memory_space<hbm>>
        tpu.wait_dma2 semaphore(%run_scoped3A : memref<!tpu.dma_semaphore, #tpu.memory_space<semaphore_mem>>) src(%dma_wait3A_38 : memref<64xi32, #tpu.memory_space<hbm>>) dst(%arg7 : memref<64xi32, #tpu.memory_space<vmem>>)
        tpu.yield
      }) : () -> ()
      "tpu.region"() ({
        %run_scoped3A = tpu.sem_alloc : memref<!tpu.dma_semaphore, #tpu.memory_space<semaphore_mem>>
        %dma_start3A = tpu.memref_slice %arg5[%add3A_27] : memref<163840xi32, #tpu.memory_space<hbm>> -> memref<64xi32, #tpu.memory_space<hbm>>
        %dma_start3A_33 = tpu.memref_slice %arg5[%add3A_27] : memref<163840xi32, #tpu.memory_space<hbm>> -> memref<64xi32, #tpu.memory_space<hbm>>
        tpu.enqueue_dma source(%dma_start3A_33 : memref<64xi32, #tpu.memory_space<hbm>>) target(%arg8 : memref<64xi32, #tpu.memory_space<vmem>>) target_semaphore(%run_scoped3A : memref<!tpu.dma_semaphore, #tpu.memory_space<semaphore_mem>>)
        %dma_wait3A = tpu.memref_slice %arg5[%add3A_27] : memref<163840xi32, #tpu.memory_space<hbm>> -> memref<64xi32, #tpu.memory_space<hbm>>
        %dma_wait3A_34 = tpu.memref_slice %arg5[%add3A_27] : memref<163840xi32, #tpu.memory_space<hbm>> -> memref<64xi32, #tpu.memory_space<hbm>>
        tpu.wait_dma2 semaphore(%run_scoped3A : memref<!tpu.dma_semaphore, #tpu.memory_space<semaphore_mem>>) src(%dma_wait3A_34 : memref<64xi32, #tpu.memory_space<hbm>>) dst(%arg8 : memref<64xi32, #tpu.memory_space<vmem>>)
        tpu.yield
      }) : () -> ()
      "tpu.region"() ({
        %run_scoped3A = tpu.sem_alloc : memref<!tpu.dma_semaphore, #tpu.memory_space<semaphore_mem>>
        %dma_start3A = arith.constant 0 : i32
        %dma_start3A_33 = tpu.memref_slice %arg3[%arg0, %add3A_27, %dma_start3A] : memref<2x163840x64xf32, #tpu.memory_space<hbm>> -> memref<1x64x64xf32, #tpu.memory_space<hbm>>
        %dma_start3A_34 = tpu.memref_squeeze %dma_start3A_33 : memref<1x64x64xf32, #tpu.memory_space<hbm>> -> memref<64x64xf32, #tpu.memory_space<hbm>>
        %dma_start3A_35 = arith.constant 0 : i32
        %dma_start3A_36 = tpu.memref_slice %arg3[%arg0, %add3A_27, %dma_start3A_35] : memref<2x163840x64xf32, #tpu.memory_space<hbm>> -> memref<1x64x64xf32, #tpu.memory_space<hbm>>
        %dma_start3A_37 = tpu.memref_squeeze %dma_start3A_36 : memref<1x64x64xf32, #tpu.memory_space<hbm>> -> memref<64x64xf32, #tpu.memory_space<hbm>>
        tpu.enqueue_dma source(%dma_start3A_37 : memref<64x64xf32, #tpu.memory_space<hbm>>) target(%arg10 : memref<64x64xf32, #tpu.memory_space<vmem>>) target_semaphore(%run_scoped3A : memref<!tpu.dma_semaphore, #tpu.memory_space<semaphore_mem>>)
        %dma_wait3A = arith.constant 0 : i32
        %dma_wait3A_38 = tpu.memref_slice %arg3[%arg0, %add3A_27, %dma_wait3A] : memref<2x163840x64xf32, #tpu.memory_space<hbm>> -> memref<1x64x64xf32, #tpu.memory_space<hbm>>
        %dma_wait3A_39 = tpu.memref_squeeze %dma_wait3A_38 : memref<1x64x64xf32, #tpu.memory_space<hbm>> -> memref<64x64xf32, #tpu.memory_space<hbm>>
        %dma_wait3A_40 = arith.constant 0 : i32
        %dma_wait3A_41 = tpu.memref_slice %arg3[%arg0, %add3A_27, %dma_wait3A_40] : memref<2x163840x64xf32, #tpu.memory_space<hbm>> -> memref<1x64x64xf32, #tpu.memory_space<hbm>>
        %dma_wait3A_42 = tpu.memref_squeeze %dma_wait3A_41 : memref<1x64x64xf32, #tpu.memory_space<hbm>> -> memref<64x64xf32, #tpu.memory_space<hbm>>
        tpu.wait_dma2 semaphore(%run_scoped3A : memref<!tpu.dma_semaphore, #tpu.memory_space<semaphore_mem>>) src(%dma_wait3A_42 : memref<64x64xf32, #tpu.memory_space<hbm>>) dst(%arg10 : memref<64x64xf32, #tpu.memory_space<vmem>>)
        tpu.yield
      }) : () -> ()
      "tpu.region"() ({
        %run_scoped3A = tpu.sem_alloc : memref<!tpu.dma_semaphore, #tpu.memory_space<semaphore_mem>>
        %dma_start3A = arith.constant 0 : i32
        %dma_start3A_33 = arith.constant 0 : i32
        %dma_start3A_34 = tpu.memref_slice %arg2[%dma_start3A, %dma_start3A_33] : memref<20000x64xf32, #tpu.memory_space<hbm>> -> memref<20000x64xf32, #tpu.memory_space<hbm>>
        tpu.enqueue_indirect_dma source(%dma_start3A_34 : memref<20000x64xf32, #tpu.memory_space<hbm>>) target(%arg9 : memref<64x64xf32, #tpu.memory_space<vmem>>) offsets(%arg7 : memref<64xi32, #tpu.memory_space<vmem>>) semaphore(%run_scoped3A : memref<!tpu.dma_semaphore, #tpu.memory_space<semaphore_mem>>)
        %dma_wait3A = arith.constant 0 : i32
        %dma_wait3A_35 = arith.constant 0 : i32
        %dma_wait3A_36 = tpu.memref_slice %arg2[%dma_wait3A, %dma_wait3A_35] : memref<20000x64xf32, #tpu.memory_space<hbm>> -> memref<20000x64xf32, #tpu.memory_space<hbm>>
        tpu.wait_indirect_dma semaphore(%run_scoped3A : memref<!tpu.dma_semaphore, #tpu.memory_space<semaphore_mem>>) src(%dma_wait3A_36 : memref<20000x64xf32, #tpu.memory_space<hbm>>) dst(%arg9 : memref<64x64xf32, #tpu.memory_space<vmem>>)
        tpu.yield
      }) : () -> ()
      %scan3A_28 = arith.constant 0 : i32
      %scan3A_29 = arith.constant 64 : i32
      %scan3A_30 = arith.addi %scan3A_28, %scan3A_29 : i32
      %scan3A_31 = arith.constant 1 : i32
      scf.for %scan3A_33 = %scan3A_28 to %scan3A_30 step %scan3A_31  : i32 {
        %mul3A_34 = arith.constant 1 : i32
        %mul3A_35 = arith.muli %scan3A_33, %mul3A_34 : i32
        %add3A_36 = arith.constant 0 : i32
        %add3A_37 = arith.addi %add3A_36, %mul3A_35 : i32
        %get3A = arith.index_cast %add3A_37 : i32 to index
        %get3A_38 = arith.constant 0 : index
        %get3A_39 = tpu.vector_load %arg9[%get3A, %get3A_38] {strides = array<i32>} : memref<64x64xf32, #tpu.memory_space<vmem>>, vector<1x16xf32>,
        %get3A_40 = vector.shape_cast %get3A_39 : vector<1x16xf32> to vector<16xf32>
        %get3A_41 = arith.index_cast %add3A_37 : i32 to index
        %get3A_42 = arith.constant 0 : index
        %get3A_43 = tpu.vector_load %arg10[%get3A_41, %get3A_42] {strides = array<i32>} : memref<64x64xf32, #tpu.memory_space<vmem>>, vector<1x16xf32>,
        %get3A_44 = vector.shape_cast %get3A_43 : vector<1x16xf32> to vector<16xf32>
        %mul3A_45 = arith.mulf %get3A_40, %get3A_44 : vector<16xf32>
        %max3A = arith.constant 0.000000e+00 : f32
        %max3A_46 = vector.broadcast %max3A : f32 to vector<16xf32>
        %max3A_47 = arith.maximumf %mul3A_45, %max3A_46 : vector<16xf32>
        %swap3A = arith.index_cast %add3A_37 : i32 to index
        %swap3A_48 = arith.constant 0 : index
        %swap3A_49 = tpu.vector_load %arg9[%swap3A, %swap3A_48] {strides = array<i32>} : memref<64x64xf32, #tpu.memory_space<vmem>>, vector<1x16xf32>,
        %swap3A_50 = vector.shape_cast %swap3A_49 : vector<1x16xf32> to vector<16xf32>
        %swap3A_51 = vector.shape_cast %max3A_47 : vector<16xf32> to vector<1x16xf32>
        tpu.vector_store %arg9[%swap3A, %swap3A_48], %swap3A_51 {strides = array<i32>} : memref<64x64xf32, #tpu.memory_space<vmem>>, vector<1x16xf32>,
        %get3A_52 = arith.index_cast %add3A_37 : i32 to index
        %get3A_53 = arith.constant 16 : index
        %get3A_54 = tpu.vector_load %arg9[%get3A_52, %get3A_53] {strides = array<i32>} : memref<64x64xf32, #tpu.memory_space<vmem>>, vector<1x16xf32>,
        %get3A_55 = vector.shape_cast %get3A_54 : vector<1x16xf32> to vector<16xf32>
        %get3A_56 = arith.index_cast %add3A_37 : i32 to index
        %get3A_57 = arith.constant 16 : index
        %get3A_58 = tpu.vector_load %arg10[%get3A_56, %get3A_57] {strides = array<i32>} : memref<64x64xf32, #tpu.memory_space<vmem>>, vector<1x16xf32>,
        %get3A_59 = vector.shape_cast %get3A_58 : vector<1x16xf32> to vector<16xf32>
        %mul3A_60 = arith.mulf %get3A_55, %get3A_59 : vector<16xf32>
        %max3A_61 = arith.constant 0.000000e+00 : f32
        %max3A_62 = vector.broadcast %max3A_61 : f32 to vector<16xf32>
        %max3A_63 = arith.maximumf %mul3A_60, %max3A_62 : vector<16xf32>
        %swap3A_64 = arith.index_cast %add3A_37 : i32 to index
        %swap3A_65 = arith.constant 16 : index
        %swap3A_66 = tpu.vector_load %arg9[%swap3A_64, %swap3A_65] {strides = array<i32>} : memref<64x64xf32, #tpu.memory_space<vmem>>, vector<1x16xf32>,
        %swap3A_67 = vector.shape_cast %swap3A_66 : vector<1x16xf32> to vector<16xf32>
        %swap3A_68 = vector.shape_cast %max3A_63 : vector<16xf32> to vector<1x16xf32>
        tpu.vector_store %arg9[%swap3A_64, %swap3A_65], %swap3A_68 {strides = array<i32>} : memref<64x64xf32, #tpu.memory_space<vmem>>, vector<1x16xf32>,
        %get3A_69 = arith.index_cast %add3A_37 : i32 to index
        %get3A_70 = arith.constant 32 : index
        %get3A_71 = tpu.vector_load %arg9[%get3A_69, %get3A_70] {strides = array<i32>} : memref<64x64xf32, #tpu.memory_space<vmem>>, vector<1x16xf32>,
        %get3A_72 = vector.shape_cast %get3A_71 : vector<1x16xf32> to vector<16xf32>
        %get3A_73 = arith.index_cast %add3A_37 : i32 to index
        %get3A_74 = arith.constant 32 : index
        %get3A_75 = tpu.vector_load %arg10[%get3A_73, %get3A_74] {strides = array<i32>} : memref<64x64xf32, #tpu.memory_space<vmem>>, vector<1x16xf32>,
        %get3A_76 = vector.shape_cast %get3A_75 : vector<1x16xf32> to vector<16xf32>
        %mul3A_77 = arith.mulf %get3A_72, %get3A_76 : vector<16xf32>
        %max3A_78 = arith.constant 0.000000e+00 : f32
        %max3A_79 = vector.broadcast %max3A_78 : f32 to vector<16xf32>
        %max3A_80 = arith.maximumf %mul3A_77, %max3A_79 : vector<16xf32>
        %swap3A_81 = arith.index_cast %add3A_37 : i32 to index
        %swap3A_82 = arith.constant 32 : index
        %swap3A_83 = tpu.vector_load %arg9[%swap3A_81, %swap3A_82] {strides = array<i32>} : memref<64x64xf32, #tpu.memory_space<vmem>>, vector<1x16xf32>,
        %swap3A_84 = vector.shape_cast %swap3A_83 : vector<1x16xf32> to vector<16xf32>
        %swap3A_85 = vector.shape_cast %max3A_80 : vector<16xf32> to vector<1x16xf32>
        tpu.vector_store %arg9[%swap3A_81, %swap3A_82], %swap3A_85 {strides = array<i32>} : memref<64x64xf32, #tpu.memory_space<vmem>>, vector<1x16xf32>,
        %get3A_86 = arith.index_cast %add3A_37 : i32 to index
        %get3A_87 = arith.constant 48 : index
        %get3A_88 = tpu.vector_load %arg9[%get3A_86, %get3A_87] {strides = array<i32>} : memref<64x64xf32, #tpu.memory_space<vmem>>, vector<1x16xf32>,
        %get3A_89 = vector.shape_cast %get3A_88 : vector<1x16xf32> to vector<16xf32>
        %get3A_90 = arith.index_cast %add3A_37 : i32 to index
        %get3A_91 = arith.constant 48 : index
        %get3A_92 = tpu.vector_load %arg10[%get3A_90, %get3A_91] {strides = array<i32>} : memref<64x64xf32, #tpu.memory_space<vmem>>, vector<1x16xf32>,
        %get3A_93 = vector.shape_cast %get3A_92 : vector<1x16xf32> to vector<16xf32>
        %mul3A_94 = arith.mulf %get3A_89, %get3A_93 : vector<16xf32>
        %max3A_95 = arith.constant 0.000000e+00 : f32
        %max3A_96 = vector.broadcast %max3A_95 : f32 to vector<16xf32>
        %max3A_97 = arith.maximumf %mul3A_94, %max3A_96 : vector<16xf32>
        %swap3A_98 = arith.index_cast %add3A_37 : i32 to index
        %swap3A_99 = arith.constant 48 : index
        %swap3A_100 = tpu.vector_load %arg9[%swap3A_98, %swap3A_99] {strides = array<i32>} : memref<64x64xf32, #tpu.memory_space<vmem>>, vector<1x16xf32>,
        %swap3A_101 = vector.shape_cast %swap3A_100 : vector<1x16xf32> to vector<16xf32>
        %swap3A_102 = vector.shape_cast %max3A_97 : vector<16xf32> to vector<1x16xf32>
        tpu.vector_store %arg9[%swap3A_98, %swap3A_99], %swap3A_102 {strides = array<i32>} : memref<64x64xf32, #tpu.memory_space<vmem>>, vector<1x16xf32>,
      }
      %scan3A_32 = arith.constant 64 : i32
      "tpu.region"() ({
        %run_scoped3A = tpu.sem_alloc : memref<!tpu.dma_semaphore, #tpu.memory_space<semaphore_mem>>
        %dma_start3A = arith.constant 0 : i32
        %dma_start3A_33 = arith.constant 0 : i32
        %dma_start3A_34 = tpu.memref_slice %arg11[%dma_start3A, %dma_start3A_33] : memref<30080x64xf32, #tpu.memory_space<vmem_shared>> -> memref<30080x64xf32, #tpu.memory_space<vmem_shared>>
        tpu.enqueue_indirect_dma source(%arg9 : memref<64x64xf32, #tpu.memory_space<vmem>>) target(%dma_start3A_34 : memref<30080x64xf32, #tpu.memory_space<vmem_shared>>) offsets(%arg8 : memref<64xi32, #tpu.memory_space<vmem>>) semaphore(%run_scoped3A : memref<!tpu.dma_semaphore, #tpu.memory_space<semaphore_mem>>) {add = true}
        %dma_wait3A = arith.constant 0 : i32
        %dma_wait3A_35 = arith.constant 0 : i32
        %dma_wait3A_36 = tpu.memref_slice %arg11[%dma_wait3A, %dma_wait3A_35] : memref<30080x64xf32, #tpu.memory_space<vmem_shared>> -> memref<30080x64xf32, #tpu.memory_space<vmem_shared>>
        tpu.wait_indirect_dma semaphore(%run_scoped3A : memref<!tpu.dma_semaphore, #tpu.memory_space<semaphore_mem>>) src(%arg9 : memref<64x64xf32, #tpu.memory_space<vmem>>) dst(%dma_wait3A_36 : memref<30080x64xf32, #tpu.memory_space<vmem_shared>>)
        tpu.yield
      }) : () -> ()
    }
    %scan3A_13 = arith.constant 160 : i32
    %barrier3A_14 = arith.constant 0 : index
    tpu.barrier barrier_id(%barrier3A_14)
    %scan3A_15 = arith.constant 0 : i32
    %scan3A_16 = arith.constant 47 : i32
    %scan3A_17 = arith.addi %scan3A_15, %scan3A_16 : i32
    %scan3A_18 = arith.constant 1 : i32
    scf.for %scan3A_20 = %scan3A_15 to %scan3A_17 step %scan3A_18  : i32 {
      %mul3A = arith.constant 1 : i32
      %mul3A_21 = arith.muli %scan3A_20, %mul3A : i32
      %add3A = arith.constant 0 : i32
      %add3A_22 = arith.addi %add3A, %mul3A_21 : i32
      %mul3A_23 = arith.constant 1880 : i32
      %mul3A_24 = arith.muli %arg1, %mul3A_23 : i32
      %mul3A_25 = arith.constant 40 : i32
      %mul3A_26 = arith.muli %add3A_22, %mul3A_25 : i32
      %add3A_27 = arith.addi %mul3A_24, %mul3A_26 : i32
      "tpu.region"() ({
        %run_scoped3A = tpu.sem_alloc : memref<!tpu.dma_semaphore, #tpu.memory_space<semaphore_mem>>
        %dma_start3A = arith.constant 0 : i32
        %dma_start3A_28 = tpu.memref_slice %arg6[%arg0, %add3A_27, %dma_start3A] : memref<2x30080x64xf32, #tpu.memory_space<hbm>> -> memref<1x40x64xf32, #tpu.memory_space<hbm>>
        %dma_start3A_29 = tpu.memref_squeeze %dma_start3A_28 : memref<1x40x64xf32, #tpu.memory_space<hbm>> -> memref<40x64xf32, #tpu.memory_space<hbm>>
        %dma_start3A_30 = arith.constant 0 : i32
        %dma_start3A_31 = tpu.memref_slice %arg11[%add3A_27, %dma_start3A_30] : memref<30080x64xf32, #tpu.memory_space<vmem_shared>> -> memref<40x64xf32, #tpu.memory_space<vmem_shared>>
        tpu.enqueue_dma source(%dma_start3A_31 : memref<40x64xf32, #tpu.memory_space<vmem_shared>>) target(%dma_start3A_29 : memref<40x64xf32, #tpu.memory_space<hbm>>) target_semaphore(%run_scoped3A : memref<!tpu.dma_semaphore, #tpu.memory_space<semaphore_mem>>)
        %dma_wait3A = arith.constant 0 : i32
        %dma_wait3A_32 = tpu.memref_slice %arg6[%arg0, %add3A_27, %dma_wait3A] : memref<2x30080x64xf32, #tpu.memory_space<hbm>> -> memref<1x40x64xf32, #tpu.memory_space<hbm>>
        %dma_wait3A_33 = tpu.memref_squeeze %dma_wait3A_32 : memref<1x40x64xf32, #tpu.memory_space<hbm>> -> memref<40x64xf32, #tpu.memory_space<hbm>>
        %dma_wait3A_34 = arith.constant 0 : i32
        %dma_wait3A_35 = tpu.memref_slice %arg11[%add3A_27, %dma_wait3A_34] : memref<30080x64xf32, #tpu.memory_space<vmem_shared>> -> memref<40x64xf32, #tpu.memory_space<vmem_shared>>
        tpu.wait_dma2 semaphore(%run_scoped3A : memref<!tpu.dma_semaphore, #tpu.memory_space<semaphore_mem>>) src(%dma_wait3A_35 : memref<40x64xf32, #tpu.memory_space<vmem_shared>>) dst(%dma_wait3A_33 : memref<40x64xf32, #tpu.memory_space<hbm>>)
        tpu.yield
      }) : () -> ()
    }
    %scan3A_19 = arith.constant 47 : i32
    return
  }
}

#map = affine_map<(d0, d1) -> (0)>
#map1 = affine_map<(d0, d1) -> (0, 0)>
module attributes {stable_mosaic.version = 14 : i64} {
  func.func @prep(%arg0: i32, %arg1: i32, %arg2: memref<163840xi32, #tpu.memory_space<hbm>>, %arg3: memref<163840xi32, #tpu.memory_space<hbm>>, %arg4: memref<163840xi32, #tpu.memory_space<hbm>>, %arg5: memref<2x30080xf32, #tpu.memory_space<hbm>>, %arg6: memref<163840xi32, #tpu.memory_space<hbm>>, %arg7: memref<2x163840xi32, #tpu.memory_space<hbm>>, %arg8: memref<128xi32, #tpu.memory_space<vmem>>, %arg9: memref<128xi32, #tpu.memory_space<vmem>>, %arg10: memref<128xi32, #tpu.memory_space<vmem>>, %arg11: memref<128xi32, #tpu.memory_space<vmem>>, %arg12: memref<128xi32, #tpu.memory_space<vmem>>, %arg13: memref<128xf32, #tpu.memory_space<vmem>>, %arg14: memref<30080xf32, #tpu.memory_space<vmem_shared>>) attributes {dimension_semantics = [#tpu.dimension_semantics<core_parallel>, #tpu.dimension_semantics<subcore_parallel>], iteration_bounds = array<i64: 2, 16>, scalar_prefetch = 0 : i64, scratch_operands = 7 : i64, tpu.core_type = #tpu.core_type<sc_vector_subcore>, window_params = [{transform_indices = #map}, {transform_indices = #map}, {transform_indices = #map}, {transform_indices = #map1}, {transform_indices = #map}, {transform_indices = #map1}]} {
    %mul3A = arith.constant 16 : i32
    %mul3A_0 = arith.muli %arg0, %mul3A : i32
    %add3A = arith.addi %mul3A_0, %arg1 : i32
    %scan3A = arith.constant 0 : i32
    %scan3A_1 = arith.constant 8 : i32
    %scan3A_2 = arith.addi %scan3A, %scan3A_1 : i32
    %scan3A_3 = arith.constant 1 : i32
    scf.for %scan3A_26 = %scan3A to %scan3A_2 step %scan3A_3  : i32 {
      %mul3A_27 = arith.constant 1 : i32
      %mul3A_28 = arith.muli %scan3A_26, %mul3A_27 : i32
      %add3A_29 = arith.constant 0 : i32
      %add3A_30 = arith.addi %add3A_29, %mul3A_28 : i32
      %broadcast_in_dim3A = arith.constant 0.000000e+00 : f32
      %broadcast_in_dim3A_31 = vector.broadcast %broadcast_in_dim3A : f32 to vector<16xf32>
      %mul3A_32 = arith.constant 16 : i32
      %mul3A_33 = arith.muli %add3A_30, %mul3A_32 : i32
      %swap3A = arith.index_cast %mul3A_33 : i32 to index
      %swap3A_34 = tpu.vector_load %arg13[%swap3A] {strides = array<i32>} : memref<128xf32, #tpu.memory_space<vmem>>, vector<16xf32>,
      %swap3A_35 = vector.shape_cast %swap3A_34 : vector<16xf32> to vector<16xf32>
      %swap3A_36 = vector.shape_cast %broadcast_in_dim3A_31 : vector<16xf32> to vector<16xf32>
      tpu.vector_store %arg13[%swap3A], %swap3A_36 {strides = array<i32>} : memref<128xf32, #tpu.memory_space<vmem>>, vector<16xf32>,
    }
    %scan3A_4 = arith.constant 8 : i32
    %scan3A_5 = arith.constant 0 : i32
    %scan3A_6 = arith.constant 47 : i32
    %scan3A_7 = arith.addi %scan3A_5, %scan3A_6 : i32
    %scan3A_8 = arith.constant 1 : i32
    scf.for %scan3A_26 = %scan3A_5 to %scan3A_7 step %scan3A_8  : i32 {
      %mul3A_27 = arith.constant 1 : i32
      %mul3A_28 = arith.muli %scan3A_26, %mul3A_27 : i32
      %add3A_29 = arith.constant 0 : i32
      %add3A_30 = arith.addi %add3A_29, %mul3A_28 : i32
      %mul3A_31 = arith.constant 1880 : i32
      %mul3A_32 = arith.muli %arg1, %mul3A_31 : i32
      %mul3A_33 = arith.constant 40 : i32
      %mul3A_34 = arith.muli %add3A_30, %mul3A_33 : i32
      %add3A_35 = arith.addi %mul3A_32, %mul3A_34 : i32
      "tpu.region"() ({
        %run_scoped3A = tpu.sem_alloc : memref<!tpu.dma_semaphore, #tpu.memory_space<semaphore_mem>>
        %dma_start3A = arith.constant 0 : i32
        %dma_start3A_36 = tpu.memref_slice %arg13[%dma_start3A] : memref<128xf32, #tpu.memory_space<vmem>> -> memref<40xf32, #tpu.memory_space<vmem>>
        %dma_start3A_37 = tpu.memref_slice %arg14[%add3A_35] : memref<30080xf32, #tpu.memory_space<vmem_shared>> -> memref<40xf32, #tpu.memory_space<vmem_shared>>
        %dma_start3A_38 = tpu.memref_slice %arg14[%add3A_35] : memref<30080xf32, #tpu.memory_space<vmem_shared>> -> memref<40xf32, #tpu.memory_space<vmem_shared>>
        %dma_start3A_39 = arith.constant 0 : i32
        %dma_start3A_40 = tpu.memref_slice %arg13[%dma_start3A_39] : memref<128xf32, #tpu.memory_space<vmem>> -> memref<40xf32, #tpu.memory_space<vmem>>
        tpu.enqueue_dma source(%dma_start3A_40 : memref<40xf32, #tpu.memory_space<vmem>>) target(%dma_start3A_38 : memref<40xf32, #tpu.memory_space<vmem_shared>>) target_semaphore(%run_scoped3A : memref<!tpu.dma_semaphore, #tpu.memory_space<semaphore_mem>>)
        %dma_wait3A = arith.constant 0 : i32
        %dma_wait3A_41 = tpu.memref_slice %arg13[%dma_wait3A] : memref<128xf32, #tpu.memory_space<vmem>> -> memref<40xf32, #tpu.memory_space<vmem>>
        %dma_wait3A_42 = tpu.memref_slice %arg14[%add3A_35] : memref<30080xf32, #tpu.memory_space<vmem_shared>> -> memref<40xf32, #tpu.memory_space<vmem_shared>>
        %dma_wait3A_43 = tpu.memref_slice %arg14[%add3A_35] : memref<30080xf32, #tpu.memory_space<vmem_shared>> -> memref<40xf32, #tpu.memory_space<vmem_shared>>
        %dma_wait3A_44 = arith.constant 0 : i32
        %dma_wait3A_45 = tpu.memref_slice %arg13[%dma_wait3A_44] : memref<128xf32, #tpu.memory_space<vmem>> -> memref<40xf32, #tpu.memory_space<vmem>>
        tpu.wait_dma2 semaphore(%run_scoped3A : memref<!tpu.dma_semaphore, #tpu.memory_space<semaphore_mem>>) src(%dma_wait3A_45 : memref<40xf32, #tpu.memory_space<vmem>>) dst(%dma_wait3A_43 : memref<40xf32, #tpu.memory_space<vmem_shared>>)
        tpu.yield
      }) : () -> ()
    }
    %scan3A_9 = arith.constant 47 : i32
    %scan3A_10 = arith.constant 0 : i32
    %scan3A_11 = arith.constant 8 : i32
    %scan3A_12 = arith.addi %scan3A_10, %scan3A_11 : i32
    %scan3A_13 = arith.constant 1 : i32
    scf.for %scan3A_26 = %scan3A_10 to %scan3A_12 step %scan3A_13  : i32 {
      %mul3A_27 = arith.constant 1 : i32
      %mul3A_28 = arith.muli %scan3A_26, %mul3A_27 : i32
      %add3A_29 = arith.constant 0 : i32
      %add3A_30 = arith.addi %add3A_29, %mul3A_28 : i32
      %broadcast_in_dim3A = arith.constant 1.000000e+00 : f32
      %broadcast_in_dim3A_31 = vector.broadcast %broadcast_in_dim3A : f32 to vector<16xf32>
      %mul3A_32 = arith.constant 16 : i32
      %mul3A_33 = arith.muli %add3A_30, %mul3A_32 : i32
      %swap3A = arith.index_cast %mul3A_33 : i32 to index
      %swap3A_34 = tpu.vector_load %arg13[%swap3A] {strides = array<i32>} : memref<128xf32, #tpu.memory_space<vmem>>, vector<16xf32>,
      %swap3A_35 = vector.shape_cast %swap3A_34 : vector<16xf32> to vector<16xf32>
      %swap3A_36 = vector.shape_cast %broadcast_in_dim3A_31 : vector<16xf32> to vector<16xf32>
      tpu.vector_store %arg13[%swap3A], %swap3A_36 {strides = array<i32>} : memref<128xf32, #tpu.memory_space<vmem>>, vector<16xf32>,
    }
    %scan3A_14 = arith.constant 8 : i32
    %barrier3A = arith.constant 0 : index
    tpu.barrier barrier_id(%barrier3A)
    %scan3A_15 = arith.constant 0 : i32
    %scan3A_16 = arith.constant 40 : i32
    %scan3A_17 = arith.addi %scan3A_15, %scan3A_16 : i32
    %scan3A_18 = arith.constant 1 : i32
    scf.for %scan3A_26 = %scan3A_15 to %scan3A_17 step %scan3A_18  : i32 {
      %mul3A_27 = arith.constant 1 : i32
      %mul3A_28 = arith.muli %scan3A_26, %mul3A_27 : i32
      %add3A_29 = arith.constant 0 : i32
      %add3A_30 = arith.addi %add3A_29, %mul3A_28 : i32
      %mul3A_31 = arith.constant 5120 : i32
      %mul3A_32 = arith.muli %add3A, %mul3A_31 : i32
      %mul3A_33 = arith.constant 128 : i32
      %mul3A_34 = arith.muli %add3A_30, %mul3A_33 : i32
      %add3A_35 = arith.addi %mul3A_32, %mul3A_34 : i32
      "tpu.region"() ({
        %run_scoped3A_47 = tpu.sem_alloc : memref<!tpu.dma_semaphore, #tpu.memory_space<semaphore_mem>>
        %dma_start3A = tpu.memref_slice %arg2[%add3A_35] : memref<163840xi32, #tpu.memory_space<hbm>> -> memref<128xi32, #tpu.memory_space<hbm>>
        %dma_start3A_48 = tpu.memref_slice %arg2[%add3A_35] : memref<163840xi32, #tpu.memory_space<hbm>> -> memref<128xi32, #tpu.memory_space<hbm>>
        tpu.enqueue_dma source(%dma_start3A_48 : memref<128xi32, #tpu.memory_space<hbm>>) target(%arg8 : memref<128xi32, #tpu.memory_space<vmem>>) target_semaphore(%run_scoped3A_47 : memref<!tpu.dma_semaphore, #tpu.memory_space<semaphore_mem>>)
        %dma_wait3A = tpu.memref_slice %arg2[%add3A_35] : memref<163840xi32, #tpu.memory_space<hbm>> -> memref<128xi32, #tpu.memory_space<hbm>>
        %dma_wait3A_49 = tpu.memref_slice %arg2[%add3A_35] : memref<163840xi32, #tpu.memory_space<hbm>> -> memref<128xi32, #tpu.memory_space<hbm>>
        tpu.wait_dma2 semaphore(%run_scoped3A_47 : memref<!tpu.dma_semaphore, #tpu.memory_space<semaphore_mem>>) src(%dma_wait3A_49 : memref<128xi32, #tpu.memory_space<hbm>>) dst(%arg8 : memref<128xi32, #tpu.memory_space<vmem>>)
        tpu.yield
      }) : () -> ()
      "tpu.region"() ({
        %run_scoped3A_47 = tpu.sem_alloc : memref<!tpu.dma_semaphore, #tpu.memory_space<semaphore_mem>>
        %dma_start3A = tpu.memref_slice %arg3[%add3A_35] : memref<163840xi32, #tpu.memory_space<hbm>> -> memref<128xi32, #tpu.memory_space<hbm>>
        %dma_start3A_48 = tpu.memref_slice %arg3[%add3A_35] : memref<163840xi32, #tpu.memory_space<hbm>> -> memref<128xi32, #tpu.memory_space<hbm>>
        tpu.enqueue_dma source(%dma_start3A_48 : memref<128xi32, #tpu.memory_space<hbm>>) target(%arg9 : memref<128xi32, #tpu.memory_space<vmem>>) target_semaphore(%run_scoped3A_47 : memref<!tpu.dma_semaphore, #tpu.memory_space<semaphore_mem>>)
        %dma_wait3A = tpu.memref_slice %arg3[%add3A_35] : memref<163840xi32, #tpu.memory_space<hbm>> -> memref<128xi32, #tpu.memory_space<hbm>>
        %dma_wait3A_49 = tpu.memref_slice %arg3[%add3A_35] : memref<163840xi32, #tpu.memory_space<hbm>> -> memref<128xi32, #tpu.memory_space<hbm>>
        tpu.wait_dma2 semaphore(%run_scoped3A_47 : memref<!tpu.dma_semaphore, #tpu.memory_space<semaphore_mem>>) src(%dma_wait3A_49 : memref<128xi32, #tpu.memory_space<hbm>>) dst(%arg9 : memref<128xi32, #tpu.memory_space<vmem>>)
        tpu.yield
      }) : () -> ()
      "tpu.region"() ({
        %run_scoped3A_47 = tpu.sem_alloc : memref<!tpu.dma_semaphore, #tpu.memory_space<semaphore_mem>>
        %dma_start3A = tpu.memref_slice %arg4[%add3A_35] : memref<163840xi32, #tpu.memory_space<hbm>> -> memref<128xi32, #tpu.memory_space<hbm>>
        %dma_start3A_48 = tpu.memref_slice %arg4[%add3A_35] : memref<163840xi32, #tpu.memory_space<hbm>> -> memref<128xi32, #tpu.memory_space<hbm>>
        tpu.enqueue_dma source(%dma_start3A_48 : memref<128xi32, #tpu.memory_space<hbm>>) target(%arg10 : memref<128xi32, #tpu.memory_space<vmem>>) target_semaphore(%run_scoped3A_47 : memref<!tpu.dma_semaphore, #tpu.memory_space<semaphore_mem>>)
        %dma_wait3A = tpu.memref_slice %arg4[%add3A_35] : memref<163840xi32, #tpu.memory_space<hbm>> -> memref<128xi32, #tpu.memory_space<hbm>>
        %dma_wait3A_49 = tpu.memref_slice %arg4[%add3A_35] : memref<163840xi32, #tpu.memory_space<hbm>> -> memref<128xi32, #tpu.memory_space<hbm>>
        tpu.wait_dma2 semaphore(%run_scoped3A_47 : memref<!tpu.dma_semaphore, #tpu.memory_space<semaphore_mem>>) src(%dma_wait3A_49 : memref<128xi32, #tpu.memory_space<hbm>>) dst(%arg10 : memref<128xi32, #tpu.memory_space<vmem>>)
        tpu.yield
      }) : () -> ()
      %scan3A_36 = arith.constant 0 : i32
      %scan3A_37 = arith.constant 8 : i32
      %scan3A_38 = arith.addi %scan3A_36, %scan3A_37 : i32
      %scan3A_39 = arith.constant 1 : i32
      scf.for %scan3A_47 = %scan3A_36 to %scan3A_38 step %scan3A_39  : i32 {
        %mul3A_48 = arith.constant 1 : i32
        %mul3A_49 = arith.muli %scan3A_47, %mul3A_48 : i32
        %add3A_50 = arith.constant 0 : i32
        %add3A_51 = arith.addi %add3A_50, %mul3A_49 : i32
        %mul3A_52 = arith.constant 16 : i32
        %mul3A_53 = arith.muli %add3A_51, %mul3A_52 : i32
        %get3A = arith.index_cast %mul3A_53 : i32 to index
        %get3A_54 = tpu.vector_load %arg10[%get3A] {strides = array<i32>} : memref<128xi32, #tpu.memory_space<vmem>>, vector<16xi32>,
        %get3A_55 = vector.shape_cast %get3A_54 : vector<16xi32> to vector<16xi32>
        %mul3A_56 = arith.constant 10000 : i32
        %mul3A_57 = vector.broadcast %mul3A_56 : i32 to vector<16xi32>
        %mul3A_58 = arith.muli %get3A_55, %mul3A_57 : vector<16xi32>
        %get3A_59 = arith.index_cast %mul3A_53 : i32 to index
        %get3A_60 = tpu.vector_load %arg9[%get3A_59] {strides = array<i32>} : memref<128xi32, #tpu.memory_space<vmem>>, vector<16xi32>,
        %get3A_61 = vector.shape_cast %get3A_60 : vector<16xi32> to vector<16xi32>
        %add3A_62 = arith.addi %mul3A_58, %get3A_61 : vector<16xi32>
        %swap3A = arith.index_cast %mul3A_53 : i32 to index
        %swap3A_63 = tpu.vector_load %arg11[%swap3A] {strides = array<i32>} : memref<128xi32, #tpu.memory_space<vmem>>, vector<16xi32>,
        %swap3A_64 = vector.shape_cast %swap3A_63 : vector<16xi32> to vector<16xi32>
        %swap3A_65 = vector.shape_cast %add3A_62 : vector<16xi32> to vector<16xi32>
        tpu.vector_store %arg11[%swap3A], %swap3A_65 {strides = array<i32>} : memref<128xi32, #tpu.memory_space<vmem>>, vector<16xi32>,
        %get3A_66 = arith.index_cast %mul3A_53 : i32 to index
        %get3A_67 = tpu.vector_load %arg8[%get3A_66] {strides = array<i32>} : memref<128xi32, #tpu.memory_space<vmem>>, vector<16xi32>,
        %get3A_68 = vector.shape_cast %get3A_67 : vector<16xi32> to vector<16xi32>
        %mul3A_69 = arith.constant 2 : i32
        %mul3A_70 = vector.broadcast %mul3A_69 : i32 to vector<16xi32>
        %mul3A_71 = arith.muli %get3A_68, %mul3A_70 : vector<16xi32>
        %swap3A_72 = arith.index_cast %mul3A_53 : i32 to index
        %swap3A_73 = tpu.vector_load %arg12[%swap3A_72] {strides = array<i32>} : memref<128xi32, #tpu.memory_space<vmem>>, vector<16xi32>,
        %swap3A_74 = vector.shape_cast %swap3A_73 : vector<16xi32> to vector<16xi32>
        %swap3A_75 = vector.shape_cast %mul3A_71 : vector<16xi32> to vector<16xi32>
        tpu.vector_store %arg12[%swap3A_72], %swap3A_75 {strides = array<i32>} : memref<128xi32, #tpu.memory_space<vmem>>, vector<16xi32>,
      }
      %scan3A_40 = arith.constant 8 : i32
      "tpu.region"() ({
        %run_scoped3A_47 = tpu.sem_alloc : memref<!tpu.dma_semaphore, #tpu.memory_space<semaphore_mem>>
        %dma_start3A = tpu.memref_slice %arg6[%add3A_35] : memref<163840xi32, #tpu.memory_space<hbm>> -> memref<128xi32, #tpu.memory_space<hbm>>
        %dma_start3A_48 = tpu.memref_slice %arg6[%add3A_35] : memref<163840xi32, #tpu.memory_space<hbm>> -> memref<128xi32, #tpu.memory_space<hbm>>
        tpu.enqueue_dma source(%arg11 : memref<128xi32, #tpu.memory_space<vmem>>) target(%dma_start3A_48 : memref<128xi32, #tpu.memory_space<hbm>>) target_semaphore(%run_scoped3A_47 : memref<!tpu.dma_semaphore, #tpu.memory_space<semaphore_mem>>)
        %dma_wait3A = tpu.memref_slice %arg6[%add3A_35] : memref<163840xi32, #tpu.memory_space<hbm>> -> memref<128xi32, #tpu.memory_space<hbm>>
        %dma_wait3A_49 = tpu.memref_slice %arg6[%add3A_35] : memref<163840xi32, #tpu.memory_space<hbm>> -> memref<128xi32, #tpu.memory_space<hbm>>
        tpu.wait_dma2 semaphore(%run_scoped3A_47 : memref<!tpu.dma_semaphore, #tpu.memory_space<semaphore_mem>>) src(%arg11 : memref<128xi32, #tpu.memory_space<vmem>>) dst(%dma_wait3A_49 : memref<128xi32, #tpu.memory_space<hbm>>)
        tpu.yield
      }) : () -> ()
      %run_scoped3A = arith.constant 0 : i32
      "tpu.region"() ({
        %run_scoped3A_47 = tpu.sem_alloc : memref<!tpu.dma_semaphore, #tpu.memory_space<semaphore_mem>>
        %dma_start3A = tpu.memref_slice %arg7[%run_scoped3A, %add3A_35] : memref<2x163840xi32, #tpu.memory_space<hbm>> -> memref<1x128xi32, #tpu.memory_space<hbm>>
        %dma_start3A_48 = tpu.memref_squeeze %dma_start3A : memref<1x128xi32, #tpu.memory_space<hbm>> -> memref<128xi32, #tpu.memory_space<hbm>>
        %dma_start3A_49 = tpu.memref_slice %arg7[%run_scoped3A, %add3A_35] : memref<2x163840xi32, #tpu.memory_space<hbm>> -> memref<1x128xi32, #tpu.memory_space<hbm>>
        %dma_start3A_50 = tpu.memref_squeeze %dma_start3A_49 : memref<1x128xi32, #tpu.memory_space<hbm>> -> memref<128xi32, #tpu.memory_space<hbm>>
        tpu.enqueue_dma source(%arg12 : memref<128xi32, #tpu.memory_space<vmem>>) target(%dma_start3A_50 : memref<128xi32, #tpu.memory_space<hbm>>) target_semaphore(%run_scoped3A_47 : memref<!tpu.dma_semaphore, #tpu.memory_space<semaphore_mem>>)
        %dma_wait3A = tpu.memref_slice %arg7[%run_scoped3A, %add3A_35] : memref<2x163840xi32, #tpu.memory_space<hbm>> -> memref<1x128xi32, #tpu.memory_space<hbm>>
        %dma_wait3A_51 = tpu.memref_squeeze %dma_wait3A : memref<1x128xi32, #tpu.memory_space<hbm>> -> memref<128xi32, #tpu.memory_space<hbm>>
        %dma_wait3A_52 = tpu.memref_slice %arg7[%run_scoped3A, %add3A_35] : memref<2x163840xi32, #tpu.memory_space<hbm>> -> memref<1x128xi32, #tpu.memory_space<hbm>>
        %dma_wait3A_53 = tpu.memref_squeeze %dma_wait3A_52 : memref<1x128xi32, #tpu.memory_space<hbm>> -> memref<128xi32, #tpu.memory_space<hbm>>
        tpu.wait_dma2 semaphore(%run_scoped3A_47 : memref<!tpu.dma_semaphore, #tpu.memory_space<semaphore_mem>>) src(%arg12 : memref<128xi32, #tpu.memory_space<vmem>>) dst(%dma_wait3A_53 : memref<128xi32, #tpu.memory_space<hbm>>)
        tpu.yield
      }) : () -> ()
      %scan3A_41 = arith.constant 0 : i32
      %scan3A_42 = arith.constant 8 : i32
      %scan3A_43 = arith.addi %scan3A_41, %scan3A_42 : i32
      %scan3A_44 = arith.constant 1 : i32
      scf.for %scan3A_47 = %scan3A_41 to %scan3A_43 step %scan3A_44  : i32 {
        %mul3A_48 = arith.constant 1 : i32
        %mul3A_49 = arith.muli %scan3A_47, %mul3A_48 : i32
        %add3A_50 = arith.constant 0 : i32
        %add3A_51 = arith.addi %add3A_50, %mul3A_49 : i32
        %mul3A_52 = arith.constant 16 : i32
        %mul3A_53 = arith.muli %add3A_51, %mul3A_52 : i32
        %get3A = arith.index_cast %mul3A_53 : i32 to index
        %get3A_54 = tpu.vector_load %arg12[%get3A] {strides = array<i32>} : memref<128xi32, #tpu.memory_space<vmem>>, vector<16xi32>,
        %get3A_55 = vector.shape_cast %get3A_54 : vector<16xi32> to vector<16xi32>
        %add3A_56 = arith.constant 1 : i32
        %add3A_57 = vector.broadcast %add3A_56 : i32 to vector<16xi32>
        %add3A_58 = arith.addi %get3A_55, %add3A_57 : vector<16xi32>
        %swap3A = arith.index_cast %mul3A_53 : i32 to index
        %swap3A_59 = tpu.vector_load %arg12[%swap3A] {strides = array<i32>} : memref<128xi32, #tpu.memory_space<vmem>>, vector<16xi32>,
        %swap3A_60 = vector.shape_cast %swap3A_59 : vector<16xi32> to vector<16xi32>
        %swap3A_61 = vector.shape_cast %add3A_58 : vector<16xi32> to vector<16xi32>
        tpu.vector_store %arg12[%swap3A], %swap3A_61 {strides = array<i32>} : memref<128xi32, #tpu.memory_space<vmem>>, vector<16xi32>,
      }
      %scan3A_45 = arith.constant 8 : i32
      %run_scoped3A_46 = arith.constant 1 : i32
      "tpu.region"() ({
        %run_scoped3A_47 = tpu.sem_alloc : memref<!tpu.dma_semaphore, #tpu.memory_space<semaphore_mem>>
        %dma_start3A = tpu.memref_slice %arg7[%run_scoped3A_46, %add3A_35] : memref<2x163840xi32, #tpu.memory_space<hbm>> -> memref<1x128xi32, #tpu.memory_space<hbm>>
        %dma_start3A_48 = tpu.memref_squeeze %dma_start3A : memref<1x128xi32, #tpu.memory_space<hbm>> -> memref<128xi32, #tpu.memory_space<hbm>>
        %dma_start3A_49 = tpu.memref_slice %arg7[%run_scoped3A_46, %add3A_35] : memref<2x163840xi32, #tpu.memory_space<hbm>> -> memref<1x128xi32, #tpu.memory_space<hbm>>
        %dma_start3A_50 = tpu.memref_squeeze %dma_start3A_49 : memref<1x128xi32, #tpu.memory_space<hbm>> -> memref<128xi32, #tpu.memory_space<hbm>>
        tpu.enqueue_dma source(%arg12 : memref<128xi32, #tpu.memory_space<vmem>>) target(%dma_start3A_50 : memref<128xi32, #tpu.memory_space<hbm>>) target_semaphore(%run_scoped3A_47 : memref<!tpu.dma_semaphore, #tpu.memory_space<semaphore_mem>>)
        %dma_wait3A = tpu.memref_slice %arg7[%run_scoped3A_46, %add3A_35] : memref<2x163840xi32, #tpu.memory_space<hbm>> -> memref<1x128xi32, #tpu.memory_space<hbm>>
        %dma_wait3A_51 = tpu.memref_squeeze %dma_wait3A : memref<1x128xi32, #tpu.memory_space<hbm>> -> memref<128xi32, #tpu.memory_space<hbm>>
        %dma_wait3A_52 = tpu.memref_slice %arg7[%run_scoped3A_46, %add3A_35] : memref<2x163840xi32, #tpu.memory_space<hbm>> -> memref<1x128xi32, #tpu.memory_space<hbm>>
        %dma_wait3A_53 = tpu.memref_squeeze %dma_wait3A_52 : memref<1x128xi32, #tpu.memory_space<hbm>> -> memref<128xi32, #tpu.memory_space<hbm>>
        tpu.wait_dma2 semaphore(%run_scoped3A_47 : memref<!tpu.dma_semaphore, #tpu.memory_space<semaphore_mem>>) src(%arg12 : memref<128xi32, #tpu.memory_space<vmem>>) dst(%dma_wait3A_53 : memref<128xi32, #tpu.memory_space<hbm>>)
        tpu.yield
      }) : () -> ()
      "tpu.region"() ({
        %run_scoped3A_47 = tpu.sem_alloc : memref<!tpu.dma_semaphore, #tpu.memory_space<semaphore_mem>>
        %dma_start3A = arith.constant 0 : i32
        %dma_start3A_48 = tpu.memref_slice %arg14[%dma_start3A] : memref<30080xf32, #tpu.memory_space<vmem_shared>> -> memref<30080xf32, #tpu.memory_space<vmem_shared>>
        tpu.enqueue_indirect_dma source(%arg13 : memref<128xf32, #tpu.memory_space<vmem>>) target(%dma_start3A_48 : memref<30080xf32, #tpu.memory_space<vmem_shared>>) offsets(%arg11 : memref<128xi32, #tpu.memory_space<vmem>>) semaphore(%run_scoped3A_47 : memref<!tpu.dma_semaphore, #tpu.memory_space<semaphore_mem>>) {add = true}
        %dma_wait3A = arith.constant 0 : i32
        %dma_wait3A_49 = tpu.memref_slice %arg14[%dma_wait3A] : memref<30080xf32, #tpu.memory_space<vmem_shared>> -> memref<30080xf32, #tpu.memory_space<vmem_shared>>
        tpu.wait_indirect_dma semaphore(%run_scoped3A_47 : memref<!tpu.dma_semaphore, #tpu.memory_space<semaphore_mem>>) src(%arg13 : memref<128xf32, #tpu.memory_space<vmem>>) dst(%dma_wait3A_49 : memref<30080xf32, #tpu.memory_space<vmem_shared>>)
        tpu.yield
      }) : () -> ()
    }
    %scan3A_19 = arith.constant 40 : i32
    %barrier3A_20 = arith.constant 0 : index
    tpu.barrier barrier_id(%barrier3A_20)
    %scan3A_21 = arith.constant 0 : i32
    %scan3A_22 = arith.constant 47 : i32
    %scan3A_23 = arith.addi %scan3A_21, %scan3A_22 : i32
    %scan3A_24 = arith.constant 1 : i32
    scf.for %scan3A_26 = %scan3A_21 to %scan3A_23 step %scan3A_24  : i32 {
      %mul3A_27 = arith.constant 1 : i32
      %mul3A_28 = arith.muli %scan3A_26, %mul3A_27 : i32
      %add3A_29 = arith.constant 0 : i32
      %add3A_30 = arith.addi %add3A_29, %mul3A_28 : i32
      %mul3A_31 = arith.constant 1880 : i32
      %mul3A_32 = arith.muli %arg1, %mul3A_31 : i32
      %mul3A_33 = arith.constant 40 : i32
      %mul3A_34 = arith.muli %add3A_30, %mul3A_33 : i32
      %add3A_35 = arith.addi %mul3A_32, %mul3A_34 : i32
      "tpu.region"() ({
        %run_scoped3A = tpu.sem_alloc : memref<!tpu.dma_semaphore, #tpu.memory_space<semaphore_mem>>
        %dma_start3A = tpu.memref_slice %arg5[%arg0, %add3A_35] : memref<2x30080xf32, #tpu.memory_space<hbm>> -> memref<1x40xf32, #tpu.memory_space<hbm>>
        %dma_start3A_36 = tpu.memref_squeeze %dma_start3A : memref<1x40xf32, #tpu.memory_space<hbm>> -> memref<40xf32, #tpu.memory_space<hbm>>
        %dma_start3A_37 = tpu.memref_slice %arg14[%add3A_35] : memref<30080xf32, #tpu.memory_space<vmem_shared>> -> memref<40xf32, #tpu.memory_space<vmem_shared>>
        tpu.enqueue_dma source(%dma_start3A_37 : memref<40xf32, #tpu.memory_space<vmem_shared>>) target(%dma_start3A_36 : memref<40xf32, #tpu.memory_space<hbm>>) target_semaphore(%run_scoped3A : memref<!tpu.dma_semaphore, #tpu.memory_space<semaphore_mem>>)
        %dma_wait3A = tpu.memref_slice %arg5[%arg0, %add3A_35] : memref<2x30080xf32, #tpu.memory_space<hbm>> -> memref<1x40xf32, #tpu.memory_space<hbm>>
        %dma_wait3A_38 = tpu.memref_squeeze %dma_wait3A : memref<1x40xf32, #tpu.memory_space<hbm>> -> memref<40xf32, #tpu.memory_space<hbm>>
        %dma_wait3A_39 = tpu.memref_slice %arg14[%add3A_35] : memref<30080xf32, #tpu.memory_space<vmem_shared>> -> memref<40xf32, #tpu.memory_space<vmem_shared>>
        tpu.wait_dma2 semaphore(%run_scoped3A : memref<!tpu.dma_semaphore, #tpu.memory_space<semaphore_mem>>) src(%dma_wait3A_39 : memref<40xf32, #tpu.memory_space<vmem_shared>>) dst(%dma_wait3A_38 : memref<40xf32, #tpu.memory_space<hbm>>)
        tpu.yield
      }) : () -> ()
    }
    %scan3A_25 = arith.constant 47 : i32
    return
  }
}

#map = affine_map<(d0, d1) -> (0, 0)>
#map1 = affine_map<(d0, d1) -> (0, 0, 0)>
#map2 = affine_map<(d0, d1) -> (0)>
module attributes {stable_mosaic.version = 14 : i64} {
  func.func @layer_scatter(%arg0: i32, %arg1: i32, %arg2: memref<20000x64xf32, #tpu.memory_space<hbm>>, %arg3: memref<2x163840x64xf32, #tpu.memory_space<hbm>>, %arg4: memref<2x163840xi32, #tpu.memory_space<hbm>>, %arg5: memref<163840xi32, #tpu.memory_space<hbm>>, %arg6: memref<2x30080x64xf32, #tpu.memory_space<hbm>>, %arg7: memref<64xi32, #tpu.memory_space<vmem>>, %arg8: memref<64xi32, #tpu.memory_space<vmem>>, %arg9: memref<64x64xf32, #tpu.memory_space<vmem>>, %arg10: memref<64x64xf32, #tpu.memory_space<vmem>>, %arg11: memref<30080x64xf32, #tpu.memory_space<vmem_shared>>) attributes {dimension_semantics = [#tpu.dimension_semantics<core_parallel>, #tpu.dimension_semantics<subcore_parallel>], iteration_bounds = array<i64: 2, 16>, scalar_prefetch = 0 : i64, scratch_operands = 5 : i64, tpu.core_type = #tpu.core_type<sc_vector_subcore>, window_params = [{transform_indices = #map}, {transform_indices = #map1}, {transform_indices = #map}, {transform_indices = #map2}, {transform_indices = #map1}]} {
    %scan3A = arith.constant 0 : i32
    %scan3A_0 = arith.constant 64 : i32
    %scan3A_1 = arith.addi %scan3A, %scan3A_0 : i32
    %scan3A_2 = arith.constant 1 : i32
    scf.for %scan3A_20 = %scan3A to %scan3A_1 step %scan3A_2  : i32 {
      %mul3A = arith.constant 1 : i32
      %mul3A_21 = arith.muli %scan3A_20, %mul3A : i32
      %add3A = arith.constant 0 : i32
      %add3A_22 = arith.addi %add3A, %mul3A_21 : i32
      %broadcast_in_dim3A = arith.constant 0.000000e+00 : f32
      %broadcast_in_dim3A_23 = vector.broadcast %broadcast_in_dim3A : f32 to vector<16xf32>
      %swap3A = arith.index_cast %add3A_22 : i32 to index
      %swap3A_24 = arith.constant 0 : index
      %swap3A_25 = tpu.vector_load %arg10[%swap3A, %swap3A_24] {strides = array<i32>} : memref<64x64xf32, #tpu.memory_space<vmem>>, vector<1x16xf32>,
      %swap3A_26 = vector.shape_cast %swap3A_25 : vector<1x16xf32> to vector<16xf32>
      %swap3A_27 = vector.shape_cast %broadcast_in_dim3A_23 : vector<16xf32> to vector<1x16xf32>
      tpu.vector_store %arg10[%swap3A, %swap3A_24], %swap3A_27 {strides = array<i32>} : memref<64x64xf32, #tpu.memory_space<vmem>>, vector<1x16xf32>,
      %broadcast_in_dim3A_28 = arith.constant 0.000000e+00 : f32
      %broadcast_in_dim3A_29 = vector.broadcast %broadcast_in_dim3A_28 : f32 to vector<16xf32>
      %swap3A_30 = arith.index_cast %add3A_22 : i32 to index
      %swap3A_31 = arith.constant 16 : index
      %swap3A_32 = tpu.vector_load %arg10[%swap3A_30, %swap3A_31] {strides = array<i32>} : memref<64x64xf32, #tpu.memory_space<vmem>>, vector<1x16xf32>,
      %swap3A_33 = vector.shape_cast %swap3A_32 : vector<1x16xf32> to vector<16xf32>
      %swap3A_34 = vector.shape_cast %broadcast_in_dim3A_29 : vector<16xf32> to vector<1x16xf32>
      tpu.vector_store %arg10[%swap3A_30, %swap3A_31], %swap3A_34 {strides = array<i32>} : memref<64x64xf32, #tpu.memory_space<vmem>>, vector<1x16xf32>,
      %broadcast_in_dim3A_35 = arith.constant 0.000000e+00 : f32
      %broadcast_in_dim3A_36 = vector.broadcast %broadcast_in_dim3A_35 : f32 to vector<16xf32>
      %swap3A_37 = arith.index_cast %add3A_22 : i32 to index
      %swap3A_38 = arith.constant 32 : index
      %swap3A_39 = tpu.vector_load %arg10[%swap3A_37, %swap3A_38] {strides = array<i32>} : memref<64x64xf32, #tpu.memory_space<vmem>>, vector<1x16xf32>,
      %swap3A_40 = vector.shape_cast %swap3A_39 : vector<1x16xf32> to vector<16xf32>
      %swap3A_41 = vector.shape_cast %broadcast_in_dim3A_36 : vector<16xf32> to vector<1x16xf32>
      tpu.vector_store %arg10[%swap3A_37, %swap3A_38], %swap3A_41 {strides = array<i32>} : memref<64x64xf32, #tpu.memory_space<vmem>>, vector<1x16xf32>,
      %broadcast_in_dim3A_42 = arith.constant 0.000000e+00 : f32
      %broadcast_in_dim3A_43 = vector.broadcast %broadcast_in_dim3A_42 : f32 to vector<16xf32>
      %swap3A_44 = arith.index_cast %add3A_22 : i32 to index
      %swap3A_45 = arith.constant 48 : index
      %swap3A_46 = tpu.vector_load %arg10[%swap3A_44, %swap3A_45] {strides = array<i32>} : memref<64x64xf32, #tpu.memory_space<vmem>>, vector<1x16xf32>,
      %swap3A_47 = vector.shape_cast %swap3A_46 : vector<1x16xf32> to vector<16xf32>
      %swap3A_48 = vector.shape_cast %broadcast_in_dim3A_43 : vector<16xf32> to vector<1x16xf32>
      tpu.vector_store %arg10[%swap3A_44, %swap3A_45], %swap3A_48 {strides = array<i32>} : memref<64x64xf32, #tpu.memory_space<vmem>>, vector<1x16xf32>,
    }
    %scan3A_3 = arith.constant 64 : i32
    %scan3A_4 = arith.constant 0 : i32
    %scan3A_5 = arith.constant 47 : i32
    %scan3A_6 = arith.addi %scan3A_4, %scan3A_5 : i32
    %scan3A_7 = arith.constant 1 : i32
    scf.for %scan3A_20 = %scan3A_4 to %scan3A_6 step %scan3A_7  : i32 {
      %mul3A = arith.constant 1 : i32
      %mul3A_21 = arith.muli %scan3A_20, %mul3A : i32
      %add3A = arith.constant 0 : i32
      %add3A_22 = arith.addi %add3A, %mul3A_21 : i32
      %mul3A_23 = arith.constant 1880 : i32
      %mul3A_24 = arith.muli %arg1, %mul3A_23 : i32
      %mul3A_25 = arith.constant 40 : i32
      %mul3A_26 = arith.muli %add3A_22, %mul3A_25 : i32
      %add3A_27 = arith.addi %mul3A_24, %mul3A_26 : i32
      "tpu.region"() ({
        %run_scoped3A = tpu.sem_alloc : memref<!tpu.dma_semaphore, #tpu.memory_space<semaphore_mem>>
        %dma_start3A = arith.constant 0 : i32
        %dma_start3A_28 = arith.constant 0 : i32
        %dma_start3A_29 = tpu.memref_slice %arg10[%dma_start3A, %dma_start3A_28] : memref<64x64xf32, #tpu.memory_space<vmem>> -> memref<40x64xf32, #tpu.memory_space<vmem>>
        %dma_start3A_30 = arith.constant 0 : i32
        %dma_start3A_31 = tpu.memref_slice %arg11[%add3A_27, %dma_start3A_30] : memref<30080x64xf32, #tpu.memory_space<vmem_shared>> -> memref<40x64xf32, #tpu.memory_space<vmem_shared>>
        %dma_start3A_32 = arith.constant 0 : i32
        %dma_start3A_33 = tpu.memref_slice %arg11[%add3A_27, %dma_start3A_32] : memref<30080x64xf32, #tpu.memory_space<vmem_shared>> -> memref<40x64xf32, #tpu.memory_space<vmem_shared>>
        %dma_start3A_34 = arith.constant 0 : i32
        %dma_start3A_35 = arith.constant 0 : i32
        %dma_start3A_36 = tpu.memref_slice %arg10[%dma_start3A_34, %dma_start3A_35] : memref<64x64xf32, #tpu.memory_space<vmem>> -> memref<40x64xf32, #tpu.memory_space<vmem>>
        tpu.enqueue_dma source(%dma_start3A_36 : memref<40x64xf32, #tpu.memory_space<vmem>>) target(%dma_start3A_33 : memref<40x64xf32, #tpu.memory_space<vmem_shared>>) target_semaphore(%run_scoped3A : memref<!tpu.dma_semaphore, #tpu.memory_space<semaphore_mem>>)
        %dma_wait3A = arith.constant 0 : i32
        %dma_wait3A_37 = arith.constant 0 : i32
        %dma_wait3A_38 = tpu.memref_slice %arg10[%dma_wait3A, %dma_wait3A_37] : memref<64x64xf32, #tpu.memory_space<vmem>> -> memref<40x64xf32, #tpu.memory_space<vmem>>
        %dma_wait3A_39 = arith.constant 0 : i32
        %dma_wait3A_40 = tpu.memref_slice %arg11[%add3A_27, %dma_wait3A_39] : memref<30080x64xf32, #tpu.memory_space<vmem_shared>> -> memref<40x64xf32, #tpu.memory_space<vmem_shared>>
        %dma_wait3A_41 = arith.constant 0 : i32
        %dma_wait3A_42 = tpu.memref_slice %arg11[%add3A_27, %dma_wait3A_41] : memref<30080x64xf32, #tpu.memory_space<vmem_shared>> -> memref<40x64xf32, #tpu.memory_space<vmem_shared>>
        %dma_wait3A_43 = arith.constant 0 : i32
        %dma_wait3A_44 = arith.constant 0 : i32
        %dma_wait3A_45 = tpu.memref_slice %arg10[%dma_wait3A_43, %dma_wait3A_44] : memref<64x64xf32, #tpu.memory_space<vmem>> -> memref<40x64xf32, #tpu.memory_space<vmem>>
        tpu.wait_dma2 semaphore(%run_scoped3A : memref<!tpu.dma_semaphore, #tpu.memory_space<semaphore_mem>>) src(%dma_wait3A_45 : memref<40x64xf32, #tpu.memory_space<vmem>>) dst(%dma_wait3A_42 : memref<40x64xf32, #tpu.memory_space<vmem_shared>>)
        tpu.yield
      }) : () -> ()
    }
    %scan3A_8 = arith.constant 47 : i32
    %barrier3A = arith.constant 0 : index
    tpu.barrier barrier_id(%barrier3A)
    %scan3A_9 = arith.constant 0 : i32
    %scan3A_10 = arith.constant 160 : i32
    %scan3A_11 = arith.addi %scan3A_9, %scan3A_10 : i32
    %scan3A_12 = arith.constant 1 : i32
    scf.for %scan3A_20 = %scan3A_9 to %scan3A_11 step %scan3A_12  : i32 {
      %mul3A = arith.constant 1 : i32
      %mul3A_21 = arith.muli %scan3A_20, %mul3A : i32
      %add3A = arith.constant 0 : i32
      %add3A_22 = arith.addi %add3A, %mul3A_21 : i32
      %mul3A_23 = arith.constant 10240 : i32
      %mul3A_24 = arith.muli %arg1, %mul3A_23 : i32
      %mul3A_25 = arith.constant 64 : i32
      %mul3A_26 = arith.muli %add3A_22, %mul3A_25 : i32
      %add3A_27 = arith.addi %mul3A_24, %mul3A_26 : i32
      "tpu.region"() ({
        %run_scoped3A = tpu.sem_alloc : memref<!tpu.dma_semaphore, #tpu.memory_space<semaphore_mem>>
        %dma_start3A = tpu.memref_slice %arg4[%arg0, %add3A_27] : memref<2x163840xi32, #tpu.memory_space<hbm>> -> memref<1x64xi32, #tpu.memory_space<hbm>>
        %dma_start3A_33 = tpu.memref_squeeze %dma_start3A : memref<1x64xi32, #tpu.memory_space<hbm>> -> memref<64xi32, #tpu.memory_space<hbm>>
        %dma_start3A_34 = tpu.memref_slice %arg4[%arg0, %add3A_27] : memref<2x163840xi32, #tpu.memory_space<hbm>> -> memref<1x64xi32, #tpu.memory_space<hbm>>
        %dma_start3A_35 = tpu.memref_squeeze %dma_start3A_34 : memref<1x64xi32, #tpu.memory_space<hbm>> -> memref<64xi32, #tpu.memory_space<hbm>>
        tpu.enqueue_dma source(%dma_start3A_35 : memref<64xi32, #tpu.memory_space<hbm>>) target(%arg7 : memref<64xi32, #tpu.memory_space<vmem>>) target_semaphore(%run_scoped3A : memref<!tpu.dma_semaphore, #tpu.memory_space<semaphore_mem>>)
        %dma_wait3A = tpu.memref_slice %arg4[%arg0, %add3A_27] : memref<2x163840xi32, #tpu.memory_space<hbm>> -> memref<1x64xi32, #tpu.memory_space<hbm>>
        %dma_wait3A_36 = tpu.memref_squeeze %dma_wait3A : memref<1x64xi32, #tpu.memory_space<hbm>> -> memref<64xi32, #tpu.memory_space<hbm>>
        %dma_wait3A_37 = tpu.memref_slice %arg4[%arg0, %add3A_27] : memref<2x163840xi32, #tpu.memory_space<hbm>> -> memref<1x64xi32, #tpu.memory_space<hbm>>
        %dma_wait3A_38 = tpu.memref_squeeze %dma_wait3A_37 : memref<1x64xi32, #tpu.memory_space<hbm>> -> memref<64xi32, #tpu.memory_space<hbm>>
        tpu.wait_dma2 semaphore(%run_scoped3A : memref<!tpu.dma_semaphore, #tpu.memory_space<semaphore_mem>>) src(%dma_wait3A_38 : memref<64xi32, #tpu.memory_space<hbm>>) dst(%arg7 : memref<64xi32, #tpu.memory_space<vmem>>)
        tpu.yield
      }) : () -> ()
      "tpu.region"() ({
        %run_scoped3A = tpu.sem_alloc : memref<!tpu.dma_semaphore, #tpu.memory_space<semaphore_mem>>
        %dma_start3A = tpu.memref_slice %arg5[%add3A_27] : memref<163840xi32, #tpu.memory_space<hbm>> -> memref<64xi32, #tpu.memory_space<hbm>>
        %dma_start3A_33 = tpu.memref_slice %arg5[%add3A_27] : memref<163840xi32, #tpu.memory_space<hbm>> -> memref<64xi32, #tpu.memory_space<hbm>>
        tpu.enqueue_dma source(%dma_start3A_33 : memref<64xi32, #tpu.memory_space<hbm>>) target(%arg8 : memref<64xi32, #tpu.memory_space<vmem>>) target_semaphore(%run_scoped3A : memref<!tpu.dma_semaphore, #tpu.memory_space<semaphore_mem>>)
        %dma_wait3A = tpu.memref_slice %arg5[%add3A_27] : memref<163840xi32, #tpu.memory_space<hbm>> -> memref<64xi32, #tpu.memory_space<hbm>>
        %dma_wait3A_34 = tpu.memref_slice %arg5[%add3A_27] : memref<163840xi32, #tpu.memory_space<hbm>> -> memref<64xi32, #tpu.memory_space<hbm>>
        tpu.wait_dma2 semaphore(%run_scoped3A : memref<!tpu.dma_semaphore, #tpu.memory_space<semaphore_mem>>) src(%dma_wait3A_34 : memref<64xi32, #tpu.memory_space<hbm>>) dst(%arg8 : memref<64xi32, #tpu.memory_space<vmem>>)
        tpu.yield
      }) : () -> ()
      "tpu.region"() ({
        %run_scoped3A = tpu.sem_alloc : memref<!tpu.dma_semaphore, #tpu.memory_space<semaphore_mem>>
        %dma_start3A = arith.constant 0 : i32
        %dma_start3A_33 = tpu.memref_slice %arg3[%arg0, %add3A_27, %dma_start3A] : memref<2x163840x64xf32, #tpu.memory_space<hbm>> -> memref<1x64x64xf32, #tpu.memory_space<hbm>>
        %dma_start3A_34 = tpu.memref_squeeze %dma_start3A_33 : memref<1x64x64xf32, #tpu.memory_space<hbm>> -> memref<64x64xf32, #tpu.memory_space<hbm>>
        %dma_start3A_35 = arith.constant 0 : i32
        %dma_start3A_36 = tpu.memref_slice %arg3[%arg0, %add3A_27, %dma_start3A_35] : memref<2x163840x64xf32, #tpu.memory_space<hbm>> -> memref<1x64x64xf32, #tpu.memory_space<hbm>>
        %dma_start3A_37 = tpu.memref_squeeze %dma_start3A_36 : memref<1x64x64xf32, #tpu.memory_space<hbm>> -> memref<64x64xf32, #tpu.memory_space<hbm>>
        tpu.enqueue_dma source(%dma_start3A_37 : memref<64x64xf32, #tpu.memory_space<hbm>>) target(%arg10 : memref<64x64xf32, #tpu.memory_space<vmem>>) target_semaphore(%run_scoped3A : memref<!tpu.dma_semaphore, #tpu.memory_space<semaphore_mem>>)
        %dma_wait3A = arith.constant 0 : i32
        %dma_wait3A_38 = tpu.memref_slice %arg3[%arg0, %add3A_27, %dma_wait3A] : memref<2x163840x64xf32, #tpu.memory_space<hbm>> -> memref<1x64x64xf32, #tpu.memory_space<hbm>>
        %dma_wait3A_39 = tpu.memref_squeeze %dma_wait3A_38 : memref<1x64x64xf32, #tpu.memory_space<hbm>> -> memref<64x64xf32, #tpu.memory_space<hbm>>
        %dma_wait3A_40 = arith.constant 0 : i32
        %dma_wait3A_41 = tpu.memref_slice %arg3[%arg0, %add3A_27, %dma_wait3A_40] : memref<2x163840x64xf32, #tpu.memory_space<hbm>> -> memref<1x64x64xf32, #tpu.memory_space<hbm>>
        %dma_wait3A_42 = tpu.memref_squeeze %dma_wait3A_41 : memref<1x64x64xf32, #tpu.memory_space<hbm>> -> memref<64x64xf32, #tpu.memory_space<hbm>>
        tpu.wait_dma2 semaphore(%run_scoped3A : memref<!tpu.dma_semaphore, #tpu.memory_space<semaphore_mem>>) src(%dma_wait3A_42 : memref<64x64xf32, #tpu.memory_space<hbm>>) dst(%arg10 : memref<64x64xf32, #tpu.memory_space<vmem>>)
        tpu.yield
      }) : () -> ()
      "tpu.region"() ({
        %run_scoped3A = tpu.sem_alloc : memref<!tpu.dma_semaphore, #tpu.memory_space<semaphore_mem>>
        %dma_start3A = arith.constant 0 : i32
        %dma_start3A_33 = arith.constant 0 : i32
        %dma_start3A_34 = tpu.memref_slice %arg2[%dma_start3A, %dma_start3A_33] : memref<20000x64xf32, #tpu.memory_space<hbm>> -> memref<20000x64xf32, #tpu.memory_space<hbm>>
        tpu.enqueue_indirect_dma source(%dma_start3A_34 : memref<20000x64xf32, #tpu.memory_space<hbm>>) target(%arg9 : memref<64x64xf32, #tpu.memory_space<vmem>>) offsets(%arg7 : memref<64xi32, #tpu.memory_space<vmem>>) semaphore(%run_scoped3A : memref<!tpu.dma_semaphore, #tpu.memory_space<semaphore_mem>>)
        %dma_wait3A = arith.constant 0 : i32
        %dma_wait3A_35 = arith.constant 0 : i32
        %dma_wait3A_36 = tpu.memref_slice %arg2[%dma_wait3A, %dma_wait3A_35] : memref<20000x64xf32, #tpu.memory_space<hbm>> -> memref<20000x64xf32, #tpu.memory_space<hbm>>
        tpu.wait_indirect_dma semaphore(%run_scoped3A : memref<!tpu.dma_semaphore, #tpu.memory_space<semaphore_mem>>) src(%dma_wait3A_36 : memref<20000x64xf32, #tpu.memory_space<hbm>>) dst(%arg9 : memref<64x64xf32, #tpu.memory_space<vmem>>)
        tpu.yield
      }) : () -> ()
      %scan3A_28 = arith.constant 0 : i32
      %scan3A_29 = arith.constant 64 : i32
      %scan3A_30 = arith.addi %scan3A_28, %scan3A_29 : i32
      %scan3A_31 = arith.constant 1 : i32
      scf.for %scan3A_33 = %scan3A_28 to %scan3A_30 step %scan3A_31  : i32 {
        %mul3A_34 = arith.constant 1 : i32
        %mul3A_35 = arith.muli %scan3A_33, %mul3A_34 : i32
        %add3A_36 = arith.constant 0 : i32
        %add3A_37 = arith.addi %add3A_36, %mul3A_35 : i32
        %get3A = arith.index_cast %add3A_37 : i32 to index
        %get3A_38 = arith.constant 0 : index
        %get3A_39 = tpu.vector_load %arg9[%get3A, %get3A_38] {strides = array<i32>} : memref<64x64xf32, #tpu.memory_space<vmem>>, vector<1x16xf32>,
        %get3A_40 = vector.shape_cast %get3A_39 : vector<1x16xf32> to vector<16xf32>
        %get3A_41 = arith.index_cast %add3A_37 : i32 to index
        %get3A_42 = arith.constant 0 : index
        %get3A_43 = tpu.vector_load %arg10[%get3A_41, %get3A_42] {strides = array<i32>} : memref<64x64xf32, #tpu.memory_space<vmem>>, vector<1x16xf32>,
        %get3A_44 = vector.shape_cast %get3A_43 : vector<1x16xf32> to vector<16xf32>
        %mul3A_45 = arith.mulf %get3A_40, %get3A_44 : vector<16xf32>
        %max3A = arith.constant 0.000000e+00 : f32
        %max3A_46 = vector.broadcast %max3A : f32 to vector<16xf32>
        %max3A_47 = arith.maximumf %mul3A_45, %max3A_46 : vector<16xf32>
        %swap3A = arith.index_cast %add3A_37 : i32 to index
        %swap3A_48 = arith.constant 0 : index
        %swap3A_49 = tpu.vector_load %arg9[%swap3A, %swap3A_48] {strides = array<i32>} : memref<64x64xf32, #tpu.memory_space<vmem>>, vector<1x16xf32>,
        %swap3A_50 = vector.shape_cast %swap3A_49 : vector<1x16xf32> to vector<16xf32>
        %swap3A_51 = vector.shape_cast %max3A_47 : vector<16xf32> to vector<1x16xf32>
        tpu.vector_store %arg9[%swap3A, %swap3A_48], %swap3A_51 {strides = array<i32>} : memref<64x64xf32, #tpu.memory_space<vmem>>, vector<1x16xf32>,
        %get3A_52 = arith.index_cast %add3A_37 : i32 to index
        %get3A_53 = arith.constant 16 : index
        %get3A_54 = tpu.vector_load %arg9[%get3A_52, %get3A_53] {strides = array<i32>} : memref<64x64xf32, #tpu.memory_space<vmem>>, vector<1x16xf32>,
        %get3A_55 = vector.shape_cast %get3A_54 : vector<1x16xf32> to vector<16xf32>
        %get3A_56 = arith.index_cast %add3A_37 : i32 to index
        %get3A_57 = arith.constant 16 : index
        %get3A_58 = tpu.vector_load %arg10[%get3A_56, %get3A_57] {strides = array<i32>} : memref<64x64xf32, #tpu.memory_space<vmem>>, vector<1x16xf32>,
        %get3A_59 = vector.shape_cast %get3A_58 : vector<1x16xf32> to vector<16xf32>
        %mul3A_60 = arith.mulf %get3A_55, %get3A_59 : vector<16xf32>
        %max3A_61 = arith.constant 0.000000e+00 : f32
        %max3A_62 = vector.broadcast %max3A_61 : f32 to vector<16xf32>
        %max3A_63 = arith.maximumf %mul3A_60, %max3A_62 : vector<16xf32>
        %swap3A_64 = arith.index_cast %add3A_37 : i32 to index
        %swap3A_65 = arith.constant 16 : index
        %swap3A_66 = tpu.vector_load %arg9[%swap3A_64, %swap3A_65] {strides = array<i32>} : memref<64x64xf32, #tpu.memory_space<vmem>>, vector<1x16xf32>,
        %swap3A_67 = vector.shape_cast %swap3A_66 : vector<1x16xf32> to vector<16xf32>
        %swap3A_68 = vector.shape_cast %max3A_63 : vector<16xf32> to vector<1x16xf32>
        tpu.vector_store %arg9[%swap3A_64, %swap3A_65], %swap3A_68 {strides = array<i32>} : memref<64x64xf32, #tpu.memory_space<vmem>>, vector<1x16xf32>,
        %get3A_69 = arith.index_cast %add3A_37 : i32 to index
        %get3A_70 = arith.constant 32 : index
        %get3A_71 = tpu.vector_load %arg9[%get3A_69, %get3A_70] {strides = array<i32>} : memref<64x64xf32, #tpu.memory_space<vmem>>, vector<1x16xf32>,
        %get3A_72 = vector.shape_cast %get3A_71 : vector<1x16xf32> to vector<16xf32>
        %get3A_73 = arith.index_cast %add3A_37 : i32 to index
        %get3A_74 = arith.constant 32 : index
        %get3A_75 = tpu.vector_load %arg10[%get3A_73, %get3A_74] {strides = array<i32>} : memref<64x64xf32, #tpu.memory_space<vmem>>, vector<1x16xf32>,
        %get3A_76 = vector.shape_cast %get3A_75 : vector<1x16xf32> to vector<16xf32>
        %mul3A_77 = arith.mulf %get3A_72, %get3A_76 : vector<16xf32>
        %max3A_78 = arith.constant 0.000000e+00 : f32
        %max3A_79 = vector.broadcast %max3A_78 : f32 to vector<16xf32>
        %max3A_80 = arith.maximumf %mul3A_77, %max3A_79 : vector<16xf32>
        %swap3A_81 = arith.index_cast %add3A_37 : i32 to index
        %swap3A_82 = arith.constant 32 : index
        %swap3A_83 = tpu.vector_load %arg9[%swap3A_81, %swap3A_82] {strides = array<i32>} : memref<64x64xf32, #tpu.memory_space<vmem>>, vector<1x16xf32>,
        %swap3A_84 = vector.shape_cast %swap3A_83 : vector<1x16xf32> to vector<16xf32>
        %swap3A_85 = vector.shape_cast %max3A_80 : vector<16xf32> to vector<1x16xf32>
        tpu.vector_store %arg9[%swap3A_81, %swap3A_82], %swap3A_85 {strides = array<i32>} : memref<64x64xf32, #tpu.memory_space<vmem>>, vector<1x16xf32>,
        %get3A_86 = arith.index_cast %add3A_37 : i32 to index
        %get3A_87 = arith.constant 48 : index
        %get3A_88 = tpu.vector_load %arg9[%get3A_86, %get3A_87] {strides = array<i32>} : memref<64x64xf32, #tpu.memory_space<vmem>>, vector<1x16xf32>,
        %get3A_89 = vector.shape_cast %get3A_88 : vector<1x16xf32> to vector<16xf32>
        %get3A_90 = arith.index_cast %add3A_37 : i32 to index
        %get3A_91 = arith.constant 48 : index
        %get3A_92 = tpu.vector_load %arg10[%get3A_90, %get3A_91] {strides = array<i32>} : memref<64x64xf32, #tpu.memory_space<vmem>>, vector<1x16xf32>,
        %get3A_93 = vector.shape_cast %get3A_92 : vector<1x16xf32> to vector<16xf32>
        %mul3A_94 = arith.mulf %get3A_89, %get3A_93 : vector<16xf32>
        %max3A_95 = arith.constant 0.000000e+00 : f32
        %max3A_96 = vector.broadcast %max3A_95 : f32 to vector<16xf32>
        %max3A_97 = arith.maximumf %mul3A_94, %max3A_96 : vector<16xf32>
        %swap3A_98 = arith.index_cast %add3A_37 : i32 to index
        %swap3A_99 = arith.constant 48 : index
        %swap3A_100 = tpu.vector_load %arg9[%swap3A_98, %swap3A_99] {strides = array<i32>} : memref<64x64xf32, #tpu.memory_space<vmem>>, vector<1x16xf32>,
        %swap3A_101 = vector.shape_cast %swap3A_100 : vector<1x16xf32> to vector<16xf32>
        %swap3A_102 = vector.shape_cast %max3A_97 : vector<16xf32> to vector<1x16xf32>
        tpu.vector_store %arg9[%swap3A_98, %swap3A_99], %swap3A_102 {strides = array<i32>} : memref<64x64xf32, #tpu.memory_space<vmem>>, vector<1x16xf32>,
      }
      %scan3A_32 = arith.constant 64 : i32
      "tpu.region"() ({
        %run_scoped3A = tpu.sem_alloc : memref<!tpu.dma_semaphore, #tpu.memory_space<semaphore_mem>>
        %dma_start3A = arith.constant 0 : i32
        %dma_start3A_33 = arith.constant 0 : i32
        %dma_start3A_34 = tpu.memref_slice %arg11[%dma_start3A, %dma_start3A_33] : memref<30080x64xf32, #tpu.memory_space<vmem_shared>> -> memref<30080x64xf32, #tpu.memory_space<vmem_shared>>
        tpu.enqueue_indirect_dma source(%arg9 : memref<64x64xf32, #tpu.memory_space<vmem>>) target(%dma_start3A_34 : memref<30080x64xf32, #tpu.memory_space<vmem_shared>>) offsets(%arg8 : memref<64xi32, #tpu.memory_space<vmem>>) semaphore(%run_scoped3A : memref<!tpu.dma_semaphore, #tpu.memory_space<semaphore_mem>>) {add = true}
        %dma_wait3A = arith.constant 0 : i32
        %dma_wait3A_35 = arith.constant 0 : i32
        %dma_wait3A_36 = tpu.memref_slice %arg11[%dma_wait3A, %dma_wait3A_35] : memref<30080x64xf32, #tpu.memory_space<vmem_shared>> -> memref<30080x64xf32, #tpu.memory_space<vmem_shared>>
        tpu.wait_indirect_dma semaphore(%run_scoped3A : memref<!tpu.dma_semaphore, #tpu.memory_space<semaphore_mem>>) src(%arg9 : memref<64x64xf32, #tpu.memory_space<vmem>>) dst(%dma_wait3A_36 : memref<30080x64xf32, #tpu.memory_space<vmem_shared>>)
        tpu.yield
      }) : () -> ()
    }
    %scan3A_13 = arith.constant 160 : i32
    %barrier3A_14 = arith.constant 0 : index
    tpu.barrier barrier_id(%barrier3A_14)
    %scan3A_15 = arith.constant 0 : i32
    %scan3A_16 = arith.constant 47 : i32
    %scan3A_17 = arith.addi %scan3A_15, %scan3A_16 : i32
    %scan3A_18 = arith.constant 1 : i32
    scf.for %scan3A_20 = %scan3A_15 to %scan3A_17 step %scan3A_18  : i32 {
      %mul3A = arith.constant 1 : i32
      %mul3A_21 = arith.muli %scan3A_20, %mul3A : i32
      %add3A = arith.constant 0 : i32
      %add3A_22 = arith.addi %add3A, %mul3A_21 : i32
      %mul3A_23 = arith.constant 1880 : i32
      %mul3A_24 = arith.muli %arg1, %mul3A_23 : i32
      %mul3A_25 = arith.constant 40 : i32
      %mul3A_26 = arith.muli %add3A_22, %mul3A_25 : i32
      %add3A_27 = arith.addi %mul3A_24, %mul3A_26 : i32
      "tpu.region"() ({
        %run_scoped3A = tpu.sem_alloc : memref<!tpu.dma_semaphore, #tpu.memory_space<semaphore_mem>>
        %dma_start3A = arith.constant 0 : i32
        %dma_start3A_28 = tpu.memref_slice %arg6[%arg0, %add3A_27, %dma_start3A] : memref<2x30080x64xf32, #tpu.memory_space<hbm>> -> memref<1x40x64xf32, #tpu.memory_space<hbm>>
        %dma_start3A_29 = tpu.memref_squeeze %dma_start3A_28 : memref<1x40x64xf32, #tpu.memory_space<hbm>> -> memref<40x64xf32, #tpu.memory_space<hbm>>
        %dma_start3A_30 = arith.constant 0 : i32
        %dma_start3A_31 = tpu.memref_slice %arg11[%add3A_27, %dma_start3A_30] : memref<30080x64xf32, #tpu.memory_space<vmem_shared>> -> memref<40x64xf32, #tpu.memory_space<vmem_shared>>
        tpu.enqueue_dma source(%dma_start3A_31 : memref<40x64xf32, #tpu.memory_space<vmem_shared>>) target(%dma_start3A_29 : memref<40x64xf32, #tpu.memory_space<hbm>>) target_semaphore(%run_scoped3A : memref<!tpu.dma_semaphore, #tpu.memory_space<semaphore_mem>>)
        %dma_wait3A = arith.constant 0 : i32
        %dma_wait3A_32 = tpu.memref_slice %arg6[%arg0, %add3A_27, %dma_wait3A] : memref<2x30080x64xf32, #tpu.memory_space<hbm>> -> memref<1x40x64xf32, #tpu.memory_space<hbm>>
        %dma_wait3A_33 = tpu.memref_squeeze %dma_wait3A_32 : memref<1x40x64xf32, #tpu.memory_space<hbm>> -> memref<40x64xf32, #tpu.memory_space<hbm>>
        %dma_wait3A_34 = arith.constant 0 : i32
        %dma_wait3A_35 = tpu.memref_slice %arg11[%add3A_27, %dma_wait3A_34] : memref<30080x64xf32, #tpu.memory_space<vmem_shared>> -> memref<40x64xf32, #tpu.memory_space<vmem_shared>>
        tpu.wait_dma2 semaphore(%run_scoped3A : memref<!tpu.dma_semaphore, #tpu.memory_space<semaphore_mem>>) src(%dma_wait3A_35 : memref<40x64xf32, #tpu.memory_space<vmem_shared>>) dst(%dma_wait3A_33 : memref<40x64xf32, #tpu.memory_space<hbm>>)
        tpu.yield
      }) : () -> ()
    }
    %scan3A_19 = arith.constant 47 : i32
    return
  }
}

module attributes {stable_mosaic.version = 14 : i64} {
  func.func @_mlp_body(%arg0: i32, %arg1: memref<512x32xf32, #tpu.memory_space<vmem>>, %arg2: memref<128x32xf32, #tpu.memory_space<vmem>>, %arg3: memref<1x128xf32, #tpu.memory_space<vmem>>, %arg4: memref<2x512x64xf32, #tpu.memory_space<vmem>>) attributes {dimension_semantics = [#tpu.dimension_semantics<arbitrary>], iteration_bounds = array<i64: 320>, scalar_prefetch = 0 : i64, scratch_operands = 0 : i64, tpu.core_type = #tpu.core_type<tc>, window_params = [{transform_indices = @transform_0, window_bounds = array<i64: 512, 32>}, {pipeline_mode = #tpu.pipeline_mode<synchronous>, transform_indices = @transform_1, window_bounds = array<i64: 128, 32>}, {pipeline_mode = #tpu.pipeline_mode<synchronous>, transform_indices = @transform_2, window_bounds = array<i64: 1, 128>}, {transform_indices = @transform_3, window_bounds = array<i64: 2, 512, 64>}]} {
    %get3A = arith.constant 0 : index
    %get3A_0 = arith.constant 0 : index
    %get3A_1 = vector.load %arg1[%get3A, %get3A_0] : memref<512x32xf32, #tpu.memory_space<vmem>>, vector<512x32xf32>
    %get3A_2 = arith.constant 0 : index
    %get3A_3 = arith.constant 0 : index
    %get3A_4 = vector.load %arg2[%get3A_2, %get3A_3] : memref<128x32xf32, #tpu.memory_space<vmem>>, vector<128x32xf32>
    %dot_general3A = arith.constant dense<0.000000e+00> : vector<512x128xf32>
    %dot_general3A_5 = tpu.matmul %get3A_1, %get3A_4, %dot_general3A {dimension_numbers = #tpu.dot_dimension_numbers<[1], [1], [0], [0], [0, 0, 1, 0], [], []>, precision = #tpu.contract_precision<fp32>, transpose_lhs_hint = false} : vector<512x32xf32>, vector<128x32xf32>, vector<512x128xf32> -> vector<512x128xf32>
    %get3A_6 = arith.constant 0 : index
    %get3A_7 = arith.constant 0 : index
    %get3A_8 = vector.load %arg3[%get3A_6, %get3A_7] : memref<1x128xf32, #tpu.memory_space<vmem>>, vector<1x128xf32>
    %add3A = vector.broadcast %get3A_8 : vector<1x128xf32> to vector<512x128xf32>
    %add3A_9 = arith.addf %dot_general3A_5, %add3A : vector<512x128xf32>
    %slice3A = vector.extract_strided_slice %add3A_9 {offsets = [0, 0], sizes = [512, 64], strides = [1, 1]} : vector<512x128xf32> to vector<512x64xf32>
    %swap3A = arith.constant 0 : index
    %swap3A_10 = arith.constant 0 : index
    %swap3A_11 = arith.constant 0 : index
    %swap3A_12 = vector.load %arg4[%swap3A, %swap3A_10, %swap3A_11] : memref<2x512x64xf32, #tpu.memory_space<vmem>>, vector<1x512x64xf32>
    %swap3A_13 = vector.shape_cast %swap3A_12 : vector<1x512x64xf32> to vector<512x64xf32>
    %swap3A_14 = vector.shape_cast %slice3A : vector<512x64xf32> to vector<1x512x64xf32>
    tpu.vector_store %arg4[%swap3A, %swap3A_10, %swap3A_11], %swap3A_14 {strides = array<i32>} : memref<2x512x64xf32, #tpu.memory_space<vmem>>, vector<1x512x64xf32>,
    %slice3A_15 = vector.extract_strided_slice %add3A_9 {offsets = [0, 64], sizes = [512, 64], strides = [1, 1]} : vector<512x128xf32> to vector<512x64xf32>
    %swap3A_16 = arith.constant 1 : index
    %swap3A_17 = arith.constant 0 : index
    %swap3A_18 = arith.constant 0 : index
    %swap3A_19 = vector.load %arg4[%swap3A_16, %swap3A_17, %swap3A_18] : memref<2x512x64xf32, #tpu.memory_space<vmem>>, vector<1x512x64xf32>
    %swap3A_20 = vector.shape_cast %swap3A_19 : vector<1x512x64xf32> to vector<512x64xf32>
    %swap3A_21 = vector.shape_cast %slice3A_15 : vector<512x64xf32> to vector<1x512x64xf32>
    tpu.vector_store %arg4[%swap3A_16, %swap3A_17, %swap3A_18], %swap3A_21 {strides = array<i32>} : memref<2x512x64xf32, #tpu.memory_space<vmem>>, vector<1x512x64xf32>,
    return
  }
  func.func @transform_0(%arg0: i32) -> (i32, i32) {
    %c0_i32 = arith.constant 0 : i32
    %c0_i32_0 = arith.constant 0 : i32
    return %arg0, %c0_i32 : i32, i32
  }
  func.func @transform_1(%arg0: i32) -> (i32, i32) {
    %c0_i32 = arith.constant 0 : i32
    %c0_i32_0 = arith.constant 0 : i32
    %c0_i32_1 = arith.constant 0 : i32
    return %c0_i32, %c0_i32_0 : i32, i32
  }
  func.func @transform_2(%arg0: i32) -> (i32, i32) {
    %c0_i32 = arith.constant 0 : i32
    %c0_i32_0 = arith.constant 0 : i32
    %c0_i32_1 = arith.constant 0 : i32
    return %c0_i32, %c0_i32_0 : i32, i32
  }
  func.func @transform_3(%arg0: i32) -> (i32, i32, i32) {
    %c0_i32 = arith.constant 0 : i32
    %c0_i32_0 = arith.constant 0 : i32
    %c0_i32_1 = arith.constant 0 : i32
    return %c0_i32, %arg0, %c0_i32_0 : i32, i32, i32
  }
}

module attributes {stable_mosaic.version = 14 : i64} {
  func.func @_update_body(%arg0: i32, %arg1: memref<400x128xf32, #tpu.memory_space<vmem>>, %arg2: memref<128x128xf32, #tpu.memory_space<vmem>>, %arg3: memref<1x128xf32, #tpu.memory_space<vmem>>, %arg4: memref<2x3x64x128xf32, #tpu.memory_space<vmem>>, %arg5: memref<1x400x64xf32, #tpu.memory_space<vmem>>, %arg6: memref<1x400x64xf32, #tpu.memory_space<vmem>>, %arg7: memref<1x400x64xf32, #tpu.memory_space<vmem>>, %arg8: memref<1x400x64xf32, #tpu.memory_space<vmem>>, %arg9: memref<1x400x64xf32, #tpu.memory_space<vmem>>, %arg10: memref<1x400x64xf32, #tpu.memory_space<vmem>>, %arg11: memref<1x400x1xf32, #tpu.memory_space<vmem>>, %arg12: memref<1x400x1xf32, #tpu.memory_space<vmem>>, %arg13: memref<1x400x1xf32, #tpu.memory_space<vmem>>, %arg14: memref<1x400x1xf32, #tpu.memory_space<vmem>>, %arg15: memref<1x400x1xf32, #tpu.memory_space<vmem>>, %arg16: memref<1x400x1xf32, #tpu.memory_space<vmem>>, %arg17: memref<400x128xf32, #tpu.memory_space<vmem>>) attributes {dimension_semantics = [#tpu.dimension_semantics<arbitrary>], iteration_bounds = array<i64: 25>, scalar_prefetch = 0 : i64, scratch_operands = 0 : i64, tpu.core_type = #tpu.core_type<tc>, window_params = [{transform_indices = @transform_0, window_bounds = array<i64: 400, 128>}, {pipeline_mode = #tpu.pipeline_mode<synchronous>, transform_indices = @transform_1, window_bounds = array<i64: 128, 128>}, {pipeline_mode = #tpu.pipeline_mode<synchronous>, transform_indices = @transform_2, window_bounds = array<i64: 1, 128>}, {pipeline_mode = #tpu.pipeline_mode<synchronous>, transform_indices = @transform_3, window_bounds = array<i64: 2, 3, 64, 128>}, {transform_indices = @transform_4, window_bounds = array<i64: 1, 400, 64>}, {transform_indices = @transform_5, window_bounds = array<i64: 1, 400, 64>}, {transform_indices = @transform_6, window_bounds = array<i64: 1, 400, 64>}, {transform_indices = @transform_7, window_bounds = array<i64: 1, 400, 64>}, {transform_indices = @transform_8, window_bounds = array<i64: 1, 400, 64>}, {transform_indices = @transform_9, window_bounds = array<i64: 1, 400, 64>}, {transform_indices = @transform_10, window_bounds = array<i64: 1, 400, 1>}, {transform_indices = @transform_11, window_bounds = array<i64: 1, 400, 1>}, {transform_indices = @transform_12, window_bounds = array<i64: 1, 400, 1>}, {transform_indices = @transform_13, window_bounds = array<i64: 1, 400, 1>}, {transform_indices = @transform_14, window_bounds = array<i64: 1, 400, 1>}, {transform_indices = @transform_15, window_bounds = array<i64: 1, 400, 1>}, {transform_indices = @transform_16, window_bounds = array<i64: 400, 128>}]} {
    %get3A = arith.constant 0 : index
    %get3A_0 = arith.constant 0 : index
    %get3A_1 = vector.load %arg1[%get3A, %get3A_0] : memref<400x128xf32, #tpu.memory_space<vmem>>, vector<400x128xf32>
    %get3A_2 = arith.constant 0 : index
    %get3A_3 = arith.constant 0 : index
    %get3A_4 = vector.load %arg2[%get3A_2, %get3A_3] : memref<128x128xf32, #tpu.memory_space<vmem>>, vector<128x128xf32>
    %dot_general3A = arith.constant dense<0.000000e+00> : vector<400x128xf32>
    %dot_general3A_5 = tpu.matmul %get3A_1, %get3A_4, %dot_general3A {dimension_numbers = #tpu.dot_dimension_numbers<[1], [0], [0], [1], [0, 0, 1, 1], [], []>, precision = #tpu.contract_precision<fp32>, transpose_lhs_hint = false} : vector<400x128xf32>, vector<128x128xf32>, vector<400x128xf32> -> vector<400x128xf32>
    %get3A_6 = arith.constant 0 : index
    %get3A_7 = arith.constant 0 : index
    %get3A_8 = vector.load %arg3[%get3A_6, %get3A_7] : memref<1x128xf32, #tpu.memory_space<vmem>>, vector<1x128xf32>
    %add3A = vector.broadcast %get3A_8 : vector<1x128xf32> to vector<400x128xf32>
    %add3A_9 = arith.addf %dot_general3A_5, %add3A : vector<400x128xf32>
    %get3A_10 = arith.constant 0 : index
    %get3A_11 = arith.constant 0 : index
    %get3A_12 = arith.constant 0 : index
    %get3A_13 = vector.load %arg11[%get3A_10, %get3A_11, %get3A_12] : memref<1x400x1xf32, #tpu.memory_space<vmem>>, vector<1x400x1xf32>
    %get3A_14 = vector.shape_cast %get3A_13 : vector<1x400x1xf32> to vector<400x1xf32>
    %get3A_15 = arith.constant 0 : index
    %get3A_16 = arith.constant 0 : index
    %get3A_17 = arith.constant 0 : index
    %get3A_18 = vector.load %arg14[%get3A_15, %get3A_16, %get3A_17] : memref<1x400x1xf32, #tpu.memory_space<vmem>>, vector<1x400x1xf32>
    %get3A_19 = vector.shape_cast %get3A_18 : vector<1x400x1xf32> to vector<400x1xf32>
    %add3A_20 = arith.addf %get3A_14, %get3A_19 : vector<400x1xf32>
    %max3A = arith.constant 1.000000e+00 : f32
    %max3A_21 = vector.broadcast %max3A : f32 to vector<400x1xf32>
    %max3A_22 = arith.maximumf %add3A_20, %max3A_21 : vector<400x1xf32>
    %get3A_23 = arith.constant 0 : index
    %get3A_24 = arith.constant 0 : index
    %get3A_25 = arith.constant 0 : index
    %get3A_26 = vector.load %arg5[%get3A_23, %get3A_24, %get3A_25] : memref<1x400x64xf32, #tpu.memory_space<vmem>>, vector<1x400x64xf32>
    %get3A_27 = vector.shape_cast %get3A_26 : vector<1x400x64xf32> to vector<400x64xf32>
    %div3A = vector.broadcast %max3A_22 : vector<400x1xf32> to vector<400x64xf32>
    %div3A_28 = arith.divf %get3A_27, %div3A : vector<400x64xf32>
    %get3A_29 = arith.constant 0 : index
    %get3A_30 = arith.constant 0 : index
    %get3A_31 = arith.constant 0 : index
    %get3A_32 = arith.constant 0 : index
    %get3A_33 = vector.load %arg4[%get3A_29, %get3A_30, %get3A_31, %get3A_32] : memref<2x3x64x128xf32, #tpu.memory_space<vmem>>, vector<1x1x64x128xf32>
    %get3A_34 = vector.shape_cast %get3A_33 : vector<1x1x64x128xf32> to vector<64x128xf32>
    %dot_general3A_35 = arith.constant dense<0.000000e+00> : vector<400x128xf32>
    %dot_general3A_36 = tpu.matmul %div3A_28, %get3A_34, %dot_general3A_35 {dimension_numbers = #tpu.dot_dimension_numbers<[1], [0], [0], [1], [0, 0, 1, 1], [], []>, precision = #tpu.contract_precision<fp32>, transpose_lhs_hint = false} : vector<400x64xf32>, vector<64x128xf32>, vector<400x128xf32> -> vector<400x128xf32>
    %add3A_37 = arith.addf %add3A_9, %dot_general3A_36 : vector<400x128xf32>
    %get3A_38 = arith.constant 0 : index
    %get3A_39 = arith.constant 0 : index
    %get3A_40 = arith.constant 0 : index
    %get3A_41 = vector.load %arg8[%get3A_38, %get3A_39, %get3A_40] : memref<1x400x64xf32, #tpu.memory_space<vmem>>, vector<1x400x64xf32>
    %get3A_42 = vector.shape_cast %get3A_41 : vector<1x400x64xf32> to vector<400x64xf32>
    %div3A_43 = vector.broadcast %max3A_22 : vector<400x1xf32> to vector<400x64xf32>
    %div3A_44 = arith.divf %get3A_42, %div3A_43 : vector<400x64xf32>
    %get3A_45 = arith.constant 1 : index
    %get3A_46 = arith.constant 0 : index
    %get3A_47 = arith.constant 0 : index
    %get3A_48 = arith.constant 0 : index
    %get3A_49 = vector.load %arg4[%get3A_45, %get3A_46, %get3A_47, %get3A_48] : memref<2x3x64x128xf32, #tpu.memory_space<vmem>>, vector<1x1x64x128xf32>
    %get3A_50 = vector.shape_cast %get3A_49 : vector<1x1x64x128xf32> to vector<64x128xf32>
    %dot_general3A_51 = arith.constant dense<0.000000e+00> : vector<400x128xf32>
    %dot_general3A_52 = tpu.matmul %div3A_44, %get3A_50, %dot_general3A_51 {dimension_numbers = #tpu.dot_dimension_numbers<[1], [0], [0], [1], [0, 0, 1, 1], [], []>, precision = #tpu.contract_precision<fp32>, transpose_lhs_hint = false} : vector<400x64xf32>, vector<64x128xf32>, vector<400x128xf32> -> vector<400x128xf32>
    %add3A_53 = arith.addf %add3A_37, %dot_general3A_52 : vector<400x128xf32>
    %get3A_54 = arith.constant 0 : index
    %get3A_55 = arith.constant 0 : index
    %get3A_56 = arith.constant 0 : index
    %get3A_57 = vector.load %arg12[%get3A_54, %get3A_55, %get3A_56] : memref<1x400x1xf32, #tpu.memory_space<vmem>>, vector<1x400x1xf32>
    %get3A_58 = vector.shape_cast %get3A_57 : vector<1x400x1xf32> to vector<400x1xf32>
    %get3A_59 = arith.constant 0 : index
    %get3A_60 = arith.constant 0 : index
    %get3A_61 = arith.constant 0 : index
    %get3A_62 = vector.load %arg15[%get3A_59, %get3A_60, %get3A_61] : memref<1x400x1xf32, #tpu.memory_space<vmem>>, vector<1x400x1xf32>
    %get3A_63 = vector.shape_cast %get3A_62 : vector<1x400x1xf32> to vector<400x1xf32>
    %add3A_64 = arith.addf %get3A_58, %get3A_63 : vector<400x1xf32>
    %max3A_65 = arith.constant 1.000000e+00 : f32
    %max3A_66 = vector.broadcast %max3A_65 : f32 to vector<400x1xf32>
    %max3A_67 = arith.maximumf %add3A_64, %max3A_66 : vector<400x1xf32>
    %get3A_68 = arith.constant 0 : index
    %get3A_69 = arith.constant 0 : index
    %get3A_70 = arith.constant 0 : index
    %get3A_71 = vector.load %arg6[%get3A_68, %get3A_69, %get3A_70] : memref<1x400x64xf32, #tpu.memory_space<vmem>>, vector<1x400x64xf32>
    %get3A_72 = vector.shape_cast %get3A_71 : vector<1x400x64xf32> to vector<400x64xf32>
    %div3A_73 = vector.broadcast %max3A_67 : vector<400x1xf32> to vector<400x64xf32>
    %div3A_74 = arith.divf %get3A_72, %div3A_73 : vector<400x64xf32>
    %get3A_75 = arith.constant 0 : index
    %get3A_76 = arith.constant 1 : index
    %get3A_77 = arith.constant 0 : index
    %get3A_78 = arith.constant 0 : index
    %get3A_79 = vector.load %arg4[%get3A_75, %get3A_76, %get3A_77, %get3A_78] : memref<2x3x64x128xf32, #tpu.memory_space<vmem>>, vector<1x1x64x128xf32>
    %get3A_80 = vector.shape_cast %get3A_79 : vector<1x1x64x128xf32> to vector<64x128xf32>
    %dot_general3A_81 = arith.constant dense<0.000000e+00> : vector<400x128xf32>
    %dot_general3A_82 = tpu.matmul %div3A_74, %get3A_80, %dot_general3A_81 {dimension_numbers = #tpu.dot_dimension_numbers<[1], [0], [0], [1], [0, 0, 1, 1], [], []>, precision = #tpu.contract_precision<fp32>, transpose_lhs_hint = false} : vector<400x64xf32>, vector<64x128xf32>, vector<400x128xf32> -> vector<400x128xf32>
    %add3A_83 = arith.addf %add3A_53, %dot_general3A_82 : vector<400x128xf32>
    %get3A_84 = arith.constant 0 : index
    %get3A_85 = arith.constant 0 : index
    %get3A_86 = arith.constant 0 : index
    %get3A_87 = vector.load %arg9[%get3A_84, %get3A_85, %get3A_86] : memref<1x400x64xf32, #tpu.memory_space<vmem>>, vector<1x400x64xf32>
    %get3A_88 = vector.shape_cast %get3A_87 : vector<1x400x64xf32> to vector<400x64xf32>
    %div3A_89 = vector.broadcast %max3A_67 : vector<400x1xf32> to vector<400x64xf32>
    %div3A_90 = arith.divf %get3A_88, %div3A_89 : vector<400x64xf32>
    %get3A_91 = arith.constant 1 : index
    %get3A_92 = arith.constant 1 : index
    %get3A_93 = arith.constant 0 : index
    %get3A_94 = arith.constant 0 : index
    %get3A_95 = vector.load %arg4[%get3A_91, %get3A_92, %get3A_93, %get3A_94] : memref<2x3x64x128xf32, #tpu.memory_space<vmem>>, vector<1x1x64x128xf32>
    %get3A_96 = vector.shape_cast %get3A_95 : vector<1x1x64x128xf32> to vector<64x128xf32>
    %dot_general3A_97 = arith.constant dense<0.000000e+00> : vector<400x128xf32>
    %dot_general3A_98 = tpu.matmul %div3A_90, %get3A_96, %dot_general3A_97 {dimension_numbers = #tpu.dot_dimension_numbers<[1], [0], [0], [1], [0, 0, 1, 1], [], []>, precision = #tpu.contract_precision<fp32>, transpose_lhs_hint = false} : vector<400x64xf32>, vector<64x128xf32>, vector<400x128xf32> -> vector<400x128xf32>
    %add3A_99 = arith.addf %add3A_83, %dot_general3A_98 : vector<400x128xf32>
    %get3A_100 = arith.constant 0 : index
    %get3A_101 = arith.constant 0 : index
    %get3A_102 = arith.constant 0 : index
    %get3A_103 = vector.load %arg13[%get3A_100, %get3A_101, %get3A_102] : memref<1x400x1xf32, #tpu.memory_space<vmem>>, vector<1x400x1xf32>
    %get3A_104 = vector.shape_cast %get3A_103 : vector<1x400x1xf32> to vector<400x1xf32>
    %get3A_105 = arith.constant 0 : index
    %get3A_106 = arith.constant 0 : index
    %get3A_107 = arith.constant 0 : index
    %get3A_108 = vector.load %arg16[%get3A_105, %get3A_106, %get3A_107] : memref<1x400x1xf32, #tpu.memory_space<vmem>>, vector<1x400x1xf32>
    %get3A_109 = vector.shape_cast %get3A_108 : vector<1x400x1xf32> to vector<400x1xf32>
    %add3A_110 = arith.addf %get3A_104, %get3A_109 : vector<400x1xf32>
    %max3A_111 = arith.constant 1.000000e+00 : f32
    %max3A_112 = vector.broadcast %max3A_111 : f32 to vector<400x1xf32>
    %max3A_113 = arith.maximumf %add3A_110, %max3A_112 : vector<400x1xf32>
    %get3A_114 = arith.constant 0 : index
    %get3A_115 = arith.constant 0 : index
    %get3A_116 = arith.constant 0 : index
    %get3A_117 = vector.load %arg7[%get3A_114, %get3A_115, %get3A_116] : memref<1x400x64xf32, #tpu.memory_space<vmem>>, vector<1x400x64xf32>
    %get3A_118 = vector.shape_cast %get3A_117 : vector<1x400x64xf32> to vector<400x64xf32>
    %div3A_119 = vector.broadcast %max3A_113 : vector<400x1xf32> to vector<400x64xf32>
    %div3A_120 = arith.divf %get3A_118, %div3A_119 : vector<400x64xf32>
    %get3A_121 = arith.constant 0 : index
    %get3A_122 = arith.constant 2 : index
    %get3A_123 = arith.constant 0 : index
    %get3A_124 = arith.constant 0 : index
    %get3A_125 = vector.load %arg4[%get3A_121, %get3A_122, %get3A_123, %get3A_124] : memref<2x3x64x128xf32, #tpu.memory_space<vmem>>, vector<1x1x64x128xf32>
    %get3A_126 = vector.shape_cast %get3A_125 : vector<1x1x64x128xf32> to vector<64x128xf32>
    %dot_general3A_127 = arith.constant dense<0.000000e+00> : vector<400x128xf32>
    %dot_general3A_128 = tpu.matmul %div3A_120, %get3A_126, %dot_general3A_127 {dimension_numbers = #tpu.dot_dimension_numbers<[1], [0], [0], [1], [0, 0, 1, 1], [], []>, precision = #tpu.contract_precision<fp32>, transpose_lhs_hint = false} : vector<400x64xf32>, vector<64x128xf32>, vector<400x128xf32> -> vector<400x128xf32>
    %add3A_129 = arith.addf %add3A_99, %dot_general3A_128 : vector<400x128xf32>
    %get3A_130 = arith.constant 0 : index
    %get3A_131 = arith.constant 0 : index
    %get3A_132 = arith.constant 0 : index
    %get3A_133 = vector.load %arg10[%get3A_130, %get3A_131, %get3A_132] : memref<1x400x64xf32, #tpu.memory_space<vmem>>, vector<1x400x64xf32>
    %get3A_134 = vector.shape_cast %get3A_133 : vector<1x400x64xf32> to vector<400x64xf32>
    %div3A_135 = vector.broadcast %max3A_113 : vector<400x1xf32> to vector<400x64xf32>
    %div3A_136 = arith.divf %get3A_134, %div3A_135 : vector<400x64xf32>
    %get3A_137 = arith.constant 1 : index
    %get3A_138 = arith.constant 2 : index
    %get3A_139 = arith.constant 0 : index
    %get3A_140 = arith.constant 0 : index
    %get3A_141 = vector.load %arg4[%get3A_137, %get3A_138, %get3A_139, %get3A_140] : memref<2x3x64x128xf32, #tpu.memory_space<vmem>>, vector<1x1x64x128xf32>
    %get3A_142 = vector.shape_cast %get3A_141 : vector<1x1x64x128xf32> to vector<64x128xf32>
    %dot_general3A_143 = arith.constant dense<0.000000e+00> : vector<400x128xf32>
    %dot_general3A_144 = tpu.matmul %div3A_136, %get3A_142, %dot_general3A_143 {dimension_numbers = #tpu.dot_dimension_numbers<[1], [0], [0], [1], [0, 0, 1, 1], [], []>, precision = #tpu.contract_precision<fp32>, transpose_lhs_hint = false} : vector<400x64xf32>, vector<64x128xf32>, vector<400x128xf32> -> vector<400x128xf32>
    %add3A_145 = arith.addf %add3A_129, %dot_general3A_144 : vector<400x128xf32>
    %max3A_146 = arith.constant 0.000000e+00 : f32
    %max3A_147 = vector.broadcast %max3A_146 : f32 to vector<400x128xf32>
    %max3A_148 = arith.maximumf %add3A_145, %max3A_147 : vector<400x128xf32>
    %add3A_149 = arith.addf %get3A_1, %max3A_148 : vector<400x128xf32>
    %swap3A = arith.constant 0 : index
    %swap3A_150 = arith.constant 0 : index
    %swap3A_151 = vector.load %arg17[%swap3A, %swap3A_150] : memref<400x128xf32, #tpu.memory_space<vmem>>, vector<400x128xf32>
    tpu.vector_store %arg17[%swap3A, %swap3A_150], %add3A_149 {strides = array<i32>} : memref<400x128xf32, #tpu.memory_space<vmem>>, vector<400x128xf32>,
    return
  }
  func.func @transform_0(%arg0: i32) -> (i32, i32) {
    %c0_i32 = arith.constant 0 : i32
    %c0_i32_0 = arith.constant 0 : i32
    return %arg0, %c0_i32 : i32, i32
  }
  func.func @transform_1(%arg0: i32) -> (i32, i32) {
    %c0_i32 = arith.constant 0 : i32
    %c0_i32_0 = arith.constant 0 : i32
    %c0_i32_1 = arith.constant 0 : i32
    return %c0_i32, %c0_i32_0 : i32, i32
  }
  func.func @transform_2(%arg0: i32) -> (i32, i32) {
    %c0_i32 = arith.constant 0 : i32
    %c0_i32_0 = arith.constant 0 : i32
    %c0_i32_1 = arith.constant 0 : i32
    return %c0_i32, %c0_i32_0 : i32, i32
  }
  func.func @transform_3(%arg0: i32) -> (i32, i32, i32, i32) {
    %c0_i32 = arith.constant 0 : i32
    %c0_i32_0 = arith.constant 0 : i32
    %c0_i32_1 = arith.constant 0 : i32
    %c0_i32_2 = arith.constant 0 : i32
    %c0_i32_3 = arith.constant 0 : i32
    return %c0_i32, %c0_i32_0, %c0_i32_1, %c0_i32_2 : i32, i32, i32, i32
  }
  func.func @transform_4(%arg0: i32) -> (i32, i32, i32) {
    %add3A = arith.constant 0 : i32
    %add3A_0 = arith.addi %add3A, %arg0 : i32
    %c0_i32 = arith.constant 0 : i32
    %c0_i32_1 = arith.constant 0 : i32
    %c0_i32_2 = arith.constant 0 : i32
    return %c0_i32, %add3A_0, %c0_i32_1 : i32, i32, i32
  }
  func.func @transform_5(%arg0: i32) -> (i32, i32, i32) {
    %add3A = arith.constant 25 : i32
    %add3A_0 = arith.addi %add3A, %arg0 : i32
    %c0_i32 = arith.constant 0 : i32
    %c0_i32_1 = arith.constant 0 : i32
    %c0_i32_2 = arith.constant 0 : i32
    return %c0_i32, %add3A_0, %c0_i32_1 : i32, i32, i32
  }
  func.func @transform_6(%arg0: i32) -> (i32, i32, i32) {
    %add3A = arith.constant 50 : i32
    %add3A_0 = arith.addi %add3A, %arg0 : i32
    %c0_i32 = arith.constant 0 : i32
    %c0_i32_1 = arith.constant 0 : i32
    %c0_i32_2 = arith.constant 0 : i32
    return %c0_i32, %add3A_0, %c0_i32_1 : i32, i32, i32
  }
  func.func @transform_7(%arg0: i32) -> (i32, i32, i32) {
    %add3A = arith.constant 0 : i32
    %add3A_0 = arith.addi %add3A, %arg0 : i32
    %c1_i32 = arith.constant 1 : i32
    %c0_i32 = arith.constant 0 : i32
    %c0_i32_1 = arith.constant 0 : i32
    return %c1_i32, %add3A_0, %c0_i32 : i32, i32, i32
  }
  func.func @transform_8(%arg0: i32) -> (i32, i32, i32) {
    %add3A = arith.constant 25 : i32
    %add3A_0 = arith.addi %add3A, %arg0 : i32
    %c1_i32 = arith.constant 1 : i32
    %c0_i32 = arith.constant 0 : i32
    %c0_i32_1 = arith.constant 0 : i32
    return %c1_i32, %add3A_0, %c0_i32 : i32, i32, i32
  }
  func.func @transform_9(%arg0: i32) -> (i32, i32, i32) {
    %add3A = arith.constant 50 : i32
    %add3A_0 = arith.addi %add3A, %arg0 : i32
    %c1_i32 = arith.constant 1 : i32
    %c0_i32 = arith.constant 0 : i32
    %c0_i32_1 = arith.constant 0 : i32
    return %c1_i32, %add3A_0, %c0_i32 : i32, i32, i32
  }
  func.func @transform_10(%arg0: i32) -> (i32, i32, i32) {
    %add3A = arith.constant 0 : i32
    %add3A_0 = arith.addi %add3A, %arg0 : i32
    %c0_i32 = arith.constant 0 : i32
    %c0_i32_1 = arith.constant 0 : i32
    %c0_i32_2 = arith.constant 0 : i32
    return %c0_i32, %add3A_0, %c0_i32_1 : i32, i32, i32
  }
  func.func @transform_11(%arg0: i32) -> (i32, i32, i32) {
    %add3A = arith.constant 25 : i32
    %add3A_0 = arith.addi %add3A, %arg0 : i32
    %c0_i32 = arith.constant 0 : i32
    %c0_i32_1 = arith.constant 0 : i32
    %c0_i32_2 = arith.constant 0 : i32
    return %c0_i32, %add3A_0, %c0_i32_1 : i32, i32, i32
  }
  func.func @transform_12(%arg0: i32) -> (i32, i32, i32) {
    %add3A = arith.constant 50 : i32
    %add3A_0 = arith.addi %add3A, %arg0 : i32
    %c0_i32 = arith.constant 0 : i32
    %c0_i32_1 = arith.constant 0 : i32
    %c0_i32_2 = arith.constant 0 : i32
    return %c0_i32, %add3A_0, %c0_i32_1 : i32, i32, i32
  }
  func.func @transform_13(%arg0: i32) -> (i32, i32, i32) {
    %add3A = arith.constant 0 : i32
    %add3A_0 = arith.addi %add3A, %arg0 : i32
    %c1_i32 = arith.constant 1 : i32
    %c0_i32 = arith.constant 0 : i32
    %c0_i32_1 = arith.constant 0 : i32
    return %c1_i32, %add3A_0, %c0_i32 : i32, i32, i32
  }
  func.func @transform_14(%arg0: i32) -> (i32, i32, i32) {
    %add3A = arith.constant 25 : i32
    %add3A_0 = arith.addi %add3A, %arg0 : i32
    %c1_i32 = arith.constant 1 : i32
    %c0_i32 = arith.constant 0 : i32
    %c0_i32_1 = arith.constant 0 : i32
    return %c1_i32, %add3A_0, %c0_i32 : i32, i32, i32
  }
  func.func @transform_15(%arg0: i32) -> (i32, i32, i32) {
    %add3A = arith.constant 50 : i32
    %add3A_0 = arith.addi %add3A, %arg0 : i32
    %c1_i32 = arith.constant 1 : i32
    %c0_i32 = arith.constant 0 : i32
    %c0_i32_1 = arith.constant 0 : i32
    return %c1_i32, %add3A_0, %c0_i32 : i32, i32, i32
  }
  func.func @transform_16(%arg0: i32) -> (i32, i32) {
    %c0_i32 = arith.constant 0 : i32
    %c0_i32_0 = arith.constant 0 : i32
    return %arg0, %c0_i32 : i32, i32
  }
}

module attributes {stable_mosaic.version = 14 : i64} {
  func.func @_update_body(%arg0: i32, %arg1: memref<400x128xf32, #tpu.memory_space<vmem>>, %arg2: memref<128x128xf32, #tpu.memory_space<vmem>>, %arg3: memref<1x128xf32, #tpu.memory_space<vmem>>, %arg4: memref<2x3x64x128xf32, #tpu.memory_space<vmem>>, %arg5: memref<1x400x64xf32, #tpu.memory_space<vmem>>, %arg6: memref<1x400x64xf32, #tpu.memory_space<vmem>>, %arg7: memref<1x400x64xf32, #tpu.memory_space<vmem>>, %arg8: memref<1x400x64xf32, #tpu.memory_space<vmem>>, %arg9: memref<1x400x64xf32, #tpu.memory_space<vmem>>, %arg10: memref<1x400x64xf32, #tpu.memory_space<vmem>>, %arg11: memref<1x400x1xf32, #tpu.memory_space<vmem>>, %arg12: memref<1x400x1xf32, #tpu.memory_space<vmem>>, %arg13: memref<1x400x1xf32, #tpu.memory_space<vmem>>, %arg14: memref<1x400x1xf32, #tpu.memory_space<vmem>>, %arg15: memref<1x400x1xf32, #tpu.memory_space<vmem>>, %arg16: memref<1x400x1xf32, #tpu.memory_space<vmem>>, %arg17: memref<400x128xf32, #tpu.memory_space<vmem>>) attributes {dimension_semantics = [#tpu.dimension_semantics<arbitrary>], iteration_bounds = array<i64: 25>, scalar_prefetch = 0 : i64, scratch_operands = 0 : i64, tpu.core_type = #tpu.core_type<tc>, window_params = [{transform_indices = @transform_0, window_bounds = array<i64: 400, 128>}, {pipeline_mode = #tpu.pipeline_mode<synchronous>, transform_indices = @transform_1, window_bounds = array<i64: 128, 128>}, {pipeline_mode = #tpu.pipeline_mode<synchronous>, transform_indices = @transform_2, window_bounds = array<i64: 1, 128>}, {pipeline_mode = #tpu.pipeline_mode<synchronous>, transform_indices = @transform_3, window_bounds = array<i64: 2, 3, 64, 128>}, {transform_indices = @transform_4, window_bounds = array<i64: 1, 400, 64>}, {transform_indices = @transform_5, window_bounds = array<i64: 1, 400, 64>}, {transform_indices = @transform_6, window_bounds = array<i64: 1, 400, 64>}, {transform_indices = @transform_7, window_bounds = array<i64: 1, 400, 64>}, {transform_indices = @transform_8, window_bounds = array<i64: 1, 400, 64>}, {transform_indices = @transform_9, window_bounds = array<i64: 1, 400, 64>}, {transform_indices = @transform_10, window_bounds = array<i64: 1, 400, 1>}, {transform_indices = @transform_11, window_bounds = array<i64: 1, 400, 1>}, {transform_indices = @transform_12, window_bounds = array<i64: 1, 400, 1>}, {transform_indices = @transform_13, window_bounds = array<i64: 1, 400, 1>}, {transform_indices = @transform_14, window_bounds = array<i64: 1, 400, 1>}, {transform_indices = @transform_15, window_bounds = array<i64: 1, 400, 1>}, {transform_indices = @transform_16, window_bounds = array<i64: 400, 128>}]} {
    %get3A = arith.constant 0 : index
    %get3A_0 = arith.constant 0 : index
    %get3A_1 = vector.load %arg1[%get3A, %get3A_0] : memref<400x128xf32, #tpu.memory_space<vmem>>, vector<400x128xf32>
    %get3A_2 = arith.constant 0 : index
    %get3A_3 = arith.constant 0 : index
    %get3A_4 = vector.load %arg2[%get3A_2, %get3A_3] : memref<128x128xf32, #tpu.memory_space<vmem>>, vector<128x128xf32>
    %dot_general3A = arith.constant dense<0.000000e+00> : vector<400x128xf32>
    %dot_general3A_5 = tpu.matmul %get3A_1, %get3A_4, %dot_general3A {dimension_numbers = #tpu.dot_dimension_numbers<[1], [0], [0], [1], [0, 0, 1, 1], [], []>, precision = #tpu.contract_precision<fp32>, transpose_lhs_hint = false} : vector<400x128xf32>, vector<128x128xf32>, vector<400x128xf32> -> vector<400x128xf32>
    %get3A_6 = arith.constant 0 : index
    %get3A_7 = arith.constant 0 : index
    %get3A_8 = vector.load %arg3[%get3A_6, %get3A_7] : memref<1x128xf32, #tpu.memory_space<vmem>>, vector<1x128xf32>
    %add3A = vector.broadcast %get3A_8 : vector<1x128xf32> to vector<400x128xf32>
    %add3A_9 = arith.addf %dot_general3A_5, %add3A : vector<400x128xf32>
    %get3A_10 = arith.constant 0 : index
    %get3A_11 = arith.constant 0 : index
    %get3A_12 = arith.constant 0 : index
    %get3A_13 = vector.load %arg11[%get3A_10, %get3A_11, %get3A_12] : memref<1x400x1xf32, #tpu.memory_space<vmem>>, vector<1x400x1xf32>
    %get3A_14 = vector.shape_cast %get3A_13 : vector<1x400x1xf32> to vector<400x1xf32>
    %get3A_15 = arith.constant 0 : index
    %get3A_16 = arith.constant 0 : index
    %get3A_17 = arith.constant 0 : index
    %get3A_18 = vector.load %arg14[%get3A_15, %get3A_16, %get3A_17] : memref<1x400x1xf32, #tpu.memory_space<vmem>>, vector<1x400x1xf32>
    %get3A_19 = vector.shape_cast %get3A_18 : vector<1x400x1xf32> to vector<400x1xf32>
    %add3A_20 = arith.addf %get3A_14, %get3A_19 : vector<400x1xf32>
    %max3A = arith.constant 1.000000e+00 : f32
    %max3A_21 = vector.broadcast %max3A : f32 to vector<400x1xf32>
    %max3A_22 = arith.maximumf %add3A_20, %max3A_21 : vector<400x1xf32>
    %get3A_23 = arith.constant 0 : index
    %get3A_24 = arith.constant 0 : index
    %get3A_25 = arith.constant 0 : index
    %get3A_26 = vector.load %arg5[%get3A_23, %get3A_24, %get3A_25] : memref<1x400x64xf32, #tpu.memory_space<vmem>>, vector<1x400x64xf32>
    %get3A_27 = vector.shape_cast %get3A_26 : vector<1x400x64xf32> to vector<400x64xf32>
    %div3A = vector.broadcast %max3A_22 : vector<400x1xf32> to vector<400x64xf32>
    %div3A_28 = arith.divf %get3A_27, %div3A : vector<400x64xf32>
    %get3A_29 = arith.constant 0 : index
    %get3A_30 = arith.constant 0 : index
    %get3A_31 = arith.constant 0 : index
    %get3A_32 = arith.constant 0 : index
    %get3A_33 = vector.load %arg4[%get3A_29, %get3A_30, %get3A_31, %get3A_32] : memref<2x3x64x128xf32, #tpu.memory_space<vmem>>, vector<1x1x64x128xf32>
    %get3A_34 = vector.shape_cast %get3A_33 : vector<1x1x64x128xf32> to vector<64x128xf32>
    %dot_general3A_35 = arith.constant dense<0.000000e+00> : vector<400x128xf32>
    %dot_general3A_36 = tpu.matmul %div3A_28, %get3A_34, %dot_general3A_35 {dimension_numbers = #tpu.dot_dimension_numbers<[1], [0], [0], [1], [0, 0, 1, 1], [], []>, precision = #tpu.contract_precision<fp32>, transpose_lhs_hint = false} : vector<400x64xf32>, vector<64x128xf32>, vector<400x128xf32> -> vector<400x128xf32>
    %add3A_37 = arith.addf %add3A_9, %dot_general3A_36 : vector<400x128xf32>
    %get3A_38 = arith.constant 0 : index
    %get3A_39 = arith.constant 0 : index
    %get3A_40 = arith.constant 0 : index
    %get3A_41 = vector.load %arg8[%get3A_38, %get3A_39, %get3A_40] : memref<1x400x64xf32, #tpu.memory_space<vmem>>, vector<1x400x64xf32>
    %get3A_42 = vector.shape_cast %get3A_41 : vector<1x400x64xf32> to vector<400x64xf32>
    %div3A_43 = vector.broadcast %max3A_22 : vector<400x1xf32> to vector<400x64xf32>
    %div3A_44 = arith.divf %get3A_42, %div3A_43 : vector<400x64xf32>
    %get3A_45 = arith.constant 1 : index
    %get3A_46 = arith.constant 0 : index
    %get3A_47 = arith.constant 0 : index
    %get3A_48 = arith.constant 0 : index
    %get3A_49 = vector.load %arg4[%get3A_45, %get3A_46, %get3A_47, %get3A_48] : memref<2x3x64x128xf32, #tpu.memory_space<vmem>>, vector<1x1x64x128xf32>
    %get3A_50 = vector.shape_cast %get3A_49 : vector<1x1x64x128xf32> to vector<64x128xf32>
    %dot_general3A_51 = arith.constant dense<0.000000e+00> : vector<400x128xf32>
    %dot_general3A_52 = tpu.matmul %div3A_44, %get3A_50, %dot_general3A_51 {dimension_numbers = #tpu.dot_dimension_numbers<[1], [0], [0], [1], [0, 0, 1, 1], [], []>, precision = #tpu.contract_precision<fp32>, transpose_lhs_hint = false} : vector<400x64xf32>, vector<64x128xf32>, vector<400x128xf32> -> vector<400x128xf32>
    %add3A_53 = arith.addf %add3A_37, %dot_general3A_52 : vector<400x128xf32>
    %get3A_54 = arith.constant 0 : index
    %get3A_55 = arith.constant 0 : index
    %get3A_56 = arith.constant 0 : index
    %get3A_57 = vector.load %arg12[%get3A_54, %get3A_55, %get3A_56] : memref<1x400x1xf32, #tpu.memory_space<vmem>>, vector<1x400x1xf32>
    %get3A_58 = vector.shape_cast %get3A_57 : vector<1x400x1xf32> to vector<400x1xf32>
    %get3A_59 = arith.constant 0 : index
    %get3A_60 = arith.constant 0 : index
    %get3A_61 = arith.constant 0 : index
    %get3A_62 = vector.load %arg15[%get3A_59, %get3A_60, %get3A_61] : memref<1x400x1xf32, #tpu.memory_space<vmem>>, vector<1x400x1xf32>
    %get3A_63 = vector.shape_cast %get3A_62 : vector<1x400x1xf32> to vector<400x1xf32>
    %add3A_64 = arith.addf %get3A_58, %get3A_63 : vector<400x1xf32>
    %max3A_65 = arith.constant 1.000000e+00 : f32
    %max3A_66 = vector.broadcast %max3A_65 : f32 to vector<400x1xf32>
    %max3A_67 = arith.maximumf %add3A_64, %max3A_66 : vector<400x1xf32>
    %get3A_68 = arith.constant 0 : index
    %get3A_69 = arith.constant 0 : index
    %get3A_70 = arith.constant 0 : index
    %get3A_71 = vector.load %arg6[%get3A_68, %get3A_69, %get3A_70] : memref<1x400x64xf32, #tpu.memory_space<vmem>>, vector<1x400x64xf32>
    %get3A_72 = vector.shape_cast %get3A_71 : vector<1x400x64xf32> to vector<400x64xf32>
    %div3A_73 = vector.broadcast %max3A_67 : vector<400x1xf32> to vector<400x64xf32>
    %div3A_74 = arith.divf %get3A_72, %div3A_73 : vector<400x64xf32>
    %get3A_75 = arith.constant 0 : index
    %get3A_76 = arith.constant 1 : index
    %get3A_77 = arith.constant 0 : index
    %get3A_78 = arith.constant 0 : index
    %get3A_79 = vector.load %arg4[%get3A_75, %get3A_76, %get3A_77, %get3A_78] : memref<2x3x64x128xf32, #tpu.memory_space<vmem>>, vector<1x1x64x128xf32>
    %get3A_80 = vector.shape_cast %get3A_79 : vector<1x1x64x128xf32> to vector<64x128xf32>
    %dot_general3A_81 = arith.constant dense<0.000000e+00> : vector<400x128xf32>
    %dot_general3A_82 = tpu.matmul %div3A_74, %get3A_80, %dot_general3A_81 {dimension_numbers = #tpu.dot_dimension_numbers<[1], [0], [0], [1], [0, 0, 1, 1], [], []>, precision = #tpu.contract_precision<fp32>, transpose_lhs_hint = false} : vector<400x64xf32>, vector<64x128xf32>, vector<400x128xf32> -> vector<400x128xf32>
    %add3A_83 = arith.addf %add3A_53, %dot_general3A_82 : vector<400x128xf32>
    %get3A_84 = arith.constant 0 : index
    %get3A_85 = arith.constant 0 : index
    %get3A_86 = arith.constant 0 : index
    %get3A_87 = vector.load %arg9[%get3A_84, %get3A_85, %get3A_86] : memref<1x400x64xf32, #tpu.memory_space<vmem>>, vector<1x400x64xf32>
    %get3A_88 = vector.shape_cast %get3A_87 : vector<1x400x64xf32> to vector<400x64xf32>
    %div3A_89 = vector.broadcast %max3A_67 : vector<400x1xf32> to vector<400x64xf32>
    %div3A_90 = arith.divf %get3A_88, %div3A_89 : vector<400x64xf32>
    %get3A_91 = arith.constant 1 : index
    %get3A_92 = arith.constant 1 : index
    %get3A_93 = arith.constant 0 : index
    %get3A_94 = arith.constant 0 : index
    %get3A_95 = vector.load %arg4[%get3A_91, %get3A_92, %get3A_93, %get3A_94] : memref<2x3x64x128xf32, #tpu.memory_space<vmem>>, vector<1x1x64x128xf32>
    %get3A_96 = vector.shape_cast %get3A_95 : vector<1x1x64x128xf32> to vector<64x128xf32>
    %dot_general3A_97 = arith.constant dense<0.000000e+00> : vector<400x128xf32>
    %dot_general3A_98 = tpu.matmul %div3A_90, %get3A_96, %dot_general3A_97 {dimension_numbers = #tpu.dot_dimension_numbers<[1], [0], [0], [1], [0, 0, 1, 1], [], []>, precision = #tpu.contract_precision<fp32>, transpose_lhs_hint = false} : vector<400x64xf32>, vector<64x128xf32>, vector<400x128xf32> -> vector<400x128xf32>
    %add3A_99 = arith.addf %add3A_83, %dot_general3A_98 : vector<400x128xf32>
    %get3A_100 = arith.constant 0 : index
    %get3A_101 = arith.constant 0 : index
    %get3A_102 = arith.constant 0 : index
    %get3A_103 = vector.load %arg13[%get3A_100, %get3A_101, %get3A_102] : memref<1x400x1xf32, #tpu.memory_space<vmem>>, vector<1x400x1xf32>
    %get3A_104 = vector.shape_cast %get3A_103 : vector<1x400x1xf32> to vector<400x1xf32>
    %get3A_105 = arith.constant 0 : index
    %get3A_106 = arith.constant 0 : index
    %get3A_107 = arith.constant 0 : index
    %get3A_108 = vector.load %arg16[%get3A_105, %get3A_106, %get3A_107] : memref<1x400x1xf32, #tpu.memory_space<vmem>>, vector<1x400x1xf32>
    %get3A_109 = vector.shape_cast %get3A_108 : vector<1x400x1xf32> to vector<400x1xf32>
    %add3A_110 = arith.addf %get3A_104, %get3A_109 : vector<400x1xf32>
    %max3A_111 = arith.constant 1.000000e+00 : f32
    %max3A_112 = vector.broadcast %max3A_111 : f32 to vector<400x1xf32>
    %max3A_113 = arith.maximumf %add3A_110, %max3A_112 : vector<400x1xf32>
    %get3A_114 = arith.constant 0 : index
    %get3A_115 = arith.constant 0 : index
    %get3A_116 = arith.constant 0 : index
    %get3A_117 = vector.load %arg7[%get3A_114, %get3A_115, %get3A_116] : memref<1x400x64xf32, #tpu.memory_space<vmem>>, vector<1x400x64xf32>
    %get3A_118 = vector.shape_cast %get3A_117 : vector<1x400x64xf32> to vector<400x64xf32>
    %div3A_119 = vector.broadcast %max3A_113 : vector<400x1xf32> to vector<400x64xf32>
    %div3A_120 = arith.divf %get3A_118, %div3A_119 : vector<400x64xf32>
    %get3A_121 = arith.constant 0 : index
    %get3A_122 = arith.constant 2 : index
    %get3A_123 = arith.constant 0 : index
    %get3A_124 = arith.constant 0 : index
    %get3A_125 = vector.load %arg4[%get3A_121, %get3A_122, %get3A_123, %get3A_124] : memref<2x3x64x128xf32, #tpu.memory_space<vmem>>, vector<1x1x64x128xf32>
    %get3A_126 = vector.shape_cast %get3A_125 : vector<1x1x64x128xf32> to vector<64x128xf32>
    %dot_general3A_127 = arith.constant dense<0.000000e+00> : vector<400x128xf32>
    %dot_general3A_128 = tpu.matmul %div3A_120, %get3A_126, %dot_general3A_127 {dimension_numbers = #tpu.dot_dimension_numbers<[1], [0], [0], [1], [0, 0, 1, 1], [], []>, precision = #tpu.contract_precision<fp32>, transpose_lhs_hint = false} : vector<400x64xf32>, vector<64x128xf32>, vector<400x128xf32> -> vector<400x128xf32>
    %add3A_129 = arith.addf %add3A_99, %dot_general3A_128 : vector<400x128xf32>
    %get3A_130 = arith.constant 0 : index
    %get3A_131 = arith.constant 0 : index
    %get3A_132 = arith.constant 0 : index
    %get3A_133 = vector.load %arg10[%get3A_130, %get3A_131, %get3A_132] : memref<1x400x64xf32, #tpu.memory_space<vmem>>, vector<1x400x64xf32>
    %get3A_134 = vector.shape_cast %get3A_133 : vector<1x400x64xf32> to vector<400x64xf32>
    %div3A_135 = vector.broadcast %max3A_113 : vector<400x1xf32> to vector<400x64xf32>
    %div3A_136 = arith.divf %get3A_134, %div3A_135 : vector<400x64xf32>
    %get3A_137 = arith.constant 1 : index
    %get3A_138 = arith.constant 2 : index
    %get3A_139 = arith.constant 0 : index
    %get3A_140 = arith.constant 0 : index
    %get3A_141 = vector.load %arg4[%get3A_137, %get3A_138, %get3A_139, %get3A_140] : memref<2x3x64x128xf32, #tpu.memory_space<vmem>>, vector<1x1x64x128xf32>
    %get3A_142 = vector.shape_cast %get3A_141 : vector<1x1x64x128xf32> to vector<64x128xf32>
    %dot_general3A_143 = arith.constant dense<0.000000e+00> : vector<400x128xf32>
    %dot_general3A_144 = tpu.matmul %div3A_136, %get3A_142, %dot_general3A_143 {dimension_numbers = #tpu.dot_dimension_numbers<[1], [0], [0], [1], [0, 0, 1, 1], [], []>, precision = #tpu.contract_precision<fp32>, transpose_lhs_hint = false} : vector<400x64xf32>, vector<64x128xf32>, vector<400x128xf32> -> vector<400x128xf32>
    %add3A_145 = arith.addf %add3A_129, %dot_general3A_144 : vector<400x128xf32>
    %max3A_146 = arith.constant 0.000000e+00 : f32
    %max3A_147 = vector.broadcast %max3A_146 : f32 to vector<400x128xf32>
    %max3A_148 = arith.maximumf %add3A_145, %max3A_147 : vector<400x128xf32>
    %add3A_149 = arith.addf %get3A_1, %max3A_148 : vector<400x128xf32>
    %swap3A = arith.constant 0 : index
    %swap3A_150 = arith.constant 0 : index
    %swap3A_151 = vector.load %arg17[%swap3A, %swap3A_150] : memref<400x128xf32, #tpu.memory_space<vmem>>, vector<400x128xf32>
    tpu.vector_store %arg17[%swap3A, %swap3A_150], %add3A_149 {strides = array<i32>} : memref<400x128xf32, #tpu.memory_space<vmem>>, vector<400x128xf32>,
    return
  }
  func.func @transform_0(%arg0: i32) -> (i32, i32) {
    %c0_i32 = arith.constant 0 : i32
    %c0_i32_0 = arith.constant 0 : i32
    return %arg0, %c0_i32 : i32, i32
  }
  func.func @transform_1(%arg0: i32) -> (i32, i32) {
    %c0_i32 = arith.constant 0 : i32
    %c0_i32_0 = arith.constant 0 : i32
    %c0_i32_1 = arith.constant 0 : i32
    return %c0_i32, %c0_i32_0 : i32, i32
  }
  func.func @transform_2(%arg0: i32) -> (i32, i32) {
    %c0_i32 = arith.constant 0 : i32
    %c0_i32_0 = arith.constant 0 : i32
    %c0_i32_1 = arith.constant 0 : i32
    return %c0_i32, %c0_i32_0 : i32, i32
  }
  func.func @transform_3(%arg0: i32) -> (i32, i32, i32, i32) {
    %c0_i32 = arith.constant 0 : i32
    %c0_i32_0 = arith.constant 0 : i32
    %c0_i32_1 = arith.constant 0 : i32
    %c0_i32_2 = arith.constant 0 : i32
    %c0_i32_3 = arith.constant 0 : i32
    return %c0_i32, %c0_i32_0, %c0_i32_1, %c0_i32_2 : i32, i32, i32, i32
  }
  func.func @transform_4(%arg0: i32) -> (i32, i32, i32) {
    %add3A = arith.constant 0 : i32
    %add3A_0 = arith.addi %add3A, %arg0 : i32
    %c0_i32 = arith.constant 0 : i32
    %c0_i32_1 = arith.constant 0 : i32
    %c0_i32_2 = arith.constant 0 : i32
    return %c0_i32, %add3A_0, %c0_i32_1 : i32, i32, i32
  }
  func.func @transform_5(%arg0: i32) -> (i32, i32, i32) {
    %add3A = arith.constant 25 : i32
    %add3A_0 = arith.addi %add3A, %arg0 : i32
    %c0_i32 = arith.constant 0 : i32
    %c0_i32_1 = arith.constant 0 : i32
    %c0_i32_2 = arith.constant 0 : i32
    return %c0_i32, %add3A_0, %c0_i32_1 : i32, i32, i32
  }
  func.func @transform_6(%arg0: i32) -> (i32, i32, i32) {
    %add3A = arith.constant 50 : i32
    %add3A_0 = arith.addi %add3A, %arg0 : i32
    %c0_i32 = arith.constant 0 : i32
    %c0_i32_1 = arith.constant 0 : i32
    %c0_i32_2 = arith.constant 0 : i32
    return %c0_i32, %add3A_0, %c0_i32_1 : i32, i32, i32
  }
  func.func @transform_7(%arg0: i32) -> (i32, i32, i32) {
    %add3A = arith.constant 0 : i32
    %add3A_0 = arith.addi %add3A, %arg0 : i32
    %c1_i32 = arith.constant 1 : i32
    %c0_i32 = arith.constant 0 : i32
    %c0_i32_1 = arith.constant 0 : i32
    return %c1_i32, %add3A_0, %c0_i32 : i32, i32, i32
  }
  func.func @transform_8(%arg0: i32) -> (i32, i32, i32) {
    %add3A = arith.constant 25 : i32
    %add3A_0 = arith.addi %add3A, %arg0 : i32
    %c1_i32 = arith.constant 1 : i32
    %c0_i32 = arith.constant 0 : i32
    %c0_i32_1 = arith.constant 0 : i32
    return %c1_i32, %add3A_0, %c0_i32 : i32, i32, i32
  }
  func.func @transform_9(%arg0: i32) -> (i32, i32, i32) {
    %add3A = arith.constant 50 : i32
    %add3A_0 = arith.addi %add3A, %arg0 : i32
    %c1_i32 = arith.constant 1 : i32
    %c0_i32 = arith.constant 0 : i32
    %c0_i32_1 = arith.constant 0 : i32
    return %c1_i32, %add3A_0, %c0_i32 : i32, i32, i32
  }
  func.func @transform_10(%arg0: i32) -> (i32, i32, i32) {
    %add3A = arith.constant 0 : i32
    %add3A_0 = arith.addi %add3A, %arg0 : i32
    %c0_i32 = arith.constant 0 : i32
    %c0_i32_1 = arith.constant 0 : i32
    %c0_i32_2 = arith.constant 0 : i32
    return %c0_i32, %add3A_0, %c0_i32_1 : i32, i32, i32
  }
  func.func @transform_11(%arg0: i32) -> (i32, i32, i32) {
    %add3A = arith.constant 25 : i32
    %add3A_0 = arith.addi %add3A, %arg0 : i32
    %c0_i32 = arith.constant 0 : i32
    %c0_i32_1 = arith.constant 0 : i32
    %c0_i32_2 = arith.constant 0 : i32
    return %c0_i32, %add3A_0, %c0_i32_1 : i32, i32, i32
  }
  func.func @transform_12(%arg0: i32) -> (i32, i32, i32) {
    %add3A = arith.constant 50 : i32
    %add3A_0 = arith.addi %add3A, %arg0 : i32
    %c0_i32 = arith.constant 0 : i32
    %c0_i32_1 = arith.constant 0 : i32
    %c0_i32_2 = arith.constant 0 : i32
    return %c0_i32, %add3A_0, %c0_i32_1 : i32, i32, i32
  }
  func.func @transform_13(%arg0: i32) -> (i32, i32, i32) {
    %add3A = arith.constant 0 : i32
    %add3A_0 = arith.addi %add3A, %arg0 : i32
    %c1_i32 = arith.constant 1 : i32
    %c0_i32 = arith.constant 0 : i32
    %c0_i32_1 = arith.constant 0 : i32
    return %c1_i32, %add3A_0, %c0_i32 : i32, i32, i32
  }
  func.func @transform_14(%arg0: i32) -> (i32, i32, i32) {
    %add3A = arith.constant 25 : i32
    %add3A_0 = arith.addi %add3A, %arg0 : i32
    %c1_i32 = arith.constant 1 : i32
    %c0_i32 = arith.constant 0 : i32
    %c0_i32_1 = arith.constant 0 : i32
    return %c1_i32, %add3A_0, %c0_i32 : i32, i32, i32
  }
  func.func @transform_15(%arg0: i32) -> (i32, i32, i32) {
    %add3A = arith.constant 50 : i32
    %add3A_0 = arith.addi %add3A, %arg0 : i32
    %c1_i32 = arith.constant 1 : i32
    %c0_i32 = arith.constant 0 : i32
    %c0_i32_1 = arith.constant 0 : i32
    return %c1_i32, %add3A_0, %c0_i32 : i32, i32, i32
  }
  func.func @transform_16(%arg0: i32) -> (i32, i32) {
    %c0_i32 = arith.constant 0 : i32
    %c0_i32_0 = arith.constant 0 : i32
    return %arg0, %c0_i32 : i32, i32
  }
}

</mosaic_0001>

<sc_bundles>
// kernel: kernel.10.cloned.1.call-start
scs
__scs_entry_jumppad:
0x0: {  	(pc) =	sbr.rel $0x88, $3  }
0x1: {  	(tag) =	ssettag $0x0;
	lr =	simm.s32 $0x1  }
0x2: {  	[smem:$0x3F99] =	sst lr;
	_ =	strace $0xD0000000  }
0x3: {  	_ = 	snop  }
0x4: {  	_ = 	snop  }
0x5: {  	_ = 	snop  }
0x6: {  	_ = 	snop  }
0x7: {  	_ = 	snop  }
__scs_overlays_trampoline_lowered:
0x8: {  	[smem:$0x3FA8] =	sst s0  }
0x9: {  	[smem:$0x3FA9] =	sst s1  }
0xa: {  	[smem:$0x3FAA] =	sst s2  }
0xb: {  	[smem:$0x3FAB] =	sst s3  }
0xc: {  	[smem:$0x3FAC] =	sst s4  }
0xd: {  	[smem:$0x3FAD] =	sst s5  }
0xe: {  	[smem:$0x3FAE] =	sst s6  }
0xf: {  	[smem:$0x3FAF] =	sst s7  }
0x10: {  	[smem:$0x3FB0] =	sst s8  }
0x11: {  	[smem:$0x3FB1] =	sst s9;
	s0 =	simm.s32 @!p0 $0x0  }
0x12: {  	s1 =	sld [smem:$0x3F97];
	s0 =	simm.s32 @p0 $0x1  }
0x13: {  	[smem:$0x3FB2] =	sst s0;
	s0 =	simm.s32 @!p1 $0x0  }
0x14: {  	s2 =	sld [smem:$0x3F96];
	s0 =	simm.s32 @p1 $0x1  }
0x15: {  	[smem:$0x3FB3] =	sst s0;
	s0 =	simm.s32 @!p2 $0x0  }
0x16: {  	s3 =	sld [smem:$0x3FDB];
	s0 =	simm.s32 @p2 $0x1  }
0x17: {  	s4 =	simm.s32 $0x1BF5;
	[smem:$0x3FB5] =	sst s0  }
0x18: {  	s0 =	sld [smem:$0x3F98];
	_ =	swait.ge [sflag:s4], $0x0  }
0x19: {  	s7 =	sld [smem:$0x3F99]  }
0x1a: {  	s8 =	sadd.s32 $0xFFFFE003, lr  }
0x1b: {  	s9 =	sadd.s32 $0xFFFFFEF7, lr;
	s5 =	simm.s32 $0xFFFFFFFF;
	p2 =	slt.u32 s8, $0xFFFFF086  }
0x1c: {  	p1 =	slt.u32 s9, $0xF7A;
	s5 =	simm.s32 @!p2 $0x0  }
0x1d: {  	s5 =	simm.s32 @p1 $0x1;
	p0 =	seq.s32 s7, s2  }
0x1e: {  	s7 =	smul.u32 @!p0 $0xF7A, s2;
	p2 =	seq.s32 @!p0 s5, $0x0  }
0x1f: {  	s9 =	smul.u32 $0xF7A, s1;
	s8 =	simm.s32 @!p0 $0x1BF5;
	p2 =	por !p2, p0  }
0x20: {  	[sflag:s8] =	ssyncset.s32 @!p0 $0xFFFFF086;
	s6 =	sadd.s32 @!p0 s3, s7;
	s7 =	simm.s32 @!p0 $0x108  }
0x21: {  	s3 =	sadd.s32 s3, s9;
	s6 =	sadd.s32 @!p0 $0x88, s6;
	s7 =	simm.s32 @p2 $0x1082  }
0x22: {  	[simem:s7], [sflag:s8] =	dma.local @!p0 [hbm:s6], $0xF7A  }
0x23: {  	s9 =	sor.u32 $0xD0000000, s2;
	s6 =	simm.s32 $0x108;
	_ =	swait.ge @!p0 [sflag:s8], $0x0  }
0x24: {  	s3 =	sadd.s32 $0x88, s3;
	s6 =	simm.s32 @!p1 $0x1082;
	[sflag:s4] =	ssyncset.s32 $0xFFFFF086  }
0x25: {  	[simem:s6], [sflag:s4] =	dma.local [hbm:s3], $0xF7A  }
0x26: {  	[smem:$0x3F99] =	sst s1;
	(tag) =	ssettag s2;
	_ =	strace s9  }
0x27: {  	s1 =	sld [smem:$0x3FA9]  }
0x28: {  	s2 =	sld [smem:$0x3FAA]  }
0x29: {  	s4 =	sld [smem:$0x3FAC]  }
0x2a: {  	p0 =	seq.s32 s5, $0x0;
	s5 =	sld [smem:$0x3FAD]  }
0x2b: {  	s6 =	sld [smem:$0x3FAE]  }
0x2c: {  	s7 =	sld [smem:$0x3FAF]  }
0x2d: {  	s3 =	simm.s32 $0x108;
	s8 =	sld [smem:$0x3FB0]  }
0x2e: {  	s3 =	simm.s32 @!p0 $0x1082;
	s9 =	sld [smem:$0x3FB1]  }
0x2f: {  	lr =	sadd.s32 s0, s3;
	s0 =	sld [smem:$0x3FA8]  }
0x30: {  	s3 =	sld [smem:$0x3FAB]  }
0x31: {  	[smem:$0x3FB4] =	sst s10  }
0x32: {  	s10 =	sld [smem:$0x3FB2];
	_ =	sdelay $0x3  }
0x33: {  	p0 =	seq.s32 s10, $0x1;
	s10 =	sld [smem:$0x3FB4];
	_ =	sdelay $0x3  }
0x34: {  	[smem:$0x3FB4] =	sst s10  }
0x35: {  	s10 =	sld [smem:$0x3FB3];
	_ =	sdelay $0x3  }
0x36: {  	p1 =	seq.s32 s10, $0x1;
	s10 =	sld [smem:$0x3FB4];
	_ =	sdelay $0x3  }
0x37: {  	[smem:$0x3FB4] =	sst s10  }
0x38: {  	s10 =	sld [smem:$0x3FB5]  }
0x39: {  	_ = 	snop;
	(pc) =	sbr.ind lr, $3  }
0x3a: {  	_ = 	snop  }
0x3b: {  	_ = 	snop  }
0x3c: {  	p2 =	seq.s32 s10, $0x1;
	s10 =	sld [smem:$0x3FB4]  }
0x3d: {  	_ =	shalt  }
0x3e: {  	_ =	shalt  }
0x3f: {  	_ =	shalt  }
0x40: {  	_ =	shalt  }
0x41: {  	_ =	shalt  }
0x42: {  	_ =	shalt  }
0x43: {  	_ =	shalt  }
0x44: {  	_ =	shalt  }
0x45: {  	_ =	shalt  }
0x46: {  	_ =	shalt  }
0x47: {  	_ =	shalt  }
0x48: {  	_ =	shalt  }
0x49: {  	_ =	shalt  }
0x4a: {  	_ =	shalt  }
0x4b: {  	_ =	shalt  }
0x4c: {  	_ =	shalt  }
0x4d: {  	_ =	shalt  }
0x4e: {  	_ =	shalt  }
0x4f: {  	_ =	shalt  }
0x50: {  	_ =	shalt  }
0x51: {  	_ =	shalt  }
0x52: {  	_ =	shalt  }
0x53: {  	_ =	shalt  }
0x54: {  	_ =	shalt  }
0x55: {  	_ =	shalt  }
0x56: {  	_ =	shalt  }
0x57: {  	_ =	shalt  }
0x58: {  	_ =	shalt  }
0x59: {  	_ =	shalt  }
0x5a: {  	_ =	shalt  }
0x5b: {  	_ =	shalt  }
0x5c: {  	_ =	shalt  }
0x5d: {  	_ =	shalt  }
0x5e: {  	_ =	shalt  }
0x5f: {  	_ =	shalt  }
0x60: {  	_ =	shalt  }
0x61: {  	_ =	shalt  }
0x62: {  	_ =	shalt  }
0x63: {  	_ =	shalt  }
0x64: {  	_ =	shalt  }
0x65: {  	_ =	shalt  }
0x66: {  	_ =	shalt  }
0x67: {  	_ =	shalt  }
0x68: {  	_ =	shalt  }
0x69: {  	_ =	shalt  }
0x6a: {  	_ =	shalt  }
0x6b: {  	_ =	shalt  }
0x6c: {  	_ =	shalt  }
0x6d: {  	_ =	shalt  }
0x6e: {  	_ =	shalt  }
0x6f: {  	_ =	shalt  }
0x70: {  	_ =	shalt  }
0x71: {  	_ =	shalt  }
0x72: {  	_ =	shalt  }
0x73: {  	_ =	shalt  }
0x74: {  	_ =	shalt  }
0x75: {  	_ =	shalt  }
0x76: {  	_ =	shalt  }
0x77: {  	_ =	shalt  }
0x78: {  	_ =	shalt  }
0x79: {  	_ =	shalt  }
0x7a: {  	_ =	shalt  }
0x7b: {  	_ =	shalt  }
0x7c: {  	_ =	shalt  }
0x7d: {  	_ =	shalt  }
0x7e: {  	_ =	shalt  }
0x7f: {  	_ =	shalt  }
0x80: {  	_ =	shalt  }
0x81: {  	_ =	shalt  }
0x82: {  	_ =	shalt  }
0x83: {  	_ =	shalt  }
0x84: {  	_ =	shalt  }
0x85: {  	_ =	shalt  }
0x86: {  	_ =	shalt  }
0x87: {  	_ =	shalt  }
.Lfunc_end0:
.L_simem_size_0:
called_computation_lowered:
.L_overlay_start_0:
0x88: {  	s2 =	sld [smem:$0x3FD9]  }
0x89: {  	s3 =	sld [smem:$0x3FFE];
	_ =	sdelay $0x1  }
0x8a: {  	s1 =	srdreg.scid  }
0x8b: {  	s0 =	sand.u32 $0x1, s1  }
0x8c: {  	s17 =	sshll.u32 s0, $0xA;
	s2 =	sadd.s32 s3, s2  }
0x8d: {  	s2 =	sadd.s32 s2, s17  }
0x8e: {  	[smem:$0x3FC0] =	sst s2  }
0x8f: {  	_ = 	snop  }
0x90: {  	s2 =	sld [smem:$0x3FD0];
	(tm) =	ssettm $0x1  }
0x91: {  	s18 =	sld [smem:$0x3FFB];
	_ =	sdelay $0x3  }
0x92: {  	_ =	strace s18  }
0x93: {  	s3 =	sld [smem:$0x3FFC];
	_ =	sdelay $0x3  }
0x94: {  	_ =	strace s3  }
0x95: {  	s3 =	sld [smem:$0x3FFD];
	_ =	sdelay $0x3  }
0x96: {  	_ =	strace s3  }
0x97: {  	_ =	strace $0x8FFFFFFF  }
0x98: {  	s19 =	sld [smem:$0x3FDB];
	_ =	sdelay $0x1  }
0x99: {  	s4 =	simm.s32 $_scs_section_size  }
0x9a: {  	s5 =	simm.s32 $_size__tile_overlayer_lowered;
	s6 =	simm.s32 $_tile_overlayer_lowered  }
0x9b: {  	s22 =	simm.s32 $0x1BFF;
	s21 =	sshll.u32 s6, $0x1;
	s3 =	sadd.s32 s4, s19  }
0x9c: {  	s7 =	simm.s32 $0x0;
	s20 =	sshll.u32 s5, $0x1;
	s5 =	sadd.s32 s21, s3  }
0x9d: {  	[timem:s7], [sflag:s22] =	dma.local [hbm:s5], s20  }
0x9e: {  	_ =	swait.ge [sflag:s22], s20  }
0x9f: {  	s4 =	ssub.s32 $0x0, s20;
	[sflag:s22] =	ssyncset.done $0x0  }
0xa0: {  	[sflag:s22] =	ssyncadd.s32 s4;
	_ =	sdelay $0x1  }
0xa1: {  	s23 =	simm.s32 $0x1B8B  }
0xa2: {  	_ =	swait.ge [sflag:s23], $0x1  }
0xa3: {  	[sflag:s23] =	ssyncset.done $0x0  }
0xa4: {  	s25 =	simm.s32 $0x1B8E;
	s24 =	sld [smem:$0x3FFE];
	[sflag:s23] =	ssyncadd.s32 $0xFFFFFFFF  }
0xa5: {  	s26 =	simm.s32 $execute0_lowered;
	[smem:$0x3FD2] =	sst s25  }
0xa6: {  	s5 =	sshll.u32 s26, $0x1;
	_ =	strace $0x80000046;
	[dreg:$0x1] =	wrdreg $0xFFFFFFFF  }
0xa7: {  	s28 =	simm.s32 $_size_execute0_lowered;
	s3 =	sadd.s32 s3, s5;
	[dreg:$0x0] =	wrdreg $0x0  }
0xa8: {  	s5 =	sshll.u32 s28, $0x1;
	[dreg:$0x2] =	wrdreg s3  }
0xa9: {  	[dreg:$0x3] =	wrdreg s5  }
0xaa: {  	[dreg:$0x4] =	wrdreg $0xC0  }
0xab: {  	_ =	task [dreg:s7], $0x5FFFF  }
0xac: {  	[dreg:$0x1] =	wrdreg $0xFFFFFFFF  }
0xad: {  	[dreg:$0x0] =	wrdreg $0x60  }
0xae: {  	[dreg:$0x2] =	wrdreg s2  }
0xaf: {  	[dreg:$0x3] =	wrdreg s24  }
0xb0: {  	[dreg:$0x4] =	wrdreg $0x3000  }
0xb1: {  	[dreg:$0x5] =	wrdreg $0x9  }
0xb2: {  	_ =	task.clear_ibuf [dreg:s7], $0x6FFFF;
	_ =	strace $0x90000046  }
0xb3: {  	s29 =	simm.s32 $0x9;
	_ =	strace $0x80000048  }
0xb4: {  	_ =	swait.ge [sflag:s29], $0x1  }
0xb5: {  	[sflag:s29] =	ssyncadd.s32 $0xFFFFFFFF  }
0xb6: {  	_ =	strace $0x90000048  }
0xb7: {  	_ =	sfence  }
0xb8: {  	s30 =	sld [smem:$0x0];
	_ =	sdelay $0x2  }
0xb9: {  	s31 =	sshll.u32 s1, $0xD;
	s1 =	sshrl.u32 s1, $0x2  }
0xba: {  	s3 =	sand.u32 $0x4000, s31;
	s1 =	sadd.s32 s1, s30  }
0xbb: {  	s0 =	sor.u32 s3, s0;
	s1 =	sshll.u32 s1, $0x11  }
0xbc: {  	s0 =	sor.u32 s1, s0  }
0xbd: {  	s0 =	sadd.s32 $0x8F2B, s0  }
0xbe: {  	[sflag:s0] =	ssyncadd.remote.s32 $0x1  }
0xbf: {  	_ =	sfence.sel $0xFFFF  }
0xc0: {  	[dreg:$0x0] =	wrdreg $0xFFFFFFFF;
	(pc) =	sbr.abs _section_cstart, $3  }
0xc1: {  	[dreg:$0x1] =	wrdreg $0xFFFFFFFF  }
0xc2: {  	_ =	task.clear_ibuf [dreg:s7], $0x2FFFF;
	_ =	strace $0x9FFFFFFF  }
0xc3: {  	(tm) =	ssettm $0x7FFFFFFF  }
tec
execute0_lowered:
.L_overlay_start_1:
0x0: {  	(tag) =	ssettag $0x1  }
0x1: {  	s10 =	rddreg [dreg:$0x0]  }
0x2: {  	s4 =	rddreg [dreg:$0x1]  }
0x3: {  	s0 =	srdreg.scid;
	s2 =	rddreg [dreg:$0x2]  }
0x4: {  	s1 =	rddreg [dreg:$0x3];
	s3 =	simm.s32 $0x0;
	s5 =	sand.u32 $0x1, s0  }
0x5: {  	s16 =	simm.s32 $0x100;
	s0 =	stileid.u32;
	s6 =	smul.u32 $0x14000, s5  }
0x6: {  	s17 =	simm.s32 $0x180;
	s18 =	simm.s32 $0x200;
	s7 =	smul.u32 $0x1400, s0  }
0x7: {  	s20 =	simm.s32 $0x0;
	[smem:$0x7FF] =	sst s3;
	s8 =	smul.u32 $0x7580, s5  }
0x8: {  	s14 =	sadd.s32 $0x14200, s4;
	s26 =	smul.u32 $0x758, s0;
	_ =	strace $0x80000047  }
0x9: {  	s5 =	ssub.s32 $0x2, s5;
	s28 =	smul.u32 $0x1D60, s0;
	s19 =	sshll.u32 s0, $0x6  }
0xa: {  	s29 =	sshrl.u32 s5, $0x1;
	s19 =	sor.u32 $0x1C01, s19;
	s9 =	sadd.s32 s7, s6  }
0xb: {  	s6 =	sadd.s32 s26, s8;
	s5 =	ssub.s32 s5, s29;
	s30 =	sshrl.u32 s28, $0x2  }
0xc: {  	s11 =	sshrl.u32 s9, $0x3;
	s6 =	sshrl.u32 s6, $0x3;
	s5 =	smax.u32 s5, $0x1  }
0xd: {  	s15 =	sadd.s32 $0x28000, s9;
	s12 =	sadd.s32 s11, s4;
	s13 =	sadd.s32 s6, s4  }
0xe: {  	s4 =	sadd.s32 s30, s2;
	s6 =	sadd.s32 s11, s14;
	s31 =	sshrl.u32 s15, $0x3  }
0xf: {  	s10 =	sadd.s32 s11, s10;
	s15 =	simm.s32 $0x80;
	s7 =	sadd.s32 $0xF200, s12  }
0x10: {  	s8 =	sadd.s32 $0x8400, s12;
	s9 =	sadd.s32 $0x3400, s12;
	s11 =	sadd.s32 s31, s14  }
0x11: {  	v0 =	vimm.f32 $0.0e+00;
	v1 =	vimm.f32 $1.000000000e+00;
	s12 =	sadd.s32 $0xD400, s13;
	s13 =	simm.s32 $0x280;
	s14 =	simm.s32 $0x1  }
.LBB2_1:
0x12: {  	[tilespmem:$0x280] =	vst v0  }
0x13: {  	[tilespmem:$0x290] =	vst v0  }
0x14: {  	[tilespmem:$0x2A0] =	vst v0  }
0x15: {  	[tilespmem:$0x2B0] =	vst v0  }
0x16: {  	[tilespmem:$0x2C0] =	vst v0  }
0x17: {  	[tilespmem:$0x2D0] =	vst v0  }
0x18: {  	[tilespmem:$0x2E0] =	vst v0  }
0x19: {  	[tilespmem:$0x2F0] =	vst v0;
	s21 =	sadd.s32 $0x0, s4  }
0x1a: {  	[spmem:s21] =	stream.linear.scatter [tilespmem:s13], [sflag:$0x1], $0x28, $0x38;
	[tilespmem:$0xA58] =	vst v63  }
0x1b: {  	s21 =	simm.s32 $0xA0;
	_ =	swait.ge [sflag:s14], $0x28  }
.LBB2_2:
0x1c: {  	s22 =	sshra.s32 s21, $0x2;
	[sflag:s14] =	ssyncset.done $0x0;
	p0 =	sne.s32 s21, $0x1CC0  }
.Ltmp0:
0x1d: {  	s22 =	sadd.s32 s22, s4;
	[sflag:s14] =	ssyncadd.s32 $0xFFFFFFD8;
	(pc) =	sbr.rel @p0 .LBB2_2-.Ltmp0, $3  }
0x1e: {  	[spmem:s22] =	stream.linear.scatter [tilespmem:s13], [sflag:$0x1], $0x28, $0x38;
	[tilespmem:$0xA58] =	vst v63  }
0x1f: {  	s21 =	sadd.s32 $0xA0, s21;
	_ =	sdelay $0x1  }
0x20: {  	_ =	swait.ge [sflag:s14], $0x28  }
0x21: {  	[sflag:s14] =	ssyncset.done $0x0  }
0x22: {  	[sflag:s14] =	ssyncadd.s32 $0xFFFFFFD8  }
0x23: {  	[tilespmem:$0x280] =	vst v1  }
0x24: {  	[tilespmem:$0x290] =	vst v1  }
0x25: {  	[tilespmem:$0x2A0] =	vst v1  }
0x26: {  	[tilespmem:$0x2B0] =	vst v1  }
0x27: {  	[tilespmem:$0x2C0] =	vst v1  }
0x28: {  	[tilespmem:$0x2D0] =	vst v1  }
0x29: {  	[tilespmem:$0x2E0] =	vst v1  }
0x2a: {  	[tilespmem:$0x2F0] =	vst v1  }
0x2b: {  	s21 =	sadd.s32 $0x0, s10;
	[bflag:$0x0] =	sbarrier.arrive $0xFFFF  }
0x2c: {  	[tilespmem:s3], [sflag:$0x1] =	stream.linear.gather [hbm4b:s21+s3], $0x80, $0x38;
	[tilespmem:$0xA58] =	vst v63  }
0x2d: {  	_ =	swait.ge [sflag:s14], $0x80  }
0x2e: {  	[sflag:s14] =	ssyncset.done $0x0  }
0x2f: {  	s30 =	sadd.s32 $0x0, s9;
	[sflag:s14] =	ssyncadd.s32 $0xFFFFFF80  }
0x30: {  	[tilespmem:s15], [sflag:$0x1] =	stream.linear.gather [hbm4b:s30+s3], $0x80, $0x38;
	[tilespmem:$0xA58] =	vst v63  }
0x31: {  	_ =	swait.ge [sflag:s14], $0x80  }
0x32: {  	[sflag:s14] =	ssyncset.done $0x0  }
0x33: {  	s31 =	sadd.s32 $0x0, s8;
	[sflag:s14] =	ssyncadd.s32 $0xFFFFFF80  }
0x34: {  	[tilespmem:s16], [sflag:$0x1] =	stream.linear.gather [hbm4b:s31+s3], $0x80, $0x38;
	[tilespmem:$0xA58] =	vst v63  }
0x35: {  	_ =	swait.ge [sflag:s14], $0x80  }
0x36: {  	[sflag:s14] =	ssyncset.done $0x0  }
0x37: {  	[sflag:s14] =	ssyncadd.s32 $0xFFFFFF80  }
0x38: {  	v9 =	vld [tilespmem:$0x0]  }
0x39: {  	v7 =	vld [tilespmem:$0xD0]  }
0x3a: {  	v10 =	vld [tilespmem:$0x30]  }
0x3b: {  	v2 =	vld [tilespmem:$0xC0]  }
0x3c: {  	v6 =	vld [tilespmem:$0x10]  }
0x3d: {  	v11 =	vld [tilespmem:$0x20]  }
0x3e: {  	v5 =	vld [tilespmem:$0x120]  }
0x3f: {  	v3 =	vld [tilespmem:$0xB0]  }
0x40: {  	v4 =	vld [tilespmem:$0x80]  }
0x41: {  	s22 =	simm.s32 $0x10;
	s21 =	simm.s32 $0x0;
	v8 =	vld [tilespmem:$0xE0]  }
.LBB2_4:
0x42: {  	p0 =	sne.s32 s22, $0x270;
	v12 =	vld [tilespmem:$0x170];
	s23 =	smov.u32 s22;
	s22 =	sadd.s32 $0x10, s22  }
0x43: {  	v13 =	vld [tilespmem:$0x150]  }
0x44: {  	v14 =	vld [tilespmem:$0x140]  }
0x45: {  	v15 =	vld [tilespmem:$0x160]  }
0x46: {  	v11 =	vshll.u32 v11, $0x1;
	v16 =	vld [tilespmem:$0x130]  }
0x47: {  	v10 =	vshll.u32 v10, $0x1;
	v17 =	vld [tilespmem:$0x100];
	[tilespmem:$0x220] =	vst v11  }
0x48: {  	v9 =	vshll.u32 v9, $0x1;
	v11 =	vld [tilespmem:$0x110]  }
0x49: {  	v13 =	vmul.u32 $0x2710, v13;
	[tilespmem:$0x200] =	vst v9;
	v9 =	vld [tilespmem:$0xA0];
	v14 =	vmul.u32 $0x2710, v14  }
0x4a: {  	[tilespmem:$0x230] =	vst v10;
	v10 =	vld [tilespmem:$0x40];
	v15 =	vmul.u32 $0x2710, v15  }
0x4b: {  	v7 =	vadd.s32 v7, v13;
	v18 =	vld [tilespmem:$0x90];
	v16 =	vmul.u32 $0x2710, v16  }
0x4c: {  	v5 =	vmul.u32 $0x2710, v5;
	[tilespmem:$0x1D0] =	vst v7;
	v7 =	vadd.s32 v8, v15;
	v8 =	vld [tilespmem:$0xF0]  }
0x4d: {  	v6 =	vshll.u32 v6, $0x1;
	v13 =	vmul.u32 $0x2710, v17;
	v3 =	vadd.s32 v3, v16;
	v15 =	vld [tilespmem:$0x50];
	[tilespmem:$0x1E0] =	vst v7  }
0x4e: {  	v2 =	vadd.s32 v2, v14;
	v7 =	vmul.u32 $0x2710, v11;
	[tilespmem:$0x210] =	vst v6;
	v5 =	vadd.s32 v9, v5;
	v6 =	vld [tilespmem:$0x60]  }
0x4f: {  	v4 =	vadd.s32 v4, v13;
	v9 =	vmul.u32 $0x2710, v12;
	[tilespmem:$0x1C0] =	vst v2;
	v2 =	vshll.u32 v10, $0x1;
	v10 =	vld [tilespmem:$0x70]  }
0x50: {  	[tilespmem:$0x180] =	vst v4;
	v4 =	vadd.s32 v18, v7  }
0x51: {  	[tilespmem:$0x190] =	vst v4;
	v4 =	vadd.s32 v8, v9  }
0x52: {  	[tilespmem:$0x1B0] =	vst v3;
	v3 =	vshll.u32 v15, $0x1  }
0x53: {  	[tilespmem:$0x250] =	vst v3;
	v3 =	vshll.u32 v6, $0x1  }
0x54: {  	[tilespmem:$0x1A0] =	vst v5;
	v5 =	vshll.u32 v10, $0x1  }
0x55: {  	[tilespmem:$0x270] =	vst v5  }
0x56: {  	[tilespmem:$0x260] =	vst v3  }
0x57: {  	[tilespmem:$0x1F0] =	vst v4  }
0x58: {  	s24 =	sadd.s32 s21, s7;
	[tilespmem:$0x240] =	vst v2  }
0x59: {  	[hbm4b:s24+s3] =	stream.linear.scatter [tilespmem:s17], [sflag:$0x1], $0x80, $0x38;
	[tilespmem:$0xA58] =	vst v63  }
0x5a: {  	_ =	swait.ge [sflag:s14], $0x80  }
0x5b: {  	[sflag:s14] =	ssyncset.done $0x0  }
0x5c: {  	s24 =	sadd.s32 s21, s6;
	[sflag:s14] =	ssyncadd.s32 $0xFFFFFF80  }
0x5d: {  	[hbm4b:s24+s3] =	stream.linear.scatter [tilespmem:s18], [sflag:$0x1], $0x80, $0x38;
	[tilespmem:$0xA58] =	vst v63  }
0x5e: {  	_ =	swait.ge [sflag:s14], $0x80  }
0x5f: {  	[sflag:s14] =	ssyncset.done $0x0  }
0x60: {  	[sflag:s14] =	ssyncadd.s32 $0xFFFFFF80  }
0x61: {  	v2 =	vld [tilespmem:$0x200]  }
0x62: {  	v3 =	vld [tilespmem:$0x210]  }
0x63: {  	v4 =	vld [tilespmem:$0x230]  }
0x64: {  	v5 =	vld [tilespmem:$0x240]  }
0x65: {  	v6 =	vld [tilespmem:$0x250]  }
0x66: {  	v2 =	vadd.s32 $0x1, v2;
	v7 =	vld [tilespmem:$0x270]  }
0x67: {  	[tilespmem:$0x200] =	vst v2;
	v2 =	vadd.s32 $0x1, v3;
	v3 =	vld [tilespmem:$0x220]  }
0x68: {  	[tilespmem:$0x210] =	vst v2;
	v2 =	vadd.s32 $0x1, v4  }
0x69: {  	[tilespmem:$0x230] =	vst v2;
	v2 =	vadd.s32 $0x1, v5;
	v4 =	vld [tilespmem:$0x260]  }
0x6a: {  	[tilespmem:$0x240] =	vst v2;
	v2 =	vadd.s32 $0x1, v6  }
0x6b: {  	[tilespmem:$0x250] =	vst v2;
	v2 =	vadd.s32 $0x1, v7  }
0x6c: {  	v3 =	vadd.s32 $0x1, v3;
	[tilespmem:$0x270] =	vst v2  }
0x6d: {  	[tilespmem:$0x220] =	vst v3  }
0x6e: {  	v2 =	vadd.s32 $0x1, v4  }
0x6f: {  	s24 =	sadd.s32 s21, s11;
	s21 =	smov.u32 s23;
	[tilespmem:$0x260] =	vst v2  }
0x70: {  	[hbm4b:s24+s3] =	stream.linear.scatter [tilespmem:s18], [sflag:$0x1], $0x80, $0x38;
	[tilespmem:$0xA58] =	vst v63  }
0x71: {  	_ =	swait.ge [sflag:s14], $0x80  }
0x72: {  	[sflag:s14] =	ssyncset.done $0x0  }
0x73: {  	[sflag:s14] =	ssyncadd.s32 $0xFFFFFF80  }
0x74: {  	[spmem:s2] =	stream.indirect.scatter.add.f32 [tilespmem:s13], [sflag:$0x1], $0x1, s17, s15, $0xb8;
	[tilespmem:$0xA58] =	vst v63  }
0x75: {  	_ =	swait.ge [sflag:s14], $0x80  }
0x76: {  	[sflag:s14] =	ssyncset.done $0x0  }
0x77: {  	[sflag:s14] =	ssyncadd.s32 $0xFFFFFF80  }
0x78: {  	s23 =	sadd.s32 s21, s10  }
0x79: {  	[tilespmem:s3], [sflag:$0x1] =	stream.linear.gather [hbm4b:s23+s3], $0x80, $0x38;
	[tilespmem:$0xA58] =	vst v63  }
0x7a: {  	_ =	swait.ge [sflag:s14], $0x80  }
0x7b: {  	[sflag:s14] =	ssyncset.done $0x0  }
0x7c: {  	s23 =	sadd.s32 s21, s9;
	[sflag:s14] =	ssyncadd.s32 $0xFFFFFF80  }
0x7d: {  	[tilespmem:s15], [sflag:$0x1] =	stream.linear.gather [hbm4b:s23+s3], $0x80, $0x38;
	[tilespmem:$0xA58] =	vst v63  }
0x7e: {  	_ =	swait.ge [sflag:s14], $0x80  }
0x7f: {  	[sflag:s14] =	ssyncset.done $0x0  }
0x80: {  	s23 =	sadd.s32 s21, s8;
	[sflag:s14] =	ssyncadd.s32 $0xFFFFFF80  }
0x81: {  	[tilespmem:s16], [sflag:$0x1] =	stream.linear.gather [hbm4b:s23+s3], $0x80, $0x38;
	[tilespmem:$0xA58] =	vst v63  }
0x82: {  	_ =	swait.ge [sflag:s14], $0x80  }
0x83: {  	[sflag:s14] =	ssyncset.done $0x0  }
0x84: {  	[sflag:s14] =	ssyncadd.s32 $0xFFFFFF80  }
0x85: {  	v9 =	vld [tilespmem:$0x0]  }
0x86: {  	v7 =	vld [tilespmem:$0xD0]  }
0x87: {  	v10 =	vld [tilespmem:$0x30]  }
0x88: {  	v2 =	vld [tilespmem:$0xC0]  }
0x89: {  	v6 =	vld [tilespmem:$0x10]  }
.Ltmp1:
0x8a: {  	v11 =	vld [tilespmem:$0x20];
	(pc) =	sbr.rel @p0 .LBB2_4-.Ltmp1, $4  }
0x8b: {  	v5 =	vld [tilespmem:$0x120]  }
0x8c: {  	v3 =	vld [tilespmem:$0xB0]  }
0x8d: {  	v4 =	vld [tilespmem:$0x80]  }
0x8e: {  	v8 =	vld [tilespmem:$0xE0]  }
0x8f: {  	v12 =	vld [tilespmem:$0x150]  }
0x90: {  	v14 =	vld [tilespmem:$0x140]  }
0x91: {  	v52 =	vld [tilespmem:$0xA0]  }
0x92: {  	v11 =	vshll.u32 v11, $0x1;
	v54 =	vld [tilespmem:$0x60]  }
0x93: {  	v13 =	vld [tilespmem:$0x160];
	v9 =	vshll.u32 v9, $0x1;
	[tilespmem:$0x220] =	vst v11  }
0x94: {  	v15 =	vld [tilespmem:$0x100];
	v10 =	vshll.u32 v10, $0x1;
	[tilespmem:$0x200] =	vst v9;
	v5 =	vmul.u32 $0x2710, v5  }
0x95: {  	v16 =	vld [tilespmem:$0x130];
	v6 =	vshll.u32 v6, $0x1;
	[tilespmem:$0x230] =	vst v10  }
0x96: {  	v44 =	vld [tilespmem:$0x110];
	[tilespmem:$0x210] =	vst v6;
	v12 =	vmul.u32 $0x2710, v12;
	v5 =	vadd.s32 v52, v5  }
0x97: {  	v46 =	vld [tilespmem:$0x90];
	v48 =	vmul.u32 $0x2710, v14;
	v58 =	vshll.u32 v54, $0x1;
	[tilespmem:$0x1A0] =	vst v5  }
0x98: {  	v51 =	vld [tilespmem:$0x50];
	v45 =	vmul.u32 $0x2710, v13;
	[tilespmem:$0x260] =	vst v58;
	v7 =	vadd.s32 v7, v12  }
0x99: {  	v47 =	vld [tilespmem:$0x170];
	v50 =	vmul.u32 $0x2710, v15;
	v2 =	vadd.s32 v2, v48;
	[tilespmem:$0x1D0] =	vst v7  }
0x9a: {  	v53 =	vmul.u32 $0x2710, v16;
	v49 =	vadd.s32 v8, v45;
	[tilespmem:$0x1C0] =	vst v2;
	v2 =	vld [tilespmem:$0x70]  }
0x9b: {  	v56 =	vld [tilespmem:$0xF0];
	v4 =	vadd.s32 v4, v50;
	[tilespmem:$0x1E0] =	vst v49  }
0x9c: {  	v57 =	vld [tilespmem:$0x40];
	v11 =	vmul.u32 $0x2710, v44;
	v3 =	vadd.s32 v3, v53;
	[tilespmem:$0x180] =	vst v4  }
0x9d: {  	[tilespmem:$0x1B0] =	vst v3;
	v3 =	vshll.u32 v51, $0x1  }
0x9e: {  	v55 =	vadd.s32 v46, v11;
	[tilespmem:$0x250] =	vst v3;
	v3 =	vmul.u32 $0x2710, v47  }
0x9f: {  	[tilespmem:$0x190] =	vst v55;
	v2 =	vshll.u32 v2, $0x1  }
0xa0: {  	[tilespmem:$0x270] =	vst v2;
	v2 =	vadd.s32 v56, v3  }
0xa1: {  	v3 =	vshll.u32 v57, $0x1;
	[tilespmem:$0x1F0] =	vst v2  }
0xa2: {  	s22 =	sadd.s32 s21, s7;
	[tilespmem:$0x240] =	vst v3  }
0xa3: {  	[hbm4b:s22+s3] =	stream.linear.scatter [tilespmem:s17], [sflag:$0x1], $0x80, $0x38;
	[tilespmem:$0xA58] =	vst v63  }
0xa4: {  	_ =	swait.ge [sflag:s14], $0x80  }
0xa5: {  	[sflag:s14] =	ssyncset.done $0x0  }
0xa6: {  	s28 =	sadd.s32 s21, s6;
	[sflag:s14] =	ssyncadd.s32 $0xFFFFFF80  }
0xa7: {  	[hbm4b:s28+s3] =	stream.linear.scatter [tilespmem:s18], [sflag:$0x1], $0x80, $0x38;
	[tilespmem:$0xA58] =	vst v63  }
0xa8: {  	_ =	swait.ge [sflag:s14], $0x80  }
0xa9: {  	[sflag:s14] =	ssyncset.done $0x0  }
0xaa: {  	[sflag:s14] =	ssyncadd.s32 $0xFFFFFF80  }
0xab: {  	v2 =	vld [tilespmem:$0x200]  }
0xac: {  	v3 =	vld [tilespmem:$0x210]  }
0xad: {  	v59 =	vld [tilespmem:$0x230]  }
0xae: {  	v60 =	vld [tilespmem:$0x240]  }
0xaf: {  	v61 =	vld [tilespmem:$0x250]  }
0xb0: {  	v62 =	vld [tilespmem:$0x270];
	v2 =	vadd.s32 $0x1, v2  }
0xb1: {  	[tilespmem:$0x200] =	vst v2;
	v2 =	vadd.s32 $0x1, v3;
	v3 =	vld [tilespmem:$0x220]  }
0xb2: {  	v63 =	vld [tilespmem:$0x260];
	[tilespmem:$0x210] =	vst v2;
	v2 =	vadd.s32 $0x1, v59  }
0xb3: {  	[tilespmem:$0x230] =	vst v2;
	v2 =	vadd.s32 $0x1, v60  }
0xb4: {  	[tilespmem:$0x240] =	vst v2;
	v2 =	vadd.s32 $0x1, v61  }
0xb5: {  	[tilespmem:$0x250] =	vst v2;
	v2 =	vadd.s32 $0x1, v62  }
0xb6: {  	v3 =	vadd.s32 $0x1, v3;
	[tilespmem:$0x270] =	vst v2  }
0xb7: {  	v2 =	vadd.s32 $0x1, v63;
	[tilespmem:$0x220] =	vst v3  }
0xb8: {  	s29 =	sadd.s32 s21, s11;
	[tilespmem:$0x260] =	vst v2  }
0xb9: {  	[hbm4b:s29+s3] =	stream.linear.scatter [tilespmem:s18], [sflag:$0x1], $0x80, $0x38;
	[tilespmem:$0xA58] =	vst v63  }
0xba: {  	_ =	swait.ge [sflag:s14], $0x80  }
0xbb: {  	[sflag:s14] =	ssyncset.done $0x0  }
0xbc: {  	[sflag:s14] =	ssyncadd.s32 $0xFFFFFF80  }
0xbd: {  	[spmem:s2] =	stream.indirect.scatter.add.f32 [tilespmem:s13], [sflag:$0x1], $0x1, s17, s15, $0xb8;
	[tilespmem:$0xA58] =	vst v63  }
0xbe: {  	_ =	swait.ge [sflag:s14], $0x80  }
0xbf: {  	[sflag:s14] =	ssyncset.done $0x0  }
0xc0: {  	[sflag:s14] =	ssyncadd.s32 $0xFFFFFF80  }
0xc1: {  	s30 =	sadd.s32 $0x0, s12;
	s31 =	sshrl.u32 s4, $0x3;
	[bflag:$0x0] =	sbarrier.arrive $0xFFFF  }
0xc2: {  	[hbm:s30], [sflag:s19] =	dma.local [spmem:s31], $0x5  }
0xc3: {  	_ =	swait.ge [sflag:s14], $0x5  }
0xc4: {  	s21 =	simm.s32 $0x5;
	s22 =	sadd.s32 $0x28, s4;
	[sflag:s14] =	ssyncset.done $0x0  }
.LBB2_6:
0xc5: {  	s23 =	sadd.s32 s21, s12  }
0xc6: {  	s24 =	sshrl.u32 s22, $0x3;
	[sflag:s14] =	ssyncadd.s32 $0xFFFFFFFB;
	p0 =	sne.s32 s21, $0xE6  }
0xc7: {  	[hbm:s23], [sflag:s19] =	dma.local [spmem:s24], $0x5  }
.Ltmp2:
0xc8: {  	_ = 	snop;
	(pc) =	sbr.rel @p0 .LBB2_6-.Ltmp2, $4  }
0xc9: {  	_ = 	snop  }
0xca: {  	s21 =	sadd.s32 $0x5, s21  }
0xcb: {  	_ =	swait.ge [sflag:s14], $0x5  }
0xcc: {  	s22 =	sadd.s32 $0x28, s22;
	[sflag:s14] =	ssyncset.done $0x0  }
0xcd: {  	s20 =	sadd.s32 $0x1, s20  }
0xce: {  	p0 =	sne.s32 s20, s5  }
.Ltmp3:
0xcf: {  	_ = 	snop;
	(pc) =	sbr.rel @p0 .LBB2_1-.Ltmp3, $2  }
0xd0: {  	_ =	sdelay $0x2  }
0xd1: {  	[sflag:s14] =	ssyncadd.s32 $0xFFFFFFFB  }
0xd2: {  	_ =	sfence.sel $0x180000  }
0xd3: {  	[bflag:$0x0] =	sbarrier.arrive $0xFFFF  }
0xd4: {  	p0 =	sne.s32 s0, $0x0;
	_ =	strace $0x90000047  }
0xd5: {  	s0 =	sadd.s32 @!p0 $0x100000, s1;
	[bflag:$0x2] =	sbarrier.arrive $0xFFFF  }
0xd6: {  	[sflag:s0] =	ssyncadd.tile.s32 @!p0 $0x1;
	_ =	shalt  }
.Lfunc_end2:
_tile_overlayer_lowered:
.L_overlay_start_2:
0xd7: {  	(tag) =	ssettag $0x2  }
0xd8: {  	s0 =	rddreg [dreg:$0x0];
	s2 =	stileid.u32  }
0xd9: {  	s1 =	rddreg [dreg:$0x1];
	p0 =	sne.s32 s2, $0x0  }
0xda: {  	s3 =	rddreg [dreg:$0x2];
	[bflag:$0x3] =	sbarrier.arrive $0xFFFF;
	s2 =	simm.s32 @!p0 $0x1C01  }
0xdb: {  	[timem:s3], [sflag:s2] =	dma.local @!p0 [hbm:s0], s1  }
0xdc: {  	s0 =	simm.s32 @!p0 $0x1  }
0xdd: {  	_ =	swait.ge @!p0 [sflag:s0], s1  }
0xde: {  	s1 =	ssub.s32 @!p0 $0x0, s1;
	[sflag:s0] =	ssyncset.done @!p0 $0x0  }
0xdf: {  	[sflag:s0] =	ssyncadd.s32 @!p0 s1  }
0xe0: {  	[bflag:$0x3] =	sbarrier.arrive $0xFFFF  }
0xe1: {  	_ =	shalt  }

// kernel: kernel.13.cloned.1.call-start
scs
__scs_entry_jumppad:
0x0: {  	(pc) =	sbr.rel $0x88, $3  }
0x1: {  	(tag) =	ssettag $0x0;
	lr =	simm.s32 $0x1  }
0x2: {  	[smem:$0x3F99] =	sst lr;
	_ =	strace $0xD0000000  }
0x3: {  	_ = 	snop  }
0x4: {  	_ = 	snop  }
0x5: {  	_ = 	snop  }
0x6: {  	_ = 	snop  }
0x7: {  	_ = 	snop  }
__scs_overlays_trampoline_lowered:
0x8: {  	[smem:$0x3FA8] =	sst s0  }
0x9: {  	[smem:$0x3FA9] =	sst s1  }
0xa: {  	[smem:$0x3FAA] =	sst s2  }
0xb: {  	[smem:$0x3FAB] =	sst s3  }
0xc: {  	[smem:$0x3FAC] =	sst s4  }
0xd: {  	[smem:$0x3FAD] =	sst s5  }
0xe: {  	[smem:$0x3FAE] =	sst s6  }
0xf: {  	[smem:$0x3FAF] =	sst s7  }
0x10: {  	[smem:$0x3FB0] =	sst s8  }
0x11: {  	[smem:$0x3FB1] =	sst s9;
	s0 =	simm.s32 @!p0 $0x0  }
0x12: {  	s1 =	sld [smem:$0x3F97];
	s0 =	simm.s32 @p0 $0x1  }
0x13: {  	[smem:$0x3FB2] =	sst s0;
	s0 =	simm.s32 @!p1 $0x0  }
0x14: {  	s2 =	sld [smem:$0x3F96];
	s0 =	simm.s32 @p1 $0x1  }
0x15: {  	[smem:$0x3FB3] =	sst s0;
	s0 =	simm.s32 @!p2 $0x0  }
0x16: {  	s3 =	sld [smem:$0x3FDB];
	s0 =	simm.s32 @p2 $0x1  }
0x17: {  	s4 =	simm.s32 $0x1BF5;
	[smem:$0x3FB5] =	sst s0  }
0x18: {  	s0 =	sld [smem:$0x3F98];
	_ =	swait.ge [sflag:s4], $0x0  }
0x19: {  	s7 =	sld [smem:$0x3F99]  }
0x1a: {  	s8 =	sadd.s32 $0xFFFFE003, lr  }
0x1b: {  	s9 =	sadd.s32 $0xFFFFFEF7, lr;
	s5 =	simm.s32 $0xFFFFFFFF;
	p2 =	slt.u32 s8, $0xFFFFF086  }
0x1c: {  	p1 =	slt.u32 s9, $0xF7A;
	s5 =	simm.s32 @!p2 $0x0  }
0x1d: {  	s5 =	simm.s32 @p1 $0x1;
	p0 =	seq.s32 s7, s2  }
0x1e: {  	s7 =	smul.u32 @!p0 $0xF7A, s2;
	p2 =	seq.s32 @!p0 s5, $0x0  }
0x1f: {  	s9 =	smul.u32 $0xF7A, s1;
	s8 =	simm.s32 @!p0 $0x1BF5;
	p2 =	por !p2, p0  }
0x20: {  	[sflag:s8] =	ssyncset.s32 @!p0 $0xFFFFF086;
	s6 =	sadd.s32 @!p0 s3, s7;
	s7 =	simm.s32 @!p0 $0x108  }
0x21: {  	s3 =	sadd.s32 s3, s9;
	s6 =	sadd.s32 @!p0 $0x88, s6;
	s7 =	simm.s32 @p2 $0x1082  }
0x22: {  	[simem:s7], [sflag:s8] =	dma.local @!p0 [hbm:s6], $0xF7A  }
0x23: {  	s9 =	sor.u32 $0xD0000000, s2;
	s6 =	simm.s32 $0x108;
	_ =	swait.ge @!p0 [sflag:s8], $0x0  }
0x24: {  	s3 =	sadd.s32 $0x88, s3;
	s6 =	simm.s32 @!p1 $0x1082;
	[sflag:s4] =	ssyncset.s32 $0xFFFFF086  }
0x25: {  	[simem:s6], [sflag:s4] =	dma.local [hbm:s3], $0xF7A  }
0x26: {  	[smem:$0x3F99] =	sst s1;
	(tag) =	ssettag s2;
	_ =	strace s9  }
0x27: {  	s1 =	sld [smem:$0x3FA9]  }
0x28: {  	s2 =	sld [smem:$0x3FAA]  }
0x29: {  	s4 =	sld [smem:$0x3FAC]  }
0x2a: {  	p0 =	seq.s32 s5, $0x0;
	s5 =	sld [smem:$0x3FAD]  }
0x2b: {  	s6 =	sld [smem:$0x3FAE]  }
0x2c: {  	s7 =	sld [smem:$0x3FAF]  }
0x2d: {  	s3 =	simm.s32 $0x108;
	s8 =	sld [smem:$0x3FB0]  }
0x2e: {  	s3 =	simm.s32 @!p0 $0x1082;
	s9 =	sld [smem:$0x3FB1]  }
0x2f: {  	lr =	sadd.s32 s0, s3;
	s0 =	sld [smem:$0x3FA8]  }
0x30: {  	s3 =	sld [smem:$0x3FAB]  }
0x31: {  	[smem:$0x3FB4] =	sst s10  }
0x32: {  	s10 =	sld [smem:$0x3FB2];
	_ =	sdelay $0x3  }
0x33: {  	p0 =	seq.s32 s10, $0x1;
	s10 =	sld [smem:$0x3FB4];
	_ =	sdelay $0x3  }
0x34: {  	[smem:$0x3FB4] =	sst s10  }
0x35: {  	s10 =	sld [smem:$0x3FB3];
	_ =	sdelay $0x3  }
0x36: {  	p1 =	seq.s32 s10, $0x1;
	s10 =	sld [smem:$0x3FB4];
	_ =	sdelay $0x3  }
0x37: {  	[smem:$0x3FB4] =	sst s10  }
0x38: {  	s10 =	sld [smem:$0x3FB5]  }
0x39: {  	_ = 	snop;
	(pc) =	sbr.ind lr, $3  }
0x3a: {  	_ = 	snop  }
0x3b: {  	_ = 	snop  }
0x3c: {  	p2 =	seq.s32 s10, $0x1;
	s10 =	sld [smem:$0x3FB4]  }
0x3d: {  	_ =	shalt  }
0x3e: {  	_ =	shalt  }
0x3f: {  	_ =	shalt  }
0x40: {  	_ =	shalt  }
0x41: {  	_ =	shalt  }
0x42: {  	_ =	shalt  }
0x43: {  	_ =	shalt  }
0x44: {  	_ =	shalt  }
0x45: {  	_ =	shalt  }
0x46: {  	_ =	shalt  }
0x47: {  	_ =	shalt  }
0x48: {  	_ =	shalt  }
0x49: {  	_ =	shalt  }
0x4a: {  	_ =	shalt  }
0x4b: {  	_ =	shalt  }
0x4c: {  	_ =	shalt  }
0x4d: {  	_ =	shalt  }
0x4e: {  	_ =	shalt  }
0x4f: {  	_ =	shalt  }
0x50: {  	_ =	shalt  }
0x51: {  	_ =	shalt  }
0x52: {  	_ =	shalt  }
0x53: {  	_ =	shalt  }
0x54: {  	_ =	shalt  }
0x55: {  	_ =	shalt  }
0x56: {  	_ =	shalt  }
0x57: {  	_ =	shalt  }
0x58: {  	_ =	shalt  }
0x59: {  	_ =	shalt  }
0x5a: {  	_ =	shalt  }
0x5b: {  	_ =	shalt  }
0x5c: {  	_ =	shalt  }
0x5d: {  	_ =	shalt  }
0x5e: {  	_ =	shalt  }
0x5f: {  	_ =	shalt  }
0x60: {  	_ =	shalt  }
0x61: {  	_ =	shalt  }
0x62: {  	_ =	shalt  }
0x63: {  	_ =	shalt  }
0x64: {  	_ =	shalt  }
0x65: {  	_ =	shalt  }
0x66: {  	_ =	shalt  }
0x67: {  	_ =	shalt  }
0x68: {  	_ =	shalt  }
0x69: {  	_ =	shalt  }
0x6a: {  	_ =	shalt  }
0x6b: {  	_ =	shalt  }
0x6c: {  	_ =	shalt  }
0x6d: {  	_ =	shalt  }
0x6e: {  	_ =	shalt  }
0x6f: {  	_ =	shalt  }
0x70: {  	_ =	shalt  }
0x71: {  	_ =	shalt  }
0x72: {  	_ =	shalt  }
0x73: {  	_ =	shalt  }
0x74: {  	_ =	shalt  }
0x75: {  	_ =	shalt  }
0x76: {  	_ =	shalt  }
0x77: {  	_ =	shalt  }
0x78: {  	_ =	shalt  }
0x79: {  	_ =	shalt  }
0x7a: {  	_ =	shalt  }
0x7b: {  	_ =	shalt  }
0x7c: {  	_ =	shalt  }
0x7d: {  	_ =	shalt  }
0x7e: {  	_ =	shalt  }
0x7f: {  	_ =	shalt  }
0x80: {  	_ =	shalt  }
0x81: {  	_ =	shalt  }
0x82: {  	_ =	shalt  }
0x83: {  	_ =	shalt  }
0x84: {  	_ =	shalt  }
0x85: {  	_ =	shalt  }
0x86: {  	_ =	shalt  }
0x87: {  	_ =	shalt  }
.Lfunc_end0:
.L_simem_size_0:
called_computation.1_lowered:
.L_overlay_start_0:
0x88: {  	s2 =	sld [smem:$0x3FD9]  }
0x89: {  	s3 =	sld [smem:$0x3FFE];
	_ =	sdelay $0x1  }
0x8a: {  	s1 =	srdreg.scid  }
0x8b: {  	s0 =	sand.u32 $0x1, s1  }
0x8c: {  	s17 =	sshll.u32 s0, $0xA;
	s2 =	sadd.s32 s3, s2  }
0x8d: {  	s2 =	sadd.s32 s2, s17  }
0x8e: {  	[smem:$0x3FC0] =	sst s2  }
0x8f: {  	_ = 	snop  }
0x90: {  	s2 =	sld [smem:$0x3FC9];
	(tm) =	ssettm $0x1  }
0x91: {  	s18 =	sld [smem:$0x3FFB];
	_ =	sdelay $0x3  }
0x92: {  	_ =	strace s18  }
0x93: {  	s3 =	sld [smem:$0x3FFC];
	_ =	sdelay $0x3  }
0x94: {  	_ =	strace s3  }
0x95: {  	s3 =	sld [smem:$0x3FFD];
	_ =	sdelay $0x3  }
0x96: {  	_ =	strace s3  }
0x97: {  	_ =	strace $0x8FFFFFFF  }
0x98: {  	s19 =	sld [smem:$0x3FDB];
	_ =	sdelay $0x1  }
0x99: {  	s4 =	simm.s32 $_scs_section_size  }
0x9a: {  	s5 =	simm.s32 $_size__tile_overlayer_lowered;
	s6 =	simm.s32 $_tile_overlayer_lowered  }
0x9b: {  	s22 =	simm.s32 $0x1BFF;
	s21 =	sshll.u32 s6, $0x1;
	s3 =	sadd.s32 s4, s19  }
0x9c: {  	s7 =	simm.s32 $0x0;
	s20 =	sshll.u32 s5, $0x1;
	s5 =	sadd.s32 s21, s3  }
0x9d: {  	[timem:s7], [sflag:s22] =	dma.local [hbm:s5], s20  }
0x9e: {  	_ =	swait.ge [sflag:s22], s20  }
0x9f: {  	s4 =	ssub.s32 $0x0, s20;
	[sflag:s22] =	ssyncset.done $0x0  }
0xa0: {  	[sflag:s22] =	ssyncadd.s32 s4;
	_ =	sdelay $0x1  }
0xa1: {  	s23 =	simm.s32 $0x1B8B  }
0xa2: {  	_ =	swait.ge [sflag:s23], $0x1  }
0xa3: {  	[sflag:s23] =	ssyncset.done $0x0  }
0xa4: {  	s25 =	simm.s32 $0x1B8E;
	s24 =	sld [smem:$0x3FFE];
	[sflag:s23] =	ssyncadd.s32 $0xFFFFFFFF  }
0xa5: {  	s26 =	simm.s32 $execute0_lowered;
	[smem:$0x3FD2] =	sst s25  }
0xa6: {  	s5 =	sshll.u32 s26, $0x1;
	_ =	strace $0x80000049;
	[dreg:$0x1] =	wrdreg $0xFFFFFFFF  }
0xa7: {  	s28 =	simm.s32 $_size_execute0_lowered;
	s3 =	sadd.s32 s3, s5;
	[dreg:$0x0] =	wrdreg $0x0  }
0xa8: {  	s5 =	sshll.u32 s28, $0x1;
	[dreg:$0x2] =	wrdreg s3  }
0xa9: {  	[dreg:$0x3] =	wrdreg s5  }
0xaa: {  	[dreg:$0x4] =	wrdreg $0xC0  }
0xab: {  	_ =	task [dreg:s7], $0x5FFFF  }
0xac: {  	[dreg:$0x1] =	wrdreg $0xFFFFFFFF  }
0xad: {  	[dreg:$0x0] =	wrdreg $0x60  }
0xae: {  	[dreg:$0x2] =	wrdreg s2  }
0xaf: {  	[dreg:$0x3] =	wrdreg s24  }
0xb0: {  	[dreg:$0x4] =	wrdreg $0x20800  }
0xb1: {  	[dreg:$0x5] =	wrdreg $0x9  }
0xb2: {  	_ =	task.clear_ibuf [dreg:s7], $0x6FFFF;
	_ =	strace $0x90000049  }
0xb3: {  	s29 =	simm.s32 $0x9;
	_ =	strace $0x8000004B  }
0xb4: {  	_ =	swait.ge [sflag:s29], $0x1  }
0xb5: {  	[sflag:s29] =	ssyncadd.s32 $0xFFFFFFFF  }
0xb6: {  	_ =	strace $0x9000004B  }
0xb7: {  	_ =	sfence  }
0xb8: {  	s30 =	sld [smem:$0x0];
	_ =	sdelay $0x2  }
0xb9: {  	s31 =	sshll.u32 s1, $0xD;
	s1 =	sshrl.u32 s1, $0x2  }
0xba: {  	s3 =	sand.u32 $0x4000, s31;
	s1 =	sadd.s32 s1, s30  }
0xbb: {  	s0 =	sor.u32 s3, s0;
	s1 =	sshll.u32 s1, $0x11  }
0xbc: {  	s0 =	sor.u32 s1, s0  }
0xbd: {  	s0 =	sadd.s32 $0x8F2B, s0  }
0xbe: {  	[sflag:s0] =	ssyncadd.remote.s32 $0x1  }
0xbf: {  	_ =	sfence.sel $0xFFFF  }
0xc0: {  	[dreg:$0x0] =	wrdreg $0xFFFFFFFF;
	(pc) =	sbr.abs _section_cstart, $3  }
0xc1: {  	[dreg:$0x1] =	wrdreg $0xFFFFFFFF  }
0xc2: {  	_ =	task.clear_ibuf [dreg:s7], $0x2FFFF;
	_ =	strace $0x9FFFFFFF  }
0xc3: {  	(tm) =	ssettm $0x7FFFFFFF  }
tec
execute0_lowered:
.L_overlay_start_1:
0x0: {  	(tag) =	ssettag $0x1  }
0x1: {  	s1 =	rddreg [dreg:$0x0]  }
0x2: {  	s9 =	rddreg [dreg:$0x1]  }
0x3: {  	s2 =	rddreg [dreg:$0x2]  }
0x4: {  	s3 =	srdreg.scid;
	s0 =	rddreg [dreg:$0x3]  }
0x5: {  	s4 =	simm.s32 $0x0;
	s15 =	simm.s32 $0x1;
	s16 =	simm.s32 $0x40  }
0x6: {  	s17 =	simm.s32 $0x80;
	s10 =	sand.u32 $0x1, s3;
	s3 =	stileid.u32  }
0x7: {  	[smem:$0x7FF] =	sst s4;
	s5 =	sadd.s32 $0x1E200, s9;
	s8 =	smul.u32 $0x1D6000, s10  }
0x8: {  	s6 =	sadd.s32 $0x14200, s9;
	s7 =	sadd.s32 $0xF200, s9;
	s11 =	smul.u32 $0x1D600, s3  }
0x9: {  	_ =	strace $0x8000004A;
	s12 =	ssub.s32 $0x2, s10;
	s13 =	smul.u32 $0x75800, s3  }
0xa: {  	s18 =	sshll.u32 s3, $0x6;
	s30 =	sshrl.u32 s12, $0x1;
	s11 =	sadd.s32 s11, s8  }
0xb: {  	s18 =	sor.u32 $0x1C01, s18;
	s8 =	smul.u32 $0x2800, s3;
	s11 =	sshrl.u32 s11, $0x3  }
0xc: {  	s31 =	sshrl.u32 s13, $0x2;
	s14 =	sadd.s32 s11, s9;
	s9 =	smul.u32 $0x28000, s10  }
0xd: {  	s11 =	ssub.s32 s12, s30;
	s10 =	smul.u32 $0xA00000, s10;
	s12 =	sadd.s32 s31, s2  }
0xe: {  	v0 =	vimm.f32 $0.0e+00;
	s11 =	smax.u32 s11, $0x1;
	s13 =	sadd.s32 $0x29E200, s14;
	s14 =	simm.s32 $0x1080  }
.LBB2_1:
0xf: {  	s19 =	simm.s32 $0x0  }
.LBB2_2:
0x10: {  	p0 =	sne.s32 s19, $0x3F00  }
.Ltmp0:
0x11: {  	s20 =	sshra.s32 s19, $0x2;
	(pc) =	sbr.rel @p0 .LBB2_2-.Ltmp0, $4  }
0x12: {  	[tilespmem:s20+$0x1080] =	vst v0  }
0x13: {  	[tilespmem:s20+$0x1090] =	vst v0  }
0x14: {  	[tilespmem:s20+$0x10A0] =	vst v0  }
0x15: {  	s19 =	sadd.s32 $0x100, s19;
	[tilespmem:s20+$0x10B0] =	vst v0  }
0x16: {  	s19 =	sadd.s32 $0x0, s12  }
0x17: {  	[spmem:s19] =	stream.linear.scatter [tilespmem:s14], [sflag:$0x1], $0xA00, $0x38;
	[tilespmem:$0x1F680] =	vst v63  }
0x18: {  	s19 =	simm.s32 $0x2800;
	_ =	swait.ge [sflag:s15], $0xA00  }
.LBB2_4:
0x19: {  	s20 =	sshra.s32 s19, $0x2;
	[sflag:s15] =	ssyncset.done $0x0;
	p0 =	sne.s32 s19, $0x73000  }
.Ltmp1:
0x1a: {  	s20 =	sadd.s32 s20, s12;
	[sflag:s15] =	ssyncadd.s32 $0xFFFFF600;
	(pc) =	sbr.rel @p0 .LBB2_4-.Ltmp1, $3  }
0x1b: {  	[spmem:s20] =	stream.linear.scatter [tilespmem:s14], [sflag:$0x1], $0xA00, $0x38;
	[tilespmem:$0x1F680] =	vst v63  }
0x1c: {  	s19 =	sadd.s32 $0x2800, s19;
	_ =	sdelay $0x1  }
0x1d: {  	_ =	swait.ge [sflag:s15], $0xA00  }
0x1e: {  	[sflag:s15] =	ssyncset.done $0x0  }
0x1f: {  	[sflag:s15] =	ssyncadd.s32 $0xFFFFF600  }
0x20: {  	s19 =	simm.s32 $0x0;
	s20 =	simm.s32 $0x0;
	[bflag:$0x0] =	sbarrier.arrive $0xFFFF  }
.LBB2_6:
0x21: {  	s21 =	sshll.u32 s20, $0x6  }
0x22: {  	s21 =	sadd.s32 s8, s21  }
0x23: {  	s22 =	sadd.s32 s9, s21  }
0x24: {  	s22 =	sshrl.u32 s22, $0x3  }
0x25: {  	s22 =	sadd.s32 s6, s22  }
0x26: {  	[tilespmem:s19], [sflag:$0x1] =	stream.linear.gather [hbm4b:s22+s19], $0x40, $0x38;
	[tilespmem:$0x1F680] =	vst v63  }
0x27: {  	_ =	swait.ge [sflag:s15], $0x40  }
0x28: {  	s31 =	sshrl.u32 s21, $0x3;
	[sflag:s15] =	ssyncset.done $0x0  }
0x29: {  	s21 =	sshll.u32 s21, $0x6;
	s22 =	sadd.s32 s7, s31;
	[sflag:s15] =	ssyncadd.s32 $0xFFFFFFC0  }
0x2a: {  	[tilespmem:s16], [sflag:$0x1] =	stream.linear.gather [hbm4b:s22+s19], $0x40, $0x38;
	[tilespmem:$0x1F680] =	vst v63  }
0x2b: {  	s21 =	sadd.s32 s10, s21;
	_ =	swait.ge [sflag:s15], $0x40  }
0x2c: {  	s21 =	sshrl.u32 s21, $0x3;
	[sflag:s15] =	ssyncset.done $0x0  }
0x2d: {  	s21 =	sadd.s32 s5, s21;
	[sflag:s15] =	ssyncadd.s32 $0xFFFFFFC0  }
0x2e: {  	[tilespmem:s14], [sflag:$0x1] =	stream.linear.gather [hbm4b:s21+s19], $0x1000, $0x38;
	[tilespmem:$0x1F680] =	vst v63  }
0x2f: {  	_ =	swait.ge [sflag:s15], $0x1000  }
0x30: {  	[sflag:s15] =	ssyncset.done $0x0  }
0x31: {  	[sflag:s15] =	ssyncadd.s32 $0xFFFFF000  }
0x32: {  	[tilespmem:s17], [sflag:$0x1] =	stream.indirect.gather [hbm4b:s1+s16], $0x40, s19, s16, $0xb8;
	[tilespmem:$0x1F680] =	vst v63  }
0x33: {  	_ =	swait.ge [sflag:s15], $0x1000  }
0x34: {  	[sflag:s15] =	ssyncset.done $0x0  }
0x35: {  	s21 =	simm.s32 $0x0;
	[sflag:s15] =	ssyncadd.s32 $0xFFFFF000  }
0x36: {  	v3 =	vld [tilespmem:s21+$0x1080]  }
0x37: {  	v4 =	vld [tilespmem:s21+$0x1090]  }
0x38: {  	v2 =	vld [tilespmem:s21+$0x10A0]  }
0x39: {  	v1 =	vld [tilespmem:s21+$0x10B0]  }
0x3a: {  	v5 =	vld [tilespmem:s21+$0x80]  }
0x3b: {  	v7 =	vld [tilespmem:s21+$0x90]  }
0x3c: {  	s22 =	simm.s32 $0x100;
	v6 =	vld [tilespmem:s21+$0xA0]  }
.LBB2_7:
0x3d: {  	p0 =	sne.s32 s22, $0x3F00;
	v8 =	vld [tilespmem:s21+$0xB0]  }
0x3e: {  	s23 =	sshra.s32 s22, $0x2  }
0x3f: {  	v5 =	vmul.f32 v3, v5;
	v3 =	vld [tilespmem:s23+$0x1080]  }
0x40: {  	v7 =	vmul.f32 v4, v7;
	v4 =	vld [tilespmem:s23+$0x1090]  }
.Ltmp2:
0x41: {  	v5 =	vmax.f32 v5, $0.0e+00;
	v6 =	vmul.f32 v2, v6;
	v2 =	vld [tilespmem:s23+$0x10A0];
	(pc) =	sbr.rel @p0 .LBB2_7-.Ltmp2, $4  }
0x42: {  	[tilespmem:s21+$0x80] =	vst v5;
	v7 =	vmax.f32 v7, $0.0e+00;
	v8 =	vmul.f32 v1, v8;
	v1 =	vld [tilespmem:s23+$0x10B0]  }
0x43: {  	v5 =	vld [tilespmem:s23+$0x80];
	[tilespmem:s21+$0x90] =	vst v7;
	v6 =	vmax.f32 v6, $0.0e+00  }
0x44: {  	v7 =	vld [tilespmem:s23+$0x90];
	[tilespmem:s21+$0xA0] =	vst v6;
	v8 =	vmax.f32 v8, $0.0e+00  }
0x45: {  	s22 =	sadd.s32 $0x100, s22;
	v6 =	vld [tilespmem:s23+$0xA0];
	[tilespmem:s21+$0xB0] =	vst v8;
	s21 =	smov.u32 s23  }
0x46: {  	v8 =	vld [tilespmem:s21+$0xB0];
	_ =	sdelay $0x1  }
0x47: {  	v3 =	vmul.f32 v3, v5  }
0x48: {  	v4 =	vmul.f32 v4, v7  }
0x49: {  	v3 =	vmax.f32 v3, $0.0e+00;
	v2 =	vmul.f32 v2, v6  }
0x4a: {  	[tilespmem:s21+$0x80] =	vst v3;
	v3 =	vmax.f32 v4, $0.0e+00;
	v1 =	vmul.f32 v1, v8  }
0x4b: {  	s20 =	sadd.s32 $0x1, s20;
	[tilespmem:s21+$0x90] =	vst v3;
	v2 =	vmax.f32 v2, $0.0e+00  }
0x4c: {  	p0 =	sne.s32 s20, $0xA0;
	[tilespmem:s21+$0xA0] =	vst v2;
	v1 =	vmax.f32 v1, $0.0e+00  }
.Ltmp3:
0x4d: {  	[tilespmem:s21+$0xB0] =	vst v1;
	(pc) =	sbr.rel @p0 .LBB2_6-.Ltmp3, $4  }
0x4e: {  	[spmem:s2] =	stream.indirect.scatter.add.f32 [tilespmem:s17], [sflag:$0x1], $0x40, s16, s16, $0xb8;
	[tilespmem:$0x1F680] =	vst v63  }
0x4f: {  	_ =	swait.ge [sflag:s15], $0x1000  }
0x50: {  	[sflag:s15] =	ssyncset.done $0x0  }
0x51: {  	[sflag:s15] =	ssyncadd.s32 $0xFFFFF000  }
0x52: {  	[bflag:$0x0] =	sbarrier.arrive $0xFFFF;
	s19 =	sadd.s32 $0x0, s13;
	s20 =	sshrl.u32 s12, $0x3  }
0x53: {  	[hbm:s19], [sflag:s18] =	dma.local [spmem:s20], $0x140  }
0x54: {  	_ =	swait.ge [sflag:s15], $0x140  }
0x55: {  	s19 =	simm.s32 $0x140;
	s20 =	sadd.s32 $0xA00, s12;
	[sflag:s15] =	ssyncset.done $0x0  }
.LBB2_10:
0x56: {  	s21 =	sadd.s32 s19, s13  }
0x57: {  	s22 =	sshrl.u32 s20, $0x3;
	[sflag:s15] =	ssyncadd.s32 $0xFFFFFEC0;
	p0 =	sne.s32 s19, $0x3980  }
0x58: {  	[hbm:s21], [sflag:s18] =	dma.local [spmem:s22], $0x140  }
.Ltmp4:
0x59: {  	_ = 	snop;
	(pc) =	sbr.rel @p0 .LBB2_10-.Ltmp4, $4  }
0x5a: {  	_ = 	snop  }
0x5b: {  	s19 =	sadd.s32 $0x140, s19  }
0x5c: {  	_ =	swait.ge [sflag:s15], $0x140  }
0x5d: {  	s20 =	sadd.s32 $0xA00, s20;
	[sflag:s15] =	ssyncset.done $0x0  }
0x5e: {  	s4 =	sadd.s32 $0x1, s4  }
0x5f: {  	p0 =	sne.s32 s4, s11  }
.Ltmp5:
0x60: {  	_ = 	snop;
	(pc) =	sbr.rel @p0 .LBB2_1-.Ltmp5, $2  }
0x61: {  	_ =	sdelay $0x2  }
0x62: {  	[sflag:s15] =	ssyncadd.s32 $0xFFFFFEC0  }
0x63: {  	_ =	sfence.sel $0x180000  }
0x64: {  	[bflag:$0x0] =	sbarrier.arrive $0xFFFF  }
0x65: {  	p0 =	sne.s32 s3, $0x0;
	_ =	strace $0x9000004A  }
0x66: {  	s0 =	sadd.s32 @!p0 $0x100000, s0;
	[bflag:$0x2] =	sbarrier.arrive $0xFFFF  }
0x67: {  	[sflag:s0] =	ssyncadd.tile.s32 @!p0 $0x1;
	_ =	shalt  }
.Lfunc_end2:
_tile_overlayer_lowered:
.L_overlay_start_2:
0x68: {  	(tag) =	ssettag $0x2  }
0x69: {  	s0 =	rddreg [dreg:$0x0];
	s2 =	stileid.u32  }
0x6a: {  	s1 =	rddreg [dreg:$0x1];
	p0 =	sne.s32 s2, $0x0  }
0x6b: {  	s3 =	rddreg [dreg:$0x2];
	[bflag:$0x3] =	sbarrier.arrive $0xFFFF;
	s2 =	simm.s32 @!p0 $0x1C01  }
0x6c: {  	[timem:s3], [sflag:s2] =	dma.local @!p0 [hbm:s0], s1  }
0x6d: {  	s0 =	simm.s32 @!p0 $0x1  }
0x6e: {  	_ =	swait.ge @!p0 [sflag:s0], s1  }
0x6f: {  	s1 =	ssub.s32 @!p0 $0x0, s1;
	[sflag:s0] =	ssyncset.done @!p0 $0x0  }
0x70: {  	[sflag:s0] =	ssyncadd.s32 @!p0 s1  }
0x71: {  	[bflag:$0x3] =	sbarrier.arrive $0xFFFF  }
0x72: {  	_ =	shalt  }

// kernel: kernel.16.cloned.1.call-start
scs
__scs_entry_jumppad:
0x0: {  	(pc) =	sbr.rel $0x88, $3  }
0x1: {  	(tag) =	ssettag $0x0;
	lr =	simm.s32 $0x1  }
0x2: {  	[smem:$0x3F99] =	sst lr;
	_ =	strace $0xD0000000  }
0x3: {  	_ = 	snop  }
0x4: {  	_ = 	snop  }
0x5: {  	_ = 	snop  }
0x6: {  	_ = 	snop  }
0x7: {  	_ = 	snop  }
__scs_overlays_trampoline_lowered:
0x8: {  	[smem:$0x3FA8] =	sst s0  }
0x9: {  	[smem:$0x3FA9] =	sst s1  }
0xa: {  	[smem:$0x3FAA] =	sst s2  }
0xb: {  	[smem:$0x3FAB] =	sst s3  }
0xc: {  	[smem:$0x3FAC] =	sst s4  }
0xd: {  	[smem:$0x3FAD] =	sst s5  }
0xe: {  	[smem:$0x3FAE] =	sst s6  }
0xf: {  	[smem:$0x3FAF] =	sst s7  }
0x10: {  	[smem:$0x3FB0] =	sst s8  }
0x11: {  	[smem:$0x3FB1] =	sst s9;
	s0 =	simm.s32 @!p0 $0x0  }
0x12: {  	s1 =	sld [smem:$0x3F97];
	s0 =	simm.s32 @p0 $0x1  }
0x13: {  	[smem:$0x3FB2] =	sst s0;
	s0 =	simm.s32 @!p1 $0x0  }
0x14: {  	s2 =	sld [smem:$0x3F96];
	s0 =	simm.s32 @p1 $0x1  }
0x15: {  	[smem:$0x3FB3] =	sst s0;
	s0 =	simm.s32 @!p2 $0x0  }
0x16: {  	s3 =	sld [smem:$0x3FDB];
	s0 =	simm.s32 @p2 $0x1  }
0x17: {  	s4 =	simm.s32 $0x1BF5;
	[smem:$0x3FB5] =	sst s0  }
0x18: {  	s0 =	sld [smem:$0x3F98];
	_ =	swait.ge [sflag:s4], $0x0  }
0x19: {  	s7 =	sld [smem:$0x3F99]  }
0x1a: {  	s8 =	sadd.s32 $0xFFFFE003, lr  }
0x1b: {  	s9 =	sadd.s32 $0xFFFFFEF7, lr;
	s5 =	simm.s32 $0xFFFFFFFF;
	p2 =	slt.u32 s8, $0xFFFFF086  }
0x1c: {  	p1 =	slt.u32 s9, $0xF7A;
	s5 =	simm.s32 @!p2 $0x0  }
0x1d: {  	s5 =	simm.s32 @p1 $0x1;
	p0 =	seq.s32 s7, s2  }
0x1e: {  	s7 =	smul.u32 @!p0 $0xF7A, s2;
	p2 =	seq.s32 @!p0 s5, $0x0  }
0x1f: {  	s9 =	smul.u32 $0xF7A, s1;
	s8 =	simm.s32 @!p0 $0x1BF5;
	p2 =	por !p2, p0  }
0x20: {  	[sflag:s8] =	ssyncset.s32 @!p0 $0xFFFFF086;
	s6 =	sadd.s32 @!p0 s3, s7;
	s7 =	simm.s32 @!p0 $0x108  }
0x21: {  	s3 =	sadd.s32 s3, s9;
	s6 =	sadd.s32 @!p0 $0x88, s6;
	s7 =	simm.s32 @p2 $0x1082  }
0x22: {  	[simem:s7], [sflag:s8] =	dma.local @!p0 [hbm:s6], $0xF7A  }
0x23: {  	s9 =	sor.u32 $0xD0000000, s2;
	s6 =	simm.s32 $0x108;
	_ =	swait.ge @!p0 [sflag:s8], $0x0  }
0x24: {  	s3 =	sadd.s32 $0x88, s3;
	s6 =	simm.s32 @!p1 $0x1082;
	[sflag:s4] =	ssyncset.s32 $0xFFFFF086  }
0x25: {  	[simem:s6], [sflag:s4] =	dma.local [hbm:s3], $0xF7A  }
0x26: {  	[smem:$0x3F99] =	sst s1;
	(tag) =	ssettag s2;
	_ =	strace s9  }
0x27: {  	s1 =	sld [smem:$0x3FA9]  }
0x28: {  	s2 =	sld [smem:$0x3FAA]  }
0x29: {  	s4 =	sld [smem:$0x3FAC]  }
0x2a: {  	p0 =	seq.s32 s5, $0x0;
	s5 =	sld [smem:$0x3FAD]  }
0x2b: {  	s6 =	sld [smem:$0x3FAE]  }
0x2c: {  	s7 =	sld [smem:$0x3FAF]  }
0x2d: {  	s3 =	simm.s32 $0x108;
	s8 =	sld [smem:$0x3FB0]  }
0x2e: {  	s3 =	simm.s32 @!p0 $0x1082;
	s9 =	sld [smem:$0x3FB1]  }
0x2f: {  	lr =	sadd.s32 s0, s3;
	s0 =	sld [smem:$0x3FA8]  }
0x30: {  	s3 =	sld [smem:$0x3FAB]  }
0x31: {  	[smem:$0x3FB4] =	sst s10  }
0x32: {  	s10 =	sld [smem:$0x3FB2];
	_ =	sdelay $0x3  }
0x33: {  	p0 =	seq.s32 s10, $0x1;
	s10 =	sld [smem:$0x3FB4];
	_ =	sdelay $0x3  }
0x34: {  	[smem:$0x3FB4] =	sst s10  }
0x35: {  	s10 =	sld [smem:$0x3FB3];
	_ =	sdelay $0x3  }
0x36: {  	p1 =	seq.s32 s10, $0x1;
	s10 =	sld [smem:$0x3FB4];
	_ =	sdelay $0x3  }
0x37: {  	[smem:$0x3FB4] =	sst s10  }
0x38: {  	s10 =	sld [smem:$0x3FB5]  }
0x39: {  	_ = 	snop;
	(pc) =	sbr.ind lr, $3  }
0x3a: {  	_ = 	snop  }
0x3b: {  	_ = 	snop  }
0x3c: {  	p2 =	seq.s32 s10, $0x1;
	s10 =	sld [smem:$0x3FB4]  }
0x3d: {  	_ =	shalt  }
0x3e: {  	_ =	shalt  }
0x3f: {  	_ =	shalt  }
0x40: {  	_ =	shalt  }
0x41: {  	_ =	shalt  }
0x42: {  	_ =	shalt  }
0x43: {  	_ =	shalt  }
0x44: {  	_ =	shalt  }
0x45: {  	_ =	shalt  }
0x46: {  	_ =	shalt  }
0x47: {  	_ =	shalt  }
0x48: {  	_ =	shalt  }
0x49: {  	_ =	shalt  }
0x4a: {  	_ =	shalt  }
0x4b: {  	_ =	shalt  }
0x4c: {  	_ =	shalt  }
0x4d: {  	_ =	shalt  }
0x4e: {  	_ =	shalt  }
0x4f: {  	_ =	shalt  }
0x50: {  	_ =	shalt  }
0x51: {  	_ =	shalt  }
0x52: {  	_ =	shalt  }
0x53: {  	_ =	shalt  }
0x54: {  	_ =	shalt  }
0x55: {  	_ =	shalt  }
0x56: {  	_ =	shalt  }
0x57: {  	_ =	shalt  }
0x58: {  	_ =	shalt  }
0x59: {  	_ =	shalt  }
0x5a: {  	_ =	shalt  }
0x5b: {  	_ =	shalt  }
0x5c: {  	_ =	shalt  }
0x5d: {  	_ =	shalt  }
0x5e: {  	_ =	shalt  }
0x5f: {  	_ =	shalt  }
0x60: {  	_ =	shalt  }
0x61: {  	_ =	shalt  }
0x62: {  	_ =	shalt  }
0x63: {  	_ =	shalt  }
0x64: {  	_ =	shalt  }
0x65: {  	_ =	shalt  }
0x66: {  	_ =	shalt  }
0x67: {  	_ =	shalt  }
0x68: {  	_ =	shalt  }
0x69: {  	_ =	shalt  }
0x6a: {  	_ =	shalt  }
0x6b: {  	_ =	shalt  }
0x6c: {  	_ =	shalt  }
0x6d: {  	_ =	shalt  }
0x6e: {  	_ =	shalt  }
0x6f: {  	_ =	shalt  }
0x70: {  	_ =	shalt  }
0x71: {  	_ =	shalt  }
0x72: {  	_ =	shalt  }
0x73: {  	_ =	shalt  }
0x74: {  	_ =	shalt  }
0x75: {  	_ =	shalt  }
0x76: {  	_ =	shalt  }
0x77: {  	_ =	shalt  }
0x78: {  	_ =	shalt  }
0x79: {  	_ =	shalt  }
0x7a: {  	_ =	shalt  }
0x7b: {  	_ =	shalt  }
0x7c: {  	_ =	shalt  }
0x7d: {  	_ =	shalt  }
0x7e: {  	_ =	shalt  }
0x7f: {  	_ =	shalt  }
0x80: {  	_ =	shalt  }
0x81: {  	_ =	shalt  }
0x82: {  	_ =	shalt  }
0x83: {  	_ =	shalt  }
0x84: {  	_ =	shalt  }
0x85: {  	_ =	shalt  }
0x86: {  	_ =	shalt  }
0x87: {  	_ =	shalt  }
.Lfunc_end0:
.L_simem_size_0:
called_computation.2_lowered:
.L_overlay_start_0:
0x88: {  	s2 =	sld [smem:$0x3FD9]  }
0x89: {  	s3 =	sld [smem:$0x3FFE];
	_ =	sdelay $0x1  }
0x8a: {  	s1 =	srdreg.scid  }
0x8b: {  	s0 =	sand.u32 $0x1, s1  }
0x8c: {  	s17 =	sshll.u32 s0, $0xA;
	s2 =	sadd.s32 s3, s2  }
0x8d: {  	s2 =	sadd.s32 s2, s17  }
0x8e: {  	[smem:$0x3FC0] =	sst s2  }
0x8f: {  	_ = 	snop  }
0x90: {  	s2 =	sld [smem:$0x3FD0];
	(tm) =	ssettm $0x1  }
0x91: {  	s18 =	sld [smem:$0x3FFB];
	_ =	sdelay $0x3  }
0x92: {  	_ =	strace s18  }
0x93: {  	s3 =	sld [smem:$0x3FFC];
	_ =	sdelay $0x3  }
0x94: {  	_ =	strace s3  }
0x95: {  	s3 =	sld [smem:$0x3FFD];
	_ =	sdelay $0x3  }
0x96: {  	_ =	strace s3  }
0x97: {  	_ =	strace $0x8FFFFFFF  }
0x98: {  	s19 =	sld [smem:$0x3FDB];
	_ =	sdelay $0x1  }
0x99: {  	s4 =	simm.s32 $_scs_section_size  }
0x9a: {  	s5 =	simm.s32 $_size__tile_overlayer_lowered;
	s6 =	simm.s32 $_tile_overlayer_lowered  }
0x9b: {  	s22 =	simm.s32 $0x1BFF;
	s21 =	sshll.u32 s6, $0x1;
	s3 =	sadd.s32 s4, s19  }
0x9c: {  	s7 =	simm.s32 $0x0;
	s20 =	sshll.u32 s5, $0x1;
	s5 =	sadd.s32 s21, s3  }
0x9d: {  	[timem:s7], [sflag:s22] =	dma.local [hbm:s5], s20  }
0x9e: {  	_ =	swait.ge [sflag:s22], s20  }
0x9f: {  	s4 =	ssub.s32 $0x0, s20;
	[sflag:s22] =	ssyncset.done $0x0  }
0xa0: {  	[sflag:s22] =	ssyncadd.s32 s4;
	_ =	sdelay $0x1  }
0xa1: {  	s23 =	simm.s32 $0x1B8B  }
0xa2: {  	_ =	swait.ge [sflag:s23], $0x1  }
0xa3: {  	[sflag:s23] =	ssyncset.done $0x0  }
0xa4: {  	s25 =	simm.s32 $0x1B8E;
	s24 =	sld [smem:$0x3FFE];
	[sflag:s23] =	ssyncadd.s32 $0xFFFFFFFF  }
0xa5: {  	s26 =	simm.s32 $execute0_lowered;
	[smem:$0x3FD2] =	sst s25  }
0xa6: {  	s5 =	sshll.u32 s26, $0x1;
	_ =	strace $0x8000004C;
	[dreg:$0x1] =	wrdreg $0xFFFFFFFF  }
0xa7: {  	s28 =	simm.s32 $_size_execute0_lowered;
	s3 =	sadd.s32 s3, s5;
	[dreg:$0x0] =	wrdreg $0x0  }
0xa8: {  	s5 =	sshll.u32 s28, $0x1;
	[dreg:$0x2] =	wrdreg s3  }
0xa9: {  	[dreg:$0x3] =	wrdreg s5  }
0xaa: {  	[dreg:$0x4] =	wrdreg $0xC0  }
0xab: {  	_ =	task [dreg:s7], $0x5FFFF  }
0xac: {  	[dreg:$0x1] =	wrdreg $0xFFFFFFFF  }
0xad: {  	[dreg:$0x0] =	wrdreg $0x60  }
0xae: {  	[dreg:$0x2] =	wrdreg s2  }
0xaf: {  	[dreg:$0x3] =	wrdreg s24  }
0xb0: {  	[dreg:$0x4] =	wrdreg $0x20800  }
0xb1: {  	[dreg:$0x5] =	wrdreg $0x9  }
0xb2: {  	_ =	task.clear_ibuf [dreg:s7], $0x6FFFF;
	_ =	strace $0x9000004C  }
0xb3: {  	s29 =	simm.s32 $0x9;
	_ =	strace $0x8000004E  }
0xb4: {  	_ =	swait.ge [sflag:s29], $0x1  }
0xb5: {  	[sflag:s29] =	ssyncadd.s32 $0xFFFFFFFF  }
0xb6: {  	_ =	strace $0x9000004E  }
0xb7: {  	_ =	sfence  }
0xb8: {  	s30 =	sld [smem:$0x0];
	_ =	sdelay $0x2  }
0xb9: {  	s31 =	sshll.u32 s1, $0xD;
	s1 =	sshrl.u32 s1, $0x2  }
0xba: {  	s3 =	sand.u32 $0x4000, s31;
	s1 =	sadd.s32 s1, s30  }
0xbb: {  	s0 =	sor.u32 s3, s0;
	s1 =	sshll.u32 s1, $0x11  }
0xbc: {  	s0 =	sor.u32 s1, s0  }
0xbd: {  	s0 =	sadd.s32 $0x8F2B, s0  }
0xbe: {  	[sflag:s0] =	ssyncadd.remote.s32 $0x1  }
0xbf: {  	_ =	sfence.sel $0xFFFF  }
0xc0: {  	[dreg:$0x0] =	wrdreg $0xFFFFFFFF;
	(pc) =	sbr.abs _section_cstart, $3  }
0xc1: {  	[dreg:$0x1] =	wrdreg $0xFFFFFFFF  }
0xc2: {  	_ =	task.clear_ibuf [dreg:s7], $0x2FFFF;
	_ =	strace $0x9FFFFFFF  }
0xc3: {  	(tm) =	ssettm $0x7FFFFFFF  }
tec
execute0_lowered:
.L_overlay_start_1:
0x0: {  	(tag) =	ssettag $0x1  }
0x1: {  	s1 =	rddreg [dreg:$0x0]  }
0x2: {  	s9 =	rddreg [dreg:$0x1]  }
0x3: {  	s2 =	rddreg [dreg:$0x2]  }
0x4: {  	s3 =	srdreg.scid;
	s0 =	rddreg [dreg:$0x3]  }
0x5: {  	s4 =	simm.s32 $0x0;
	s15 =	simm.s32 $0x1;
	s16 =	simm.s32 $0x40  }
0x6: {  	s17 =	simm.s32 $0x80;
	s10 =	sand.u32 $0x1, s3;
	s3 =	stileid.u32  }
0x7: {  	[smem:$0x7FF] =	sst s4;
	s5 =	sadd.s32 $0x1E200, s9;
	s8 =	smul.u32 $0x1D6000, s10  }
0x8: {  	s6 =	sadd.s32 $0x14200, s9;
	s7 =	sadd.s32 $0xF200, s9;
	s11 =	smul.u32 $0x1D600, s3  }
0x9: {  	_ =	strace $0x8000004D;
	s12 =	ssub.s32 $0x2, s10;
	s13 =	smul.u32 $0x75800, s3  }
0xa: {  	s18 =	sshll.u32 s3, $0x6;
	s30 =	sshrl.u32 s12, $0x1;
	s11 =	sadd.s32 s11, s8  }
0xb: {  	s18 =	sor.u32 $0x1C01, s18;
	s8 =	smul.u32 $0x2800, s3;
	s11 =	sshrl.u32 s11, $0x3  }
0xc: {  	s31 =	sshrl.u32 s13, $0x2;
	s14 =	sadd.s32 s11, s9;
	s9 =	smul.u32 $0x28000, s10  }
0xd: {  	s11 =	ssub.s32 s12, s30;
	s10 =	smul.u32 $0xA00000, s10;
	s12 =	sadd.s32 s31, s2  }
0xe: {  	v0 =	vimm.f32 $0.0e+00;
	s11 =	smax.u32 s11, $0x1;
	s13 =	sadd.s32 $0x29E200, s14;
	s14 =	simm.s32 $0x1080  }
.LBB2_1:
0xf: {  	s19 =	simm.s32 $0x0  }
.LBB2_2:
0x10: {  	p0 =	sne.s32 s19, $0x3F00  }
.Ltmp0:
0x11: {  	s20 =	sshra.s32 s19, $0x2;
	(pc) =	sbr.rel @p0 .LBB2_2-.Ltmp0, $4  }
0x12: {  	[tilespmem:s20+$0x1080] =	vst v0  }
0x13: {  	[tilespmem:s20+$0x1090] =	vst v0  }
0x14: {  	[tilespmem:s20+$0x10A0] =	vst v0  }
0x15: {  	s19 =	sadd.s32 $0x100, s19;
	[tilespmem:s20+$0x10B0] =	vst v0  }
0x16: {  	s19 =	sadd.s32 $0x0, s12  }
0x17: {  	[spmem:s19] =	stream.linear.scatter [tilespmem:s14], [sflag:$0x1], $0xA00, $0x38;
	[tilespmem:$0x1F680] =	vst v63  }
0x18: {  	s19 =	simm.s32 $0x2800;
	_ =	swait.ge [sflag:s15], $0xA00  }
.LBB2_4:
0x19: {  	s20 =	sshra.s32 s19, $0x2;
	[sflag:s15] =	ssyncset.done $0x0;
	p0 =	sne.s32 s19, $0x73000  }
.Ltmp1:
0x1a: {  	s20 =	sadd.s32 s20, s12;
	[sflag:s15] =	ssyncadd.s32 $0xFFFFF600;
	(pc) =	sbr.rel @p0 .LBB2_4-.Ltmp1, $3  }
0x1b: {  	[spmem:s20] =	stream.linear.scatter [tilespmem:s14], [sflag:$0x1], $0xA00, $0x38;
	[tilespmem:$0x1F680] =	vst v63  }
0x1c: {  	s19 =	sadd.s32 $0x2800, s19;
	_ =	sdelay $0x1  }
0x1d: {  	_ =	swait.ge [sflag:s15], $0xA00  }
0x1e: {  	[sflag:s15] =	ssyncset.done $0x0  }
0x1f: {  	[sflag:s15] =	ssyncadd.s32 $0xFFFFF600  }
0x20: {  	s19 =	simm.s32 $0x0;
	s20 =	simm.s32 $0x0;
	[bflag:$0x0] =	sbarrier.arrive $0xFFFF  }
.LBB2_6:
0x21: {  	s21 =	sshll.u32 s20, $0x6  }
0x22: {  	s21 =	sadd.s32 s8, s21  }
0x23: {  	s22 =	sadd.s32 s9, s21  }
0x24: {  	s22 =	sshrl.u32 s22, $0x3  }
0x25: {  	s22 =	sadd.s32 s6, s22  }
0x26: {  	[tilespmem:s19], [sflag:$0x1] =	stream.linear.gather [hbm4b:s22+s19], $0x40, $0x38;
	[tilespmem:$0x1F680] =	vst v63  }
0x27: {  	_ =	swait.ge [sflag:s15], $0x40  }
0x28: {  	s31 =	sshrl.u32 s21, $0x3;
	[sflag:s15] =	ssyncset.done $0x0  }
0x29: {  	s21 =	sshll.u32 s21, $0x6;
	s22 =	sadd.s32 s7, s31;
	[sflag:s15] =	ssyncadd.s32 $0xFFFFFFC0  }
0x2a: {  	[tilespmem:s16], [sflag:$0x1] =	stream.linear.gather [hbm4b:s22+s19], $0x40, $0x38;
	[tilespmem:$0x1F680] =	vst v63  }
0x2b: {  	s21 =	sadd.s32 s10, s21;
	_ =	swait.ge [sflag:s15], $0x40  }
0x2c: {  	s21 =	sshrl.u32 s21, $0x3;
	[sflag:s15] =	ssyncset.done $0x0  }
0x2d: {  	s21 =	sadd.s32 s5, s21;
	[sflag:s15] =	ssyncadd.s32 $0xFFFFFFC0  }
0x2e: {  	[tilespmem:s14], [sflag:$0x1] =	stream.linear.gather [hbm4b:s21+s19], $0x1000, $0x38;
	[tilespmem:$0x1F680] =	vst v63  }
0x2f: {  	_ =	swait.ge [sflag:s15], $0x1000  }
0x30: {  	[sflag:s15] =	ssyncset.done $0x0  }
0x31: {  	[sflag:s15] =	ssyncadd.s32 $0xFFFFF000  }
0x32: {  	[tilespmem:s17], [sflag:$0x1] =	stream.indirect.gather [hbm4b:s1+s16], $0x40, s19, s16, $0xb8;
	[tilespmem:$0x1F680] =	vst v63  }
0x33: {  	_ =	swait.ge [sflag:s15], $0x1000  }
0x34: {  	[sflag:s15] =	ssyncset.done $0x0  }
0x35: {  	s21 =	simm.s32 $0x0;
	[sflag:s15] =	ssyncadd.s32 $0xFFFFF000  }
0x36: {  	v3 =	vld [tilespmem:s21+$0x1080]  }
0x37: {  	v4 =	vld [tilespmem:s21+$0x1090]  }
0x38: {  	v2 =	vld [tilespmem:s21+$0x10A0]  }
0x39: {  	v1 =	vld [tilespmem:s21+$0x10B0]  }
0x3a: {  	v5 =	vld [tilespmem:s21+$0x80]  }
0x3b: {  	v7 =	vld [tilespmem:s21+$0x90]  }
0x3c: {  	s22 =	simm.s32 $0x100;
	v6 =	vld [tilespmem:s21+$0xA0]  }
.LBB2_7:
0x3d: {  	p0 =	sne.s32 s22, $0x3F00;
	v8 =	vld [tilespmem:s21+$0xB0]  }
0x3e: {  	s23 =	sshra.s32 s22, $0x2  }
0x3f: {  	v5 =	vmul.f32 v3, v5;
	v3 =	vld [tilespmem:s23+$0x1080]  }
0x40: {  	v7 =	vmul.f32 v4, v7;
	v4 =	vld [tilespmem:s23+$0x1090]  }
.Ltmp2:
0x41: {  	v5 =	vmax.f32 v5, $0.0e+00;
	v6 =	vmul.f32 v2, v6;
	v2 =	vld [tilespmem:s23+$0x10A0];
	(pc) =	sbr.rel @p0 .LBB2_7-.Ltmp2, $4  }
0x42: {  	[tilespmem:s21+$0x80] =	vst v5;
	v7 =	vmax.f32 v7, $0.0e+00;
	v8 =	vmul.f32 v1, v8;
	v1 =	vld [tilespmem:s23+$0x10B0]  }
0x43: {  	v5 =	vld [tilespmem:s23+$0x80];
	[tilespmem:s21+$0x90] =	vst v7;
	v6 =	vmax.f32 v6, $0.0e+00  }
0x44: {  	v7 =	vld [tilespmem:s23+$0x90];
	[tilespmem:s21+$0xA0] =	vst v6;
	v8 =	vmax.f32 v8, $0.0e+00  }
0x45: {  	s22 =	sadd.s32 $0x100, s22;
	v6 =	vld [tilespmem:s23+$0xA0];
	[tilespmem:s21+$0xB0] =	vst v8;
	s21 =	smov.u32 s23  }
0x46: {  	v8 =	vld [tilespmem:s21+$0xB0];
	_ =	sdelay $0x1  }
0x47: {  	v3 =	vmul.f32 v3, v5  }
0x48: {  	v4 =	vmul.f32 v4, v7  }
0x49: {  	v3 =	vmax.f32 v3, $0.0e+00;
	v2 =	vmul.f32 v2, v6  }
0x4a: {  	[tilespmem:s21+$0x80] =	vst v3;
	v3 =	vmax.f32 v4, $0.0e+00;
	v1 =	vmul.f32 v1, v8  }
0x4b: {  	s20 =	sadd.s32 $0x1, s20;
	[tilespmem:s21+$0x90] =	vst v3;
	v2 =	vmax.f32 v2, $0.0e+00  }
0x4c: {  	p0 =	sne.s32 s20, $0xA0;
	[tilespmem:s21+$0xA0] =	vst v2;
	v1 =	vmax.f32 v1, $0.0e+00  }
.Ltmp3:
0x4d: {  	[tilespmem:s21+$0xB0] =	vst v1;
	(pc) =	sbr.rel @p0 .LBB2_6-.Ltmp3, $4  }
0x4e: {  	[spmem:s2] =	stream.indirect.scatter.add.f32 [tilespmem:s17], [sflag:$0x1], $0x40, s16, s16, $0xb8;
	[tilespmem:$0x1F680] =	vst v63  }
0x4f: {  	_ =	swait.ge [sflag:s15], $0x1000  }
0x50: {  	[sflag:s15] =	ssyncset.done $0x0  }
0x51: {  	[sflag:s15] =	ssyncadd.s32 $0xFFFFF000  }
0x52: {  	[bflag:$0x0] =	sbarrier.arrive $0xFFFF;
	s19 =	sadd.s32 $0x0, s13;
	s20 =	sshrl.u32 s12, $0x3  }
0x53: {  	[hbm:s19], [sflag:s18] =	dma.local [spmem:s20], $0x140  }
0x54: {  	_ =	swait.ge [sflag:s15], $0x140  }
0x55: {  	s19 =	simm.s32 $0x140;
	s20 =	sadd.s32 $0xA00, s12;
	[sflag:s15] =	ssyncset.done $0x0  }
.LBB2_10:
0x56: {  	s21 =	sadd.s32 s19, s13  }
0x57: {  	s22 =	sshrl.u32 s20, $0x3;
	[sflag:s15] =	ssyncadd.s32 $0xFFFFFEC0;
	p0 =	sne.s32 s19, $0x3980  }
0x58: {  	[hbm:s21], [sflag:s18] =	dma.local [spmem:s22], $0x140  }
.Ltmp4:
0x59: {  	_ = 	snop;
	(pc) =	sbr.rel @p0 .LBB2_10-.Ltmp4, $4  }
0x5a: {  	_ = 	snop  }
0x5b: {  	s19 =	sadd.s32 $0x140, s19  }
0x5c: {  	_ =	swait.ge [sflag:s15], $0x140  }
0x5d: {  	s20 =	sadd.s32 $0xA00, s20;
	[sflag:s15] =	ssyncset.done $0x0  }
0x5e: {  	s4 =	sadd.s32 $0x1, s4  }
0x5f: {  	p0 =	sne.s32 s4, s11  }
.Ltmp5:
0x60: {  	_ = 	snop;
	(pc) =	sbr.rel @p0 .LBB2_1-.Ltmp5, $2  }
0x61: {  	_ =	sdelay $0x2  }
0x62: {  	[sflag:s15] =	ssyncadd.s32 $0xFFFFFEC0  }
0x63: {  	_ =	sfence.sel $0x180000  }
0x64: {  	[bflag:$0x0] =	sbarrier.arrive $0xFFFF  }
0x65: {  	p0 =	sne.s32 s3, $0x0;
	_ =	strace $0x9000004D  }
0x66: {  	s0 =	sadd.s32 @!p0 $0x100000, s0;
	[bflag:$0x2] =	sbarrier.arrive $0xFFFF  }
0x67: {  	[sflag:s0] =	ssyncadd.tile.s32 @!p0 $0x1;
	_ =	shalt  }
.Lfunc_end2:
_tile_overlayer_lowered:
.L_overlay_start_2:
0x68: {  	(tag) =	ssettag $0x2  }
0x69: {  	s0 =	rddreg [dreg:$0x0];
	s2 =	stileid.u32  }
0x6a: {  	s1 =	rddreg [dreg:$0x1];
	p0 =	sne.s32 s2, $0x0  }
0x6b: {  	s3 =	rddreg [dreg:$0x2];
	[bflag:$0x3] =	sbarrier.arrive $0xFFFF;
	s2 =	simm.s32 @!p0 $0x1C01  }
0x6c: {  	[timem:s3], [sflag:s2] =	dma.local @!p0 [hbm:s0], s1  }
0x6d: {  	s0 =	simm.s32 @!p0 $0x1  }
0x6e: {  	_ =	swait.ge @!p0 [sflag:s0], s1  }
0x6f: {  	s1 =	ssub.s32 @!p0 $0x0, s1;
	[sflag:s0] =	ssyncset.done @!p0 $0x0  }
0x70: {  	[sflag:s0] =	ssyncadd.s32 @!p0 s1  }
0x71: {  	[bflag:$0x3] =	sbarrier.arrive $0xFFFF  }
0x72: {  	_ =	shalt  }

// kernel: kernel.19.cloned.1.call-start
scs
__scs_entry_jumppad:
0x0: {  	(pc) =	sbr.rel $0x88, $3  }
0x1: {  	(tag) =	ssettag $0x0;
	lr =	simm.s32 $0x1  }
0x2: {  	[smem:$0x3F99] =	sst lr;
	_ =	strace $0xD0000000  }
0x3: {  	_ = 	snop  }
0x4: {  	_ = 	snop  }
0x5: {  	_ = 	snop  }
0x6: {  	_ = 	snop  }
0x7: {  	_ = 	snop  }
__scs_overlays_trampoline_lowered:
0x8: {  	[smem:$0x3FA8] =	sst s0  }
0x9: {  	[smem:$0x3FA9] =	sst s1  }
0xa: {  	[smem:$0x3FAA] =	sst s2  }
0xb: {  	[smem:$0x3FAB] =	sst s3  }
0xc: {  	[smem:$0x3FAC] =	sst s4  }
0xd: {  	[smem:$0x3FAD] =	sst s5  }
0xe: {  	[smem:$0x3FAE] =	sst s6  }
0xf: {  	[smem:$0x3FAF] =	sst s7  }
0x10: {  	[smem:$0x3FB0] =	sst s8  }
0x11: {  	[smem:$0x3FB1] =	sst s9;
	s0 =	simm.s32 @!p0 $0x0  }
0x12: {  	s1 =	sld [smem:$0x3F97];
	s0 =	simm.s32 @p0 $0x1  }
0x13: {  	[smem:$0x3FB2] =	sst s0;
	s0 =	simm.s32 @!p1 $0x0  }
0x14: {  	s2 =	sld [smem:$0x3F96];
	s0 =	simm.s32 @p1 $0x1  }
0x15: {  	[smem:$0x3FB3] =	sst s0;
	s0 =	simm.s32 @!p2 $0x0  }
0x16: {  	s3 =	sld [smem:$0x3FDB];
	s0 =	simm.s32 @p2 $0x1  }
0x17: {  	s4 =	simm.s32 $0x1BF5;
	[smem:$0x3FB5] =	sst s0  }
0x18: {  	s0 =	sld [smem:$0x3F98];
	_ =	swait.ge [sflag:s4], $0x0  }
0x19: {  	s7 =	sld [smem:$0x3F99]  }
0x1a: {  	s8 =	sadd.s32 $0xFFFFE003, lr  }
0x1b: {  	s9 =	sadd.s32 $0xFFFFFEF7, lr;
	s5 =	simm.s32 $0xFFFFFFFF;
	p2 =	slt.u32 s8, $0xFFFFF086  }
0x1c: {  	p1 =	slt.u32 s9, $0xF7A;
	s5 =	simm.s32 @!p2 $0x0  }
0x1d: {  	s5 =	simm.s32 @p1 $0x1;
	p0 =	seq.s32 s7, s2  }
0x1e: {  	s7 =	smul.u32 @!p0 $0xF7A, s2;
	p2 =	seq.s32 @!p0 s5, $0x0  }
0x1f: {  	s9 =	smul.u32 $0xF7A, s1;
	s8 =	simm.s32 @!p0 $0x1BF5;
	p2 =	por !p2, p0  }
0x20: {  	[sflag:s8] =	ssyncset.s32 @!p0 $0xFFFFF086;
	s6 =	sadd.s32 @!p0 s3, s7;
	s7 =	simm.s32 @!p0 $0x108  }
0x21: {  	s3 =	sadd.s32 s3, s9;
	s6 =	sadd.s32 @!p0 $0x88, s6;
	s7 =	simm.s32 @p2 $0x1082  }
0x22: {  	[simem:s7], [sflag:s8] =	dma.local @!p0 [hbm:s6], $0xF7A  }
0x23: {  	s9 =	sor.u32 $0xD0000000, s2;
	s6 =	simm.s32 $0x108;
	_ =	swait.ge @!p0 [sflag:s8], $0x0  }
0x24: {  	s3 =	sadd.s32 $0x88, s3;
	s6 =	simm.s32 @!p1 $0x1082;
	[sflag:s4] =	ssyncset.s32 $0xFFFFF086  }
0x25: {  	[simem:s6], [sflag:s4] =	dma.local [hbm:s3], $0xF7A  }
0x26: {  	[smem:$0x3F99] =	sst s1;
	(tag) =	ssettag s2;
	_ =	strace s9  }
0x27: {  	s1 =	sld [smem:$0x3FA9]  }
0x28: {  	s2 =	sld [smem:$0x3FAA]  }
0x29: {  	s4 =	sld [smem:$0x3FAC]  }
0x2a: {  	p0 =	seq.s32 s5, $0x0;
	s5 =	sld [smem:$0x3FAD]  }
0x2b: {  	s6 =	sld [smem:$0x3FAE]  }
0x2c: {  	s7 =	sld [smem:$0x3FAF]  }
0x2d: {  	s3 =	simm.s32 $0x108;
	s8 =	sld [smem:$0x3FB0]  }
0x2e: {  	s3 =	simm.s32 @!p0 $0x1082;
	s9 =	sld [smem:$0x3FB1]  }
0x2f: {  	lr =	sadd.s32 s0, s3;
	s0 =	sld [smem:$0x3FA8]  }
0x30: {  	s3 =	sld [smem:$0x3FAB]  }
0x31: {  	[smem:$0x3FB4] =	sst s10  }
0x32: {  	s10 =	sld [smem:$0x3FB2];
	_ =	sdelay $0x3  }
0x33: {  	p0 =	seq.s32 s10, $0x1;
	s10 =	sld [smem:$0x3FB4];
	_ =	sdelay $0x3  }
0x34: {  	[smem:$0x3FB4] =	sst s10  }
0x35: {  	s10 =	sld [smem:$0x3FB3];
	_ =	sdelay $0x3  }
0x36: {  	p1 =	seq.s32 s10, $0x1;
	s10 =	sld [smem:$0x3FB4];
	_ =	sdelay $0x3  }
0x37: {  	[smem:$0x3FB4] =	sst s10  }
0x38: {  	s10 =	sld [smem:$0x3FB5]  }
0x39: {  	_ = 	snop;
	(pc) =	sbr.ind lr, $3  }
0x3a: {  	_ = 	snop  }
0x3b: {  	_ = 	snop  }
0x3c: {  	p2 =	seq.s32 s10, $0x1;
	s10 =	sld [smem:$0x3FB4]  }
0x3d: {  	_ =	shalt  }
0x3e: {  	_ =	shalt  }
0x3f: {  	_ =	shalt  }
0x40: {  	_ =	shalt  }
0x41: {  	_ =	shalt  }
0x42: {  	_ =	shalt  }
0x43: {  	_ =	shalt  }
0x44: {  	_ =	shalt  }
0x45: {  	_ =	shalt  }
0x46: {  	_ =	shalt  }
0x47: {  	_ =	shalt  }
0x48: {  	_ =	shalt  }
0x49: {  	_ =	shalt  }
0x4a: {  	_ =	shalt  }
0x4b: {  	_ =	shalt  }
0x4c: {  	_ =	shalt  }
0x4d: {  	_ =	shalt  }
0x4e: {  	_ =	shalt  }
0x4f: {  	_ =	shalt  }
0x50: {  	_ =	shalt  }
0x51: {  	_ =	shalt  }
0x52: {  	_ =	shalt  }
0x53: {  	_ =	shalt  }
0x54: {  	_ =	shalt  }
0x55: {  	_ =	shalt  }
0x56: {  	_ =	shalt  }
0x57: {  	_ =	shalt  }
0x58: {  	_ =	shalt  }
0x59: {  	_ =	shalt  }
0x5a: {  	_ =	shalt  }
0x5b: {  	_ =	shalt  }
0x5c: {  	_ =	shalt  }
0x5d: {  	_ =	shalt  }
0x5e: {  	_ =	shalt  }
0x5f: {  	_ =	shalt  }
0x60: {  	_ =	shalt  }
0x61: {  	_ =	shalt  }
0x62: {  	_ =	shalt  }
0x63: {  	_ =	shalt  }
0x64: {  	_ =	shalt  }
0x65: {  	_ =	shalt  }
0x66: {  	_ =	shalt  }
0x67: {  	_ =	shalt  }
0x68: {  	_ =	shalt  }
0x69: {  	_ =	shalt  }
0x6a: {  	_ =	shalt  }
0x6b: {  	_ =	shalt  }
0x6c: {  	_ =	shalt  }
0x6d: {  	_ =	shalt  }
0x6e: {  	_ =	shalt  }
0x6f: {  	_ =	shalt  }
0x70: {  	_ =	shalt  }
0x71: {  	_ =	shalt  }
0x72: {  	_ =	shalt  }
0x73: {  	_ =	shalt  }
0x74: {  	_ =	shalt  }
0x75: {  	_ =	shalt  }
0x76: {  	_ =	shalt  }
0x77: {  	_ =	shalt  }
0x78: {  	_ =	shalt  }
0x79: {  	_ =	shalt  }
0x7a: {  	_ =	shalt  }
0x7b: {  	_ =	shalt  }
0x7c: {  	_ =	shalt  }
0x7d: {  	_ =	shalt  }
0x7e: {  	_ =	shalt  }
0x7f: {  	_ =	shalt  }
0x80: {  	_ =	shalt  }
0x81: {  	_ =	shalt  }
0x82: {  	_ =	shalt  }
0x83: {  	_ =	shalt  }
0x84: {  	_ =	shalt  }
0x85: {  	_ =	shalt  }
0x86: {  	_ =	shalt  }
0x87: {  	_ =	shalt  }
.Lfunc_end0:
.L_simem_size_0:
called_computation.3_lowered:
.L_overlay_start_0:
0x88: {  	s2 =	sld [smem:$0x3FD9]  }
0x89: {  	s3 =	sld [smem:$0x3FFE];
	_ =	sdelay $0x1  }
0x8a: {  	s1 =	srdreg.scid  }
0x8b: {  	s0 =	sand.u32 $0x1, s1  }
0x8c: {  	s17 =	sshll.u32 s0, $0xA;
	s2 =	sadd.s32 s3, s2  }
0x8d: {  	s2 =	sadd.s32 s2, s17  }
0x8e: {  	[smem:$0x3FC0] =	sst s2  }
0x8f: {  	_ = 	snop  }
0x90: {  	s2 =	sld [smem:$0x3FD0];
	(tm) =	ssettm $0x1  }
0x91: {  	s18 =	sld [smem:$0x3FFB];
	_ =	sdelay $0x3  }
0x92: {  	_ =	strace s18  }
0x93: {  	s3 =	sld [smem:$0x3FFC];
	_ =	sdelay $0x3  }
0x94: {  	_ =	strace s3  }
0x95: {  	s3 =	sld [smem:$0x3FFD];
	_ =	sdelay $0x3  }
0x96: {  	_ =	strace s3  }
0x97: {  	_ =	strace $0x8FFFFFFF  }
0x98: {  	s19 =	sld [smem:$0x3FDB];
	_ =	sdelay $0x1  }
0x99: {  	s4 =	simm.s32 $_scs_section_size  }
0x9a: {  	s5 =	simm.s32 $_size__tile_overlayer_lowered;
	s6 =	simm.s32 $_tile_overlayer_lowered  }
0x9b: {  	s22 =	simm.s32 $0x1BFF;
	s21 =	sshll.u32 s6, $0x1;
	s3 =	sadd.s32 s4, s19  }
0x9c: {  	s7 =	simm.s32 $0x0;
	s20 =	sshll.u32 s5, $0x1;
	s5 =	sadd.s32 s21, s3  }
0x9d: {  	[timem:s7], [sflag:s22] =	dma.local [hbm:s5], s20  }
0x9e: {  	_ =	swait.ge [sflag:s22], s20  }
0x9f: {  	s4 =	ssub.s32 $0x0, s20;
	[sflag:s22] =	ssyncset.done $0x0  }
0xa0: {  	[sflag:s22] =	ssyncadd.s32 s4;
	_ =	sdelay $0x1  }
0xa1: {  	s23 =	simm.s32 $0x1B8B  }
0xa2: {  	_ =	swait.ge [sflag:s23], $0x1  }
0xa3: {  	[sflag:s23] =	ssyncset.done $0x0  }
0xa4: {  	s25 =	simm.s32 $0x1B8E;
	s24 =	sld [smem:$0x3FFE];
	[sflag:s23] =	ssyncadd.s32 $0xFFFFFFFF  }
0xa5: {  	s26 =	simm.s32 $execute0_lowered;
	[smem:$0x3FD2] =	sst s25  }
0xa6: {  	s5 =	sshll.u32 s26, $0x1;
	_ =	strace $0x8000004F;
	[dreg:$0x1] =	wrdreg $0xFFFFFFFF  }
0xa7: {  	s28 =	simm.s32 $_size_execute0_lowered;
	s3 =	sadd.s32 s3, s5;
	[dreg:$0x0] =	wrdreg $0x0  }
0xa8: {  	s5 =	sshll.u32 s28, $0x1;
	[dreg:$0x2] =	wrdreg s3  }
0xa9: {  	[dreg:$0x3] =	wrdreg s5  }
0xaa: {  	[dreg:$0x4] =	wrdreg $0xC0  }
0xab: {  	_ =	task [dreg:s7], $0x5FFFF  }
0xac: {  	[dreg:$0x1] =	wrdreg $0xFFFFFFFF  }
0xad: {  	[dreg:$0x0] =	wrdreg $0x60  }
0xae: {  	[dreg:$0x2] =	wrdreg s2  }
0xaf: {  	[dreg:$0x3] =	wrdreg s24  }
0xb0: {  	[dreg:$0x4] =	wrdreg $0x20800  }
0xb1: {  	[dreg:$0x5] =	wrdreg $0x9  }
0xb2: {  	_ =	task.clear_ibuf [dreg:s7], $0x6FFFF;
	_ =	strace $0x9000004F  }
0xb3: {  	s29 =	simm.s32 $0x9;
	_ =	strace $0x80000051  }
0xb4: {  	_ =	swait.ge [sflag:s29], $0x1  }
0xb5: {  	[sflag:s29] =	ssyncadd.s32 $0xFFFFFFFF  }
0xb6: {  	_ =	strace $0x90000051  }
0xb7: {  	_ =	sfence  }
0xb8: {  	s30 =	sld [smem:$0x0];
	_ =	sdelay $0x2  }
0xb9: {  	s31 =	sshll.u32 s1, $0xD;
	s1 =	sshrl.u32 s1, $0x2  }
0xba: {  	s3 =	sand.u32 $0x4000, s31;
	s1 =	sadd.s32 s1, s30  }
0xbb: {  	s0 =	sor.u32 s3, s0;
	s1 =	sshll.u32 s1, $0x11  }
0xbc: {  	s0 =	sor.u32 s1, s0  }
0xbd: {  	s0 =	sadd.s32 $0x8F2B, s0  }
0xbe: {  	[sflag:s0] =	ssyncadd.remote.s32 $0x1  }
0xbf: {  	_ =	sfence.sel $0xFFFF  }
0xc0: {  	[dreg:$0x0] =	wrdreg $0xFFFFFFFF;
	(pc) =	sbr.abs _section_cstart, $3  }
0xc1: {  	[dreg:$0x1] =	wrdreg $0xFFFFFFFF  }
0xc2: {  	_ =	task.clear_ibuf [dreg:s7], $0x2FFFF;
	_ =	strace $0x9FFFFFFF  }
0xc3: {  	(tm) =	ssettm $0x7FFFFFFF  }
tec
execute0_lowered:
.L_overlay_start_1:
0x0: {  	(tag) =	ssettag $0x1  }
0x1: {  	s1 =	rddreg [dreg:$0x0]  }
0x2: {  	s9 =	rddreg [dreg:$0x1]  }
0x3: {  	s2 =	rddreg [dreg:$0x2]  }
0x4: {  	s3 =	srdreg.scid;
	s0 =	rddreg [dreg:$0x3]  }
0x5: {  	s4 =	simm.s32 $0x0;
	s15 =	simm.s32 $0x1;
	s16 =	simm.s32 $0x40  }
0x6: {  	s17 =	simm.s32 $0x80;
	s10 =	sand.u32 $0x1, s3;
	s3 =	stileid.u32  }
0x7: {  	[smem:$0x7FF] =	sst s4;
	s5 =	sadd.s32 $0x1E200, s9;
	s8 =	smul.u32 $0x1D6000, s10  }
0x8: {  	s6 =	sadd.s32 $0x14200, s9;
	s7 =	sadd.s32 $0xF200, s9;
	s11 =	smul.u32 $0x1D600, s3  }
0x9: {  	_ =	strace $0x80000050;
	s12 =	ssub.s32 $0x2, s10;
	s13 =	smul.u32 $0x75800, s3  }
0xa: {  	s18 =	sshll.u32 s3, $0x6;
	s30 =	sshrl.u32 s12, $0x1;
	s11 =	sadd.s32 s11, s8  }
0xb: {  	s18 =	sor.u32 $0x1C01, s18;
	s8 =	smul.u32 $0x2800, s3;
	s11 =	sshrl.u32 s11, $0x3  }
0xc: {  	s31 =	sshrl.u32 s13, $0x2;
	s14 =	sadd.s32 s11, s9;
	s9 =	smul.u32 $0x28000, s10  }
0xd: {  	s11 =	ssub.s32 s12, s30;
	s10 =	smul.u32 $0xA00000, s10;
	s12 =	sadd.s32 s31, s2  }
0xe: {  	v0 =	vimm.f32 $0.0e+00;
	s11 =	smax.u32 s11, $0x1;
	s13 =	sadd.s32 $0x29E200, s14;
	s14 =	simm.s32 $0x1080  }
.LBB2_1:
0xf: {  	s19 =	simm.s32 $0x0  }
.LBB2_2:
0x10: {  	p0 =	sne.s32 s19, $0x3F00  }
.Ltmp0:
0x11: {  	s20 =	sshra.s32 s19, $0x2;
	(pc) =	sbr.rel @p0 .LBB2_2-.Ltmp0, $4  }
0x12: {  	[tilespmem:s20+$0x1080] =	vst v0  }
0x13: {  	[tilespmem:s20+$0x1090] =	vst v0  }
0x14: {  	[tilespmem:s20+$0x10A0] =	vst v0  }
0x15: {  	s19 =	sadd.s32 $0x100, s19;
	[tilespmem:s20+$0x10B0] =	vst v0  }
0x16: {  	s19 =	sadd.s32 $0x0, s12  }
0x17: {  	[spmem:s19] =	stream.linear.scatter [tilespmem:s14], [sflag:$0x1], $0xA00, $0x38;
	[tilespmem:$0x1F680] =	vst v63  }
0x18: {  	s19 =	simm.s32 $0x2800;
	_ =	swait.ge [sflag:s15], $0xA00  }
.LBB2_4:
0x19: {  	s20 =	sshra.s32 s19, $0x2;
	[sflag:s15] =	ssyncset.done $0x0;
	p0 =	sne.s32 s19, $0x73000  }
.Ltmp1:
0x1a: {  	s20 =	sadd.s32 s20, s12;
	[sflag:s15] =	ssyncadd.s32 $0xFFFFF600;
	(pc) =	sbr.rel @p0 .LBB2_4-.Ltmp1, $3  }
0x1b: {  	[spmem:s20] =	stream.linear.scatter [tilespmem:s14], [sflag:$0x1], $0xA00, $0x38;
	[tilespmem:$0x1F680] =	vst v63  }
0x1c: {  	s19 =	sadd.s32 $0x2800, s19;
	_ =	sdelay $0x1  }
0x1d: {  	_ =	swait.ge [sflag:s15], $0xA00  }
0x1e: {  	[sflag:s15] =	ssyncset.done $0x0  }
0x1f: {  	[sflag:s15] =	ssyncadd.s32 $0xFFFFF600  }
0x20: {  	s19 =	simm.s32 $0x0;
	s20 =	simm.s32 $0x0;
	[bflag:$0x0] =	sbarrier.arrive $0xFFFF  }
.LBB2_6:
0x21: {  	s21 =	sshll.u32 s20, $0x6  }
0x22: {  	s21 =	sadd.s32 s8, s21  }
0x23: {  	s22 =	sadd.s32 s9, s21  }
0x24: {  	s22 =	sshrl.u32 s22, $0x3  }
0x25: {  	s22 =	sadd.s32 s6, s22  }
0x26: {  	[tilespmem:s19], [sflag:$0x1] =	stream.linear.gather [hbm4b:s22+s19], $0x40, $0x38;
	[tilespmem:$0x1F680] =	vst v63  }
0x27: {  	_ =	swait.ge [sflag:s15], $0x40  }
0x28: {  	s31 =	sshrl.u32 s21, $0x3;
	[sflag:s15] =	ssyncset.done $0x0  }
0x29: {  	s21 =	sshll.u32 s21, $0x6;
	s22 =	sadd.s32 s7, s31;
	[sflag:s15] =	ssyncadd.s32 $0xFFFFFFC0  }
0x2a: {  	[tilespmem:s16], [sflag:$0x1] =	stream.linear.gather [hbm4b:s22+s19], $0x40, $0x38;
	[tilespmem:$0x1F680] =	vst v63  }
0x2b: {  	s21 =	sadd.s32 s10, s21;
	_ =	swait.ge [sflag:s15], $0x40  }
0x2c: {  	s21 =	sshrl.u32 s21, $0x3;
	[sflag:s15] =	ssyncset.done $0x0  }
0x2d: {  	s21 =	sadd.s32 s5, s21;
	[sflag:s15] =	ssyncadd.s32 $0xFFFFFFC0  }
0x2e: {  	[tilespmem:s14], [sflag:$0x1] =	stream.linear.gather [hbm4b:s21+s19], $0x1000, $0x38;
	[tilespmem:$0x1F680] =	vst v63  }
0x2f: {  	_ =	swait.ge [sflag:s15], $0x1000  }
0x30: {  	[sflag:s15] =	ssyncset.done $0x0  }
0x31: {  	[sflag:s15] =	ssyncadd.s32 $0xFFFFF000  }
0x32: {  	[tilespmem:s17], [sflag:$0x1] =	stream.indirect.gather [hbm4b:s1+s16], $0x40, s19, s16, $0xb8;
	[tilespmem:$0x1F680] =	vst v63  }
0x33: {  	_ =	swait.ge [sflag:s15], $0x1000  }
0x34: {  	[sflag:s15] =	ssyncset.done $0x0  }
0x35: {  	s21 =	simm.s32 $0x0;
	[sflag:s15] =	ssyncadd.s32 $0xFFFFF000  }
0x36: {  	v3 =	vld [tilespmem:s21+$0x1080]  }
0x37: {  	v4 =	vld [tilespmem:s21+$0x1090]  }
0x38: {  	v2 =	vld [tilespmem:s21+$0x10A0]  }
0x39: {  	v1 =	vld [tilespmem:s21+$0x10B0]  }
0x3a: {  	v5 =	vld [tilespmem:s21+$0x80]  }
0x3b: {  	v7 =	vld [tilespmem:s21+$0x90]  }
0x3c: {  	s22 =	simm.s32 $0x100;
	v6 =	vld [tilespmem:s21+$0xA0]  }
.LBB2_7:
0x3d: {  	p0 =	sne.s32 s22, $0x3F00;
	v8 =	vld [tilespmem:s21+$0xB0]  }
0x3e: {  	s23 =	sshra.s32 s22, $0x2  }
0x3f: {  	v5 =	vmul.f32 v3, v5;
	v3 =	vld [tilespmem:s23+$0x1080]  }
0x40: {  	v7 =	vmul.f32 v4, v7;
	v4 =	vld [tilespmem:s23+$0x1090]  }
.Ltmp2:
0x41: {  	v5 =	vmax.f32 v5, $0.0e+00;
	v6 =	vmul.f32 v2, v6;
	v2 =	vld [tilespmem:s23+$0x10A0];
	(pc) =	sbr.rel @p0 .LBB2_7-.Ltmp2, $4  }
0x42: {  	[tilespmem:s21+$0x80] =	vst v5;
	v7 =	vmax.f32 v7, $0.0e+00;
	v8 =	vmul.f32 v1, v8;
	v1 =	vld [tilespmem:s23+$0x10B0]  }
0x43: {  	v5 =	vld [tilespmem:s23+$0x80];
	[tilespmem:s21+$0x90] =	vst v7;
	v6 =	vmax.f32 v6, $0.0e+00  }
0x44: {  	v7 =	vld [tilespmem:s23+$0x90];
	[tilespmem:s21+$0xA0] =	vst v6;
	v8 =	vmax.f32 v8, $0.0e+00  }
0x45: {  	s22 =	sadd.s32 $0x100, s22;
	v6 =	vld [tilespmem:s23+$0xA0];
	[tilespmem:s21+$0xB0] =	vst v8;
	s21 =	smov.u32 s23  }
0x46: {  	v8 =	vld [tilespmem:s21+$0xB0];
	_ =	sdelay $0x1  }
0x47: {  	v3 =	vmul.f32 v3, v5  }
0x48: {  	v4 =	vmul.f32 v4, v7  }
0x49: {  	v3 =	vmax.f32 v3, $0.0e+00;
	v2 =	vmul.f32 v2, v6  }
0x4a: {  	[tilespmem:s21+$0x80] =	vst v3;
	v3 =	vmax.f32 v4, $0.0e+00;
	v1 =	vmul.f32 v1, v8  }
0x4b: {  	s20 =	sadd.s32 $0x1, s20;
	[tilespmem:s21+$0x90] =	vst v3;
	v2 =	vmax.f32 v2, $0.0e+00  }
0x4c: {  	p0 =	sne.s32 s20, $0xA0;
	[tilespmem:s21+$0xA0] =	vst v2;
	v1 =	vmax.f32 v1, $0.0e+00  }
.Ltmp3:
0x4d: {  	[tilespmem:s21+$0xB0] =	vst v1;
	(pc) =	sbr.rel @p0 .LBB2_6-.Ltmp3, $4  }
0x4e: {  	[spmem:s2] =	stream.indirect.scatter.add.f32 [tilespmem:s17], [sflag:$0x1], $0x40, s16, s16, $0xb8;
	[tilespmem:$0x1F680] =	vst v63  }
0x4f: {  	_ =	swait.ge [sflag:s15], $0x1000  }
0x50: {  	[sflag:s15] =	ssyncset.done $0x0  }
0x51: {  	[sflag:s15] =	ssyncadd.s32 $0xFFFFF000  }
0x52: {  	[bflag:$0x0] =	sbarrier.arrive $0xFFFF;
	s19 =	sadd.s32 $0x0, s13;
	s20 =	sshrl.u32 s12, $0x3  }
0x53: {  	[hbm:s19], [sflag:s18] =	dma.local [spmem:s20], $0x140  }
0x54: {  	_ =	swait.ge [sflag:s15], $0x140  }
0x55: {  	s19 =	simm.s32 $0x140;
	s20 =	sadd.s32 $0xA00, s12;
	[sflag:s15] =	ssyncset.done $0x0  }
.LBB2_10:
0x56: {  	s21 =	sadd.s32 s19, s13  }
0x57: {  	s22 =	sshrl.u32 s20, $0x3;
	[sflag:s15] =	ssyncadd.s32 $0xFFFFFEC0;
	p0 =	sne.s32 s19, $0x3980  }
0x58: {  	[hbm:s21], [sflag:s18] =	dma.local [spmem:s22], $0x140  }
.Ltmp4:
0x59: {  	_ = 	snop;
	(pc) =	sbr.rel @p0 .LBB2_10-.Ltmp4, $4  }
0x5a: {  	_ = 	snop  }
0x5b: {  	s19 =	sadd.s32 $0x140, s19  }
0x5c: {  	_ =	swait.ge [sflag:s15], $0x140  }
0x5d: {  	s20 =	sadd.s32 $0xA00, s20;
	[sflag:s15] =	ssyncset.done $0x0  }
0x5e: {  	s4 =	sadd.s32 $0x1, s4  }
0x5f: {  	p0 =	sne.s32 s4, s11  }
.Ltmp5:
0x60: {  	_ = 	snop;
	(pc) =	sbr.rel @p0 .LBB2_1-.Ltmp5, $2  }
0x61: {  	_ =	sdelay $0x2  }
0x62: {  	[sflag:s15] =	ssyncadd.s32 $0xFFFFFEC0  }
0x63: {  	_ =	sfence.sel $0x180000  }
0x64: {  	[bflag:$0x0] =	sbarrier.arrive $0xFFFF  }
0x65: {  	p0 =	sne.s32 s3, $0x0;
	_ =	strace $0x90000050  }
0x66: {  	s0 =	sadd.s32 @!p0 $0x100000, s0;
	[bflag:$0x2] =	sbarrier.arrive $0xFFFF  }
0x67: {  	[sflag:s0] =	ssyncadd.tile.s32 @!p0 $0x1;
	_ =	shalt  }
.Lfunc_end2:
_tile_overlayer_lowered:
.L_overlay_start_2:
0x68: {  	(tag) =	ssettag $0x2  }
0x69: {  	s0 =	rddreg [dreg:$0x0];
	s2 =	stileid.u32  }
0x6a: {  	s1 =	rddreg [dreg:$0x1];
	p0 =	sne.s32 s2, $0x0  }
0x6b: {  	s3 =	rddreg [dreg:$0x2];
	[bflag:$0x3] =	sbarrier.arrive $0xFFFF;
	s2 =	simm.s32 @!p0 $0x1C01  }
0x6c: {  	[timem:s3], [sflag:s2] =	dma.local @!p0 [hbm:s0], s1  }
0x6d: {  	s0 =	simm.s32 @!p0 $0x1  }
0x6e: {  	_ =	swait.ge @!p0 [sflag:s0], s1  }
0x6f: {  	s1 =	ssub.s32 @!p0 $0x0, s1;
	[sflag:s0] =	ssyncset.done @!p0 $0x0  }
0x70: {  	[sflag:s0] =	ssyncadd.s32 @!p0 s1  }
0x71: {  	[bflag:$0x3] =	sbarrier.arrive $0xFFFF  }
0x72: {  	_ =	shalt  }

</sc_bundles>
